<compile_context>
chip_gen: v7x
topology: tpu7x:2x2x1
jax: 0.10.2.dev20260603
libtpu: 0.0.44.dev20260713+nightly
codegen_flags: <defaults>
</compile_context>

<pallas_src>
import functools

import jax
import jax.numpy as jnp
from jax import lax
from jax.experimental import pallas as pl
from jax.experimental.pallas import tpu as pltpu
from jax.experimental.pallas import tpu_sc as plsc

N = 10000
E = 320000
D = 128

NC = 2
NS = 16
NW = NC * NS

B = 128
S = 80
EPW = S * B
E_PAD = NW * EPW
TOTAL_S = E_PAD // B
PER_S = TOTAL_S // NS

K0 = 120
K1 = PER_S - K0
SB_C = 8

RPT = 640
N_PAD = NS * RPT


def _sc_scatter_body(h_hbm, src_hbm, dst_hbm, zrows_hbm, out_hbm,
                     srcv, dstv, buf_a, buf_b, sem_a, sem_b, agg_sh):
    c = lax.axis_index("c")
    s = lax.axis_index("s")
    start = s * PER_S + c * K0
    n_chunks = (K0 + c * (K1 - K0)) // SB_C

    pltpu.sync_copy(zrows_hbm, agg_sh.at[pl.ds(s * RPT, RPT)])

    plsc.subcore_barrier()

    def chunk(ci, carry):
        base = start + ci * SB_C
        pltpu.sync_copy(src_hbm.at[pl.ds(base, SB_C)], srcv)
        pltpu.sync_copy(dst_hbm.at[pl.ds(base, SB_C)], dstv)
        pltpu.async_copy(h_hbm.at[srcv.at[0]], buf_a, sem_a)

        def step(k, c2):
            j = 2 * k
            pltpu.make_async_copy(h_hbm.at[srcv.at[j]], buf_a, sem_a).wait()
            pltpu.async_copy(h_hbm.at[srcv.at[j + 1]], buf_b, sem_b)
            pltpu.sync_copy(buf_a, agg_sh.at[dstv.at[j]], add=True)
            pltpu.make_async_copy(h_hbm.at[srcv.at[j + 1]], buf_b, sem_b).wait()
            j2 = jnp.minimum(j + 2, SB_C - 1)
            pltpu.async_copy(h_hbm.at[srcv.at[j2]], buf_a, sem_a)
            pltpu.sync_copy(buf_b, agg_sh.at[dstv.at[j + 1]], add=True)
            return c2

        lax.fori_loop(0, SB_C // 2, step, 0)
        pltpu.make_async_copy(h_hbm.at[srcv.at[SB_C - 1]], buf_a, sem_a).wait()
        return carry

    lax.fori_loop(0, n_chunks, chunk, 0)

    plsc.subcore_barrier()

    rows = pl.ds(s * RPT, RPT)
    pltpu.sync_copy(agg_sh.at[rows], out_hbm.at[c, rows])


def _make_sc_scatter():
    mesh = plsc.VectorSubcoreMesh(core_axis_name="c", subcore_axis_name="s")
    return pl.kernel(
        _sc_scatter_body,
        out_type=[jax.ShapeDtypeStruct((NC, N_PAD, D), jnp.float32)],
        mesh=mesh,
        scratch_types=[
            pltpu.VMEM((SB_C, B), jnp.int32),
            pltpu.VMEM((SB_C, B), jnp.int32),
            pltpu.VMEM((B, D), jnp.float32),
            pltpu.VMEM((B, D), jnp.float32),
            pltpu.SemaphoreType.DMA,
            pltpu.SemaphoreType.DMA,
            pltpu.VMEM_SHARED((N_PAD, D), jnp.float32),
        ],
    )


def _sc_degree_body(dst_hbm, zrows_hbm, ones_hbm, deg_hbm,
                    dstv, ones_v, deg_sh):
    c = lax.axis_index("c")
    s = lax.axis_index("s")
    w = s * NC + c

    pltpu.sync_copy(dst_hbm.at[w], dstv)
    pltpu.sync_copy(zrows_hbm, deg_sh.at[pl.ds(s * RPT, RPT)])
    pltpu.sync_copy(ones_hbm, ones_v)

    plsc.subcore_barrier()

    def step(j, carry):
        pltpu.sync_copy(ones_v, deg_sh.at[dstv.at[j]], add=True)
        return carry

    lax.fori_loop(0, S, step, 0)

    plsc.subcore_barrier()

    rows = pl.ds(s * RPT, RPT)
    pltpu.sync_copy(deg_sh.at[rows], deg_hbm.at[c, rows])


def _make_sc_degree():
    mesh = plsc.VectorSubcoreMesh(core_axis_name="c", subcore_axis_name="s")
    return pl.kernel(
        _sc_degree_body,
        out_type=[jax.ShapeDtypeStruct((NC, N_PAD, D), jnp.float32)],
        mesh=mesh,
        scratch_types=[
            pltpu.VMEM((S, B), jnp.int32),
            pltpu.VMEM((B, D), jnp.float32),
            pltpu.VMEM_SHARED((N_PAD, D), jnp.float32),
        ],
    )


def _leaky(h):
    return jnp.where(h >= 0, h, 0.1 * h)


def _tc_dense_body(with_act, p_ref, d_ref, h_ref, Wl_ref, Wr_ref, b_ref,
                   LW_ref, lb_ref, o_ref):
    deg = d_ref[0, :, 0:1] + d_ref[1, :, 0:1]
    agg = (p_ref[0] + p_ref[1]) / jnp.maximum(deg, 1.0)
    t = (jnp.dot(agg, Wl_ref[...], preferred_element_type=jnp.float32)
         + b_ref[...]
         + jnp.dot(h_ref[...], Wr_ref[...], preferred_element_type=jnp.float32))
    if with_act:
        t = _leaky(t)
    t = jnp.dot(t, LW_ref[...], preferred_element_type=jnp.float32) + lb_ref[...]
    if with_act:
        t = _leaky(t)
    o_ref[...] = t


def _make_tc_dense(with_act, BN=1000):
    grid = (N // BN,)
    return pl.pallas_call(
        functools.partial(_tc_dense_body, with_act),
        grid=grid,
        in_specs=[
            pl.BlockSpec((NC, BN, D), lambda i: (0, i, 0)),
            pl.BlockSpec((NC, BN, D), lambda i: (0, i, 0)),
            pl.BlockSpec((BN, D), lambda i: (i, 0)),
            pl.BlockSpec((D, D), lambda i: (0, 0)),
            pl.BlockSpec((D, D), lambda i: (0, 0)),
            pl.BlockSpec((1, D), lambda i: (0, 0)),
            pl.BlockSpec((D, D), lambda i: (0, 0)),
            pl.BlockSpec((1, D), lambda i: (0, 0)),
        ],
        out_specs=pl.BlockSpec((BN, D), lambda i: (i, 0)),
        out_shape=jax.ShapeDtypeStruct((N, D), jnp.float32),
    )


_sc_scatter = _make_sc_scatter()
_sc_degree = _make_sc_degree()
_tc_dense_act = _make_tc_dense(True)
_tc_dense_noact = _make_tc_dense(False)


def kernel(x, edge_index,
           conv_Wl0, conv_Wr0, conv_b0, lin_W0, lin_b0,
           conv_Wl1, conv_Wr1, conv_b1, lin_W1, lin_b1,
           conv_Wl2, conv_Wr2, conv_b2, lin_W2, lin_b2):
    src = edge_index[0]
    dst = edge_index[1]
    npad = E_PAD - E
    src_pad = jnp.concatenate([src, jnp.zeros((npad,), jnp.int32)])
    dst_pad = jnp.concatenate([dst, jnp.full((npad,), N_PAD - 1, jnp.int32)])
    src_steps = src_pad.reshape(TOTAL_S, B)
    dst_steps = dst_pad.reshape(TOTAL_S, B)
    dst_slabs = dst_pad.reshape(NW, S, B)

    zrows = jnp.zeros((RPT, D), jnp.float32)
    ones = jnp.ones((B, D), jnp.float32)

    b0 = conv_b0.reshape(1, D)
    b1 = conv_b1.reshape(1, D)
    b2 = conv_b2.reshape(1, D)
    lb0 = lin_b0.reshape(1, D)
    lb1 = lin_b1.reshape(1, D)
    lb2 = lin_b2.reshape(1, D)

    (degp,) = _sc_degree(dst_slabs, zrows, ones)
    (p0,) = _sc_scatter(x, src_steps, dst_steps, zrows)
    h1 = _tc_dense_act(p0, degp, x, conv_Wl0, conv_Wr0, b0, lin_W0, lb0)
    (p1,) = _sc_scatter(h1, src_steps, dst_steps, zrows)
    h2 = _tc_dense_act(p1, degp, h1, conv_Wl1, conv_Wr1, b1, lin_W1, lb1)
    (p2,) = _sc_scatter(h2, src_steps, dst_steps, zrows)
    out = _tc_dense_noact(p2, degp, h2, conv_Wl2, conv_Wr2, b2, lin_W2, lb2)
    return out

# --- scband reference (transcript-rebuilt; emitter-appended) ---
"""Pipeline reference for scband-sage-13743895347603 (READ-ONLY COPY).

The authoritative reference and input builder live on the scoring server;
editing this copy changes nothing except your own understanding.
"""

import jax, jax.numpy as jnp
import numpy as np

N = 10000
E = 320000
D = 128
H = 128
O = 128


def _init_w(key, fan_in, fan_out):
    return jax.random.normal(key, (fan_in, fan_out), dtype=jnp.float32) / np.sqrt(fan_in)


def setup_inputs(seed: int = 0) -> dict:
    key = jax.random.key(seed)
    ks = jax.random.split(key, 20)
    inp = {}
    inp["x"] = jax.random.normal(ks[0], (N, D), dtype=jnp.float32)
    inp["edge_index"] = jax.random.randint(ks[1], (2, E), 0, N, dtype=jnp.int32)
    dims = [(D, H), (H, H), (H, H)]
    lin_dims = [(H, H), (H, H), (H, O)]
    k = 2
    for i in range(3):
        fi, fo = dims[i]
        inp[f"conv_Wl{i}"] = _init_w(ks[k], fi, fo); k += 1
        inp[f"conv_Wr{i}"] = _init_w(ks[k], fi, fo); k += 1
        inp[f"conv_b{i}"] = jnp.zeros((fo,), dtype=jnp.float32)
        li, lo = lin_dims[i]
        inp[f"lin_W{i}"] = _init_w(ks[k], li, lo); k += 1
        inp[f"lin_b{i}"] = jnp.zeros((lo,), dtype=jnp.float32)
    return inp


def _sage_conv(x, edge_index, Wl, Wr, b):
    src = edge_index[0]
    dst = edge_index[1]
    msg = jnp.take(x, src, axis=0)
    agg = jax.ops.segment_sum(msg, dst, num_segments=x.shape[0])
    deg = jax.ops.segment_sum(jnp.ones((edge_index.shape[1],), x.dtype), dst, num_segments=x.shape[0])
    agg = agg / jnp.clip(deg, 1.0)[:, None]
    return agg @ Wl + b + x @ Wr


def _leaky(h):
    return jnp.where(h >= 0, h, 0.1 * h)


def reference(x, edge_index,
              conv_Wl0, conv_Wr0, conv_b0, lin_W0, lin_b0,
              conv_Wl1, conv_Wr1, conv_b1, lin_W1, lin_b1,
              conv_Wl2, conv_Wr2, conv_b2, lin_W2, lin_b2):
    h = x
    # layer 0 (non-final): conv -> leaky_relu -> linear -> leaky_relu
    h = _sage_conv(h, edge_index, conv_Wl0, conv_Wr0, conv_b0)
    h = _leaky(h)
    h = h @ lin_W0 + lin_b0
    h = _leaky(h)
    # layer 1 (non-final)
    h = _sage_conv(h, edge_index, conv_Wl1, conv_Wr1, conv_b1)
    h = _leaky(h)
    h = h @ lin_W1 + lin_b1
    h = _leaky(h)
    # layer 2 (final): conv -> linear
    h = _sage_conv(h, edge_index, conv_Wl2, conv_Wr2, conv_b2)
    h = h @ lin_W2 + lin_b2
    return h

if __name__ == "__main__":
    import jax
    _d = setup_inputs()
    print(jax.jit(kernel)(*tuple(_d.values())))

</pallas_src>

<mosaic_0001>
#map = affine_map<(d0, d1) -> (0, 0)>
#map1 = affine_map<(d0, d1) -> (0, 0, 0)>
module attributes {stable_mosaic.version = 14 : i64} {
  func.func @_sc_scatter_body(%arg0: i32, %arg1: i32, %arg2: memref<10000x128xf32, #tpu.memory_space<hbm>>, %arg3: memref<2560x128xi32, #tpu.memory_space<hbm>>, %arg4: memref<2560x128xi32, #tpu.memory_space<hbm>>, %arg5: memref<640x128xf32, #tpu.memory_space<hbm>>, %arg6: memref<2x10240x128xf32, #tpu.memory_space<hbm>>, %arg7: memref<8x128xi32, #tpu.memory_space<vmem>>, %arg8: memref<8x128xi32, #tpu.memory_space<vmem>>, %arg9: memref<128x128xf32, #tpu.memory_space<vmem>>, %arg10: memref<128x128xf32, #tpu.memory_space<vmem>>, %arg11: memref<!tpu.dma_semaphore, #tpu.memory_space<semaphore_mem>>, %arg12: memref<!tpu.dma_semaphore, #tpu.memory_space<semaphore_mem>>, %arg13: memref<10240x128xf32, #tpu.memory_space<vmem_shared>>) attributes {dimension_semantics = [#tpu.dimension_semantics<core_parallel>, #tpu.dimension_semantics<subcore_parallel>], iteration_bounds = array<i64: 2, 16>, scalar_prefetch = 0 : i64, scratch_operands = 7 : i64, tpu.core_type = #tpu.core_type<sc_vector_subcore>, window_params = [{transform_indices = #map}, {transform_indices = #map}, {transform_indices = #map}, {transform_indices = #map}, {transform_indices = #map1}]} {
    %mul3A = arith.constant 160 : i32
    %mul3A_0 = arith.muli %arg1, %mul3A : i32
    %mul3A_1 = arith.constant 120 : i32
    %mul3A_2 = arith.muli %arg0, %mul3A_1 : i32
    %add3A = arith.addi %mul3A_0, %mul3A_2 : i32
    %mul3A_3 = arith.constant -80 : i32
    %mul3A_4 = arith.muli %arg0, %mul3A_3 : i32
    %add3A_5 = arith.constant 120 : i32
    %add3A_6 = arith.addi %add3A_5, %mul3A_4 : i32
    %jit3A = arith.constant 8 : i32
    %div3A = arith.divsi %add3A_6, %jit3A : i32
    %sign3A = arith.constant 0 : i32
    %sign3A_7 = arith.cmpi sgt, %add3A_6, %sign3A : i32
    %sign3A_8 = arith.extui %sign3A_7 : i1 to i32
    %sign3A_9 = arith.constant 0 : i32
    %sign3A_10 = arith.cmpi slt, %add3A_6, %sign3A_9 : i32
    %sign3A_11 = arith.extui %sign3A_10 : i1 to i32
    %sign3A_12 = arith.subi %sign3A_8, %sign3A_11 : i32
    %sign3A_13 = arith.constant 0 : i32
    %sign3A_14 = arith.cmpi sgt, %jit3A, %sign3A_13 : i32
    %sign3A_15 = arith.extui %sign3A_14 : i1 to i32
    %sign3A_16 = arith.constant 0 : i32
    %sign3A_17 = arith.cmpi slt, %jit3A, %sign3A_16 : i32
    %sign3A_18 = arith.extui %sign3A_17 : i1 to i32
    %sign3A_19 = arith.subi %sign3A_15, %sign3A_18 : i32
    %ne3A = arith.cmpi ne, %sign3A_12, %sign3A_19 : i32
    %rem3A = arith.remsi %add3A_6, %jit3A : i32
    %ne3A_20 = arith.constant 0 : i32
    %ne3A_21 = arith.cmpi ne, %rem3A, %ne3A_20 : i32
    %and3A = arith.andi %ne3A, %ne3A_21 : i1
    %sub3A = arith.constant 1 : i32
    %sub3A_22 = arith.subi %div3A, %sub3A : i32
    %select_n3A = arith.select %and3A, %sub3A_22, %div3A : i32
    %mul3A_23 = arith.constant 640 : i32
    %mul3A_24 = arith.muli %arg1, %mul3A_23 : i32
    "tpu.region"() ({
      %run_scoped3A = tpu.sem_alloc : memref<!tpu.dma_semaphore, #tpu.memory_space<semaphore_mem>>
      %dma_start3A = arith.constant 0 : i32
      %dma_start3A_37 = tpu.memref_slice %arg13[%mul3A_24, %dma_start3A] : memref<10240x128xf32, #tpu.memory_space<vmem_shared>> -> memref<640x128xf32, #tpu.memory_space<vmem_shared>>
      tpu.enqueue_dma source(%arg5 : memref<640x128xf32, #tpu.memory_space<hbm>>) target(%dma_start3A_37 : memref<640x128xf32, #tpu.memory_space<vmem_shared>>) target_semaphore(%run_scoped3A : memref<!tpu.dma_semaphore, #tpu.memory_space<semaphore_mem>>)
      %dma_wait3A = arith.constant 0 : i32
      %dma_wait3A_38 = tpu.memref_slice %arg13[%mul3A_24, %dma_wait3A] : memref<10240x128xf32, #tpu.memory_space<vmem_shared>> -> memref<640x128xf32, #tpu.memory_space<vmem_shared>>
      tpu.wait_dma2 semaphore(%run_scoped3A : memref<!tpu.dma_semaphore, #tpu.memory_space<semaphore_mem>>) src(%arg5 : memref<640x128xf32, #tpu.memory_space<hbm>>) dst(%dma_wait3A_38 : memref<640x128xf32, #tpu.memory_space<vmem_shared>>)
      tpu.yield
    }) : () -> ()
    %barrier3A = arith.constant 0 : index
    tpu.barrier barrier_id(%barrier3A)
    %while3A = arith.constant 0 : i32
    %while3A_25 = arith.constant 0 : i32
    %while3A_26 = arith.subi %select_n3A, %while3A_25 : i32
    %while3A_27 = arith.addi %while3A_25, %while3A_26 : i32
    %while3A_28 = arith.constant 1 : i32
    %while3A_29 = arith.divsi %while3A_26, %while3A_28 : i32
    %while3A_30 = arith.muli %while3A_29, %while3A_28 : i32
    %while3A_31 = arith.addi %while3A_25, %while3A_30 : i32
    %while3A_32 = arith.constant 1 : i32
    scf.for %while3A_37 = %while3A_25 to %while3A_31 step %while3A_32  : i32 {
      %mul3A_38 = arith.constant 8 : i32
      %mul3A_39 = arith.muli %while3A_37, %mul3A_38 : i32
      %add3A_40 = arith.addi %add3A, %mul3A_39 : i32
      "tpu.region"() ({
        %run_scoped3A = tpu.sem_alloc : memref<!tpu.dma_semaphore, #tpu.memory_space<semaphore_mem>>
        %dma_start3A_58 = arith.constant 0 : i32
        %dma_start3A_59 = tpu.memref_slice %arg3[%add3A_40, %dma_start3A_58] : memref<2560x128xi32, #tpu.memory_space<hbm>> -> memref<8x128xi32, #tpu.memory_space<hbm>>
        %dma_start3A_60 = arith.constant 0 : i32
        %dma_start3A_61 = tpu.memref_slice %arg3[%add3A_40, %dma_start3A_60] : memref<2560x128xi32, #tpu.memory_space<hbm>> -> memref<8x128xi32, #tpu.memory_space<hbm>>
        tpu.enqueue_dma source(%dma_start3A_61 : memref<8x128xi32, #tpu.memory_space<hbm>>) target(%arg7 : memref<8x128xi32, #tpu.memory_space<vmem>>) target_semaphore(%run_scoped3A : memref<!tpu.dma_semaphore, #tpu.memory_space<semaphore_mem>>)
        %dma_wait3A_62 = arith.constant 0 : i32
        %dma_wait3A_63 = tpu.memref_slice %arg3[%add3A_40, %dma_wait3A_62] : memref<2560x128xi32, #tpu.memory_space<hbm>> -> memref<8x128xi32, #tpu.memory_space<hbm>>
        %dma_wait3A_64 = arith.constant 0 : i32
        %dma_wait3A_65 = tpu.memref_slice %arg3[%add3A_40, %dma_wait3A_64] : memref<2560x128xi32, #tpu.memory_space<hbm>> -> memref<8x128xi32, #tpu.memory_space<hbm>>
        tpu.wait_dma2 semaphore(%run_scoped3A : memref<!tpu.dma_semaphore, #tpu.memory_space<semaphore_mem>>) src(%dma_wait3A_65 : memref<8x128xi32, #tpu.memory_space<hbm>>) dst(%arg7 : memref<8x128xi32, #tpu.memory_space<vmem>>)
        tpu.yield
      }) : () -> ()
      "tpu.region"() ({
        %run_scoped3A = tpu.sem_alloc : memref<!tpu.dma_semaphore, #tpu.memory_space<semaphore_mem>>
        %dma_start3A_58 = arith.constant 0 : i32
        %dma_start3A_59 = tpu.memref_slice %arg4[%add3A_40, %dma_start3A_58] : memref<2560x128xi32, #tpu.memory_space<hbm>> -> memref<8x128xi32, #tpu.memory_space<hbm>>
        %dma_start3A_60 = arith.constant 0 : i32
        %dma_start3A_61 = tpu.memref_slice %arg4[%add3A_40, %dma_start3A_60] : memref<2560x128xi32, #tpu.memory_space<hbm>> -> memref<8x128xi32, #tpu.memory_space<hbm>>
        tpu.enqueue_dma source(%dma_start3A_61 : memref<8x128xi32, #tpu.memory_space<hbm>>) target(%arg8 : memref<8x128xi32, #tpu.memory_space<vmem>>) target_semaphore(%run_scoped3A : memref<!tpu.dma_semaphore, #tpu.memory_space<semaphore_mem>>)
        %dma_wait3A_62 = arith.constant 0 : i32
        %dma_wait3A_63 = tpu.memref_slice %arg4[%add3A_40, %dma_wait3A_62] : memref<2560x128xi32, #tpu.memory_space<hbm>> -> memref<8x128xi32, #tpu.memory_space<hbm>>
        %dma_wait3A_64 = arith.constant 0 : i32
        %dma_wait3A_65 = tpu.memref_slice %arg4[%add3A_40, %dma_wait3A_64] : memref<2560x128xi32, #tpu.memory_space<hbm>> -> memref<8x128xi32, #tpu.memory_space<hbm>>
        tpu.wait_dma2 semaphore(%run_scoped3A : memref<!tpu.dma_semaphore, #tpu.memory_space<semaphore_mem>>) src(%dma_wait3A_65 : memref<8x128xi32, #tpu.memory_space<hbm>>) dst(%arg8 : memref<8x128xi32, #tpu.memory_space<vmem>>)
        tpu.yield
      }) : () -> ()
      %dma_start3A = arith.constant 0 : i32
      %dma_start3A_41 = arith.constant 0 : i32
      %dma_start3A_42 = tpu.memref_slice %arg7[%dma_start3A, %dma_start3A_41] : memref<8x128xi32, #tpu.memory_space<vmem>> -> memref<1x128xi32, #tpu.memory_space<vmem>>
      %dma_start3A_43 = tpu.memref_squeeze %dma_start3A_42 : memref<1x128xi32, #tpu.memory_space<vmem>> -> memref<128xi32, #tpu.memory_space<vmem>>
      %dma_start3A_44 = arith.constant 0 : i32
      %dma_start3A_45 = arith.constant 0 : i32
      %dma_start3A_46 = tpu.memref_slice %arg2[%dma_start3A_44, %dma_start3A_45] : memref<10000x128xf32, #tpu.memory_space<hbm>> -> memref<10000x128xf32, #tpu.memory_space<hbm>>
      tpu.enqueue_indirect_dma source(%dma_start3A_46 : memref<10000x128xf32, #tpu.memory_space<hbm>>) target(%arg9 : memref<128x128xf32, #tpu.memory_space<vmem>>) offsets(%dma_start3A_43 : memref<128xi32, #tpu.memory_space<vmem>>) semaphore(%arg11 : memref<!tpu.dma_semaphore, #tpu.memory_space<semaphore_mem>>)
      %scan3A = arith.constant 0 : i32
      %scan3A_47 = arith.constant 0 : i32
      %scan3A_48 = arith.constant 4 : i32
      %scan3A_49 = arith.addi %scan3A_47, %scan3A_48 : i32
      %scan3A_50 = arith.constant 1 : i32
      scf.for %scan3A_58 = %scan3A_47 to %scan3A_49 step %scan3A_50  : i32 {
        %mul3A_59 = arith.constant 2 : i32
        %mul3A_60 = arith.muli %mul3A_59, %scan3A_58 : i32
        %dma_wait3A_61 = arith.constant 0 : i32
        %dma_wait3A_62 = tpu.memref_slice %arg7[%mul3A_60, %dma_wait3A_61] : memref<8x128xi32, #tpu.memory_space<vmem>> -> memref<1x128xi32, #tpu.memory_space<vmem>>
        %dma_wait3A_63 = tpu.memref_squeeze %dma_wait3A_62 : memref<1x128xi32, #tpu.memory_space<vmem>> -> memref<128xi32, #tpu.memory_space<vmem>>
        %dma_wait3A_64 = arith.constant 0 : i32
        %dma_wait3A_65 = arith.constant 0 : i32
        %dma_wait3A_66 = tpu.memref_slice %arg2[%dma_wait3A_64, %dma_wait3A_65] : memref<10000x128xf32, #tpu.memory_space<hbm>> -> memref<10000x128xf32, #tpu.memory_space<hbm>>
        tpu.wait_indirect_dma semaphore(%arg11 : memref<!tpu.dma_semaphore, #tpu.memory_space<semaphore_mem>>) src(%dma_wait3A_66 : memref<10000x128xf32, #tpu.memory_space<hbm>>) dst(%arg9 : memref<128x128xf32, #tpu.memory_space<vmem>>)
        %add3A_67 = arith.constant 1 : i32
        %add3A_68 = arith.addi %mul3A_60, %add3A_67 : i32
        %dma_start3A_69 = arith.constant 0 : i32
        %dma_start3A_70 = tpu.memref_slice %arg7[%add3A_68, %dma_start3A_69] : memref<8x128xi32, #tpu.memory_space<vmem>> -> memref<1x128xi32, #tpu.memory_space<vmem>>
        %dma_start3A_71 = tpu.memref_squeeze %dma_start3A_70 : memref<1x128xi32, #tpu.memory_space<vmem>> -> memref<128xi32, #tpu.memory_space<vmem>>
        %dma_start3A_72 = arith.constant 0 : i32
        %dma_start3A_73 = arith.constant 0 : i32
        %dma_start3A_74 = tpu.memref_slice %arg2[%dma_start3A_72, %dma_start3A_73] : memref<10000x128xf32, #tpu.memory_space<hbm>> -> memref<10000x128xf32, #tpu.memory_space<hbm>>
        tpu.enqueue_indirect_dma source(%dma_start3A_74 : memref<10000x128xf32, #tpu.memory_space<hbm>>) target(%arg10 : memref<128x128xf32, #tpu.memory_space<vmem>>) offsets(%dma_start3A_71 : memref<128xi32, #tpu.memory_space<vmem>>) semaphore(%arg12 : memref<!tpu.dma_semaphore, #tpu.memory_space<semaphore_mem>>)
        "tpu.region"() ({
          %run_scoped3A = tpu.sem_alloc : memref<!tpu.dma_semaphore, #tpu.memory_space<semaphore_mem>>
          %dma_start3A_94 = arith.constant 0 : i32
          %dma_start3A_95 = tpu.memref_slice %arg8[%mul3A_60, %dma_start3A_94] : memref<8x128xi32, #tpu.memory_space<vmem>> -> memref<1x128xi32, #tpu.memory_space<vmem>>
          %dma_start3A_96 = tpu.memref_squeeze %dma_start3A_95 : memref<1x128xi32, #tpu.memory_space<vmem>> -> memref<128xi32, #tpu.memory_space<vmem>>
          %dma_start3A_97 = arith.constant 0 : i32
          %dma_start3A_98 = arith.constant 0 : i32
          %dma_start3A_99 = tpu.memref_slice %arg13[%dma_start3A_97, %dma_start3A_98] : memref<10240x128xf32, #tpu.memory_space<vmem_shared>> -> memref<10240x128xf32, #tpu.memory_space<vmem_shared>>
          tpu.enqueue_indirect_dma source(%arg9 : memref<128x128xf32, #tpu.memory_space<vmem>>) target(%dma_start3A_99 : memref<10240x128xf32, #tpu.memory_space<vmem_shared>>) offsets(%dma_start3A_96 : memref<128xi32, #tpu.memory_space<vmem>>) semaphore(%run_scoped3A : memref<!tpu.dma_semaphore, #tpu.memory_space<semaphore_mem>>) {add = true}
          %dma_wait3A_100 = arith.constant 0 : i32
          %dma_wait3A_101 = tpu.memref_slice %arg8[%mul3A_60, %dma_wait3A_100] : memref<8x128xi32, #tpu.memory_space<vmem>> -> memref<1x128xi32, #tpu.memory_space<vmem>>
          %dma_wait3A_102 = tpu.memref_squeeze %dma_wait3A_101 : memref<1x128xi32, #tpu.memory_space<vmem>> -> memref<128xi32, #tpu.memory_space<vmem>>
          %dma_wait3A_103 = arith.constant 0 : i32
          %dma_wait3A_104 = arith.constant 0 : i32
          %dma_wait3A_105 = tpu.memref_slice %arg13[%dma_wait3A_103, %dma_wait3A_104] : memref<10240x128xf32, #tpu.memory_space<vmem_shared>> -> memref<10240x128xf32, #tpu.memory_space<vmem_shared>>
          tpu.wait_indirect_dma semaphore(%run_scoped3A : memref<!tpu.dma_semaphore, #tpu.memory_space<semaphore_mem>>) src(%arg9 : memref<128x128xf32, #tpu.memory_space<vmem>>) dst(%dma_wait3A_105 : memref<10240x128xf32, #tpu.memory_space<vmem_shared>>)
          tpu.yield
        }) : () -> ()
        %add3A_75 = arith.constant 1 : i32
        %add3A_76 = arith.addi %mul3A_60, %add3A_75 : i32
        %dma_wait3A_77 = arith.constant 0 : i32
        %dma_wait3A_78 = tpu.memref_slice %arg7[%add3A_76, %dma_wait3A_77] : memref<8x128xi32, #tpu.memory_space<vmem>> -> memref<1x128xi32, #tpu.memory_space<vmem>>
        %dma_wait3A_79 = tpu.memref_squeeze %dma_wait3A_78 : memref<1x128xi32, #tpu.memory_space<vmem>> -> memref<128xi32, #tpu.memory_space<vmem>>
        %dma_wait3A_80 = arith.constant 0 : i32
        %dma_wait3A_81 = arith.constant 0 : i32
        %dma_wait3A_82 = tpu.memref_slice %arg2[%dma_wait3A_80, %dma_wait3A_81] : memref<10000x128xf32, #tpu.memory_space<hbm>> -> memref<10000x128xf32, #tpu.memory_space<hbm>>
        tpu.wait_indirect_dma semaphore(%arg12 : memref<!tpu.dma_semaphore, #tpu.memory_space<semaphore_mem>>) src(%dma_wait3A_82 : memref<10000x128xf32, #tpu.memory_space<hbm>>) dst(%arg10 : memref<128x128xf32, #tpu.memory_space<vmem>>)
        %add3A_83 = arith.constant 2 : i32
        %add3A_84 = arith.addi %mul3A_60, %add3A_83 : i32
        %min3A = arith.constant 7 : i32
        %min3A_85 = arith.minsi %add3A_84, %min3A : i32
        %dma_start3A_86 = arith.constant 0 : i32
        %dma_start3A_87 = tpu.memref_slice %arg7[%min3A_85, %dma_start3A_86] : memref<8x128xi32, #tpu.memory_space<vmem>> -> memref<1x128xi32, #tpu.memory_space<vmem>>
        %dma_start3A_88 = tpu.memref_squeeze %dma_start3A_87 : memref<1x128xi32, #tpu.memory_space<vmem>> -> memref<128xi32, #tpu.memory_space<vmem>>
        %dma_start3A_89 = arith.constant 0 : i32
        %dma_start3A_90 = arith.constant 0 : i32
        %dma_start3A_91 = tpu.memref_slice %arg2[%dma_start3A_89, %dma_start3A_90] : memref<10000x128xf32, #tpu.memory_space<hbm>> -> memref<10000x128xf32, #tpu.memory_space<hbm>>
        tpu.enqueue_indirect_dma source(%dma_start3A_91 : memref<10000x128xf32, #tpu.memory_space<hbm>>) target(%arg9 : memref<128x128xf32, #tpu.memory_space<vmem>>) offsets(%dma_start3A_88 : memref<128xi32, #tpu.memory_space<vmem>>) semaphore(%arg11 : memref<!tpu.dma_semaphore, #tpu.memory_space<semaphore_mem>>)
        %add3A_92 = arith.constant 1 : i32
        %add3A_93 = arith.addi %mul3A_60, %add3A_92 : i32
        "tpu.region"() ({
          %run_scoped3A = tpu.sem_alloc : memref<!tpu.dma_semaphore, #tpu.memory_space<semaphore_mem>>
          %dma_start3A_94 = arith.constant 0 : i32
          %dma_start3A_95 = tpu.memref_slice %arg8[%add3A_93, %dma_start3A_94] : memref<8x128xi32, #tpu.memory_space<vmem>> -> memref<1x128xi32, #tpu.memory_space<vmem>>
          %dma_start3A_96 = tpu.memref_squeeze %dma_start3A_95 : memref<1x128xi32, #tpu.memory_space<vmem>> -> memref<128xi32, #tpu.memory_space<vmem>>
          %dma_start3A_97 = arith.constant 0 : i32
          %dma_start3A_98 = arith.constant 0 : i32
          %dma_start3A_99 = tpu.memref_slice %arg13[%dma_start3A_97, %dma_start3A_98] : memref<10240x128xf32, #tpu.memory_space<vmem_shared>> -> memref<10240x128xf32, #tpu.memory_space<vmem_shared>>
          tpu.enqueue_indirect_dma source(%arg10 : memref<128x128xf32, #tpu.memory_space<vmem>>) target(%dma_start3A_99 : memref<10240x128xf32, #tpu.memory_space<vmem_shared>>) offsets(%dma_start3A_96 : memref<128xi32, #tpu.memory_space<vmem>>) semaphore(%run_scoped3A : memref<!tpu.dma_semaphore, #tpu.memory_space<semaphore_mem>>) {add = true}
          %dma_wait3A_100 = arith.constant 0 : i32
          %dma_wait3A_101 = tpu.memref_slice %arg8[%add3A_93, %dma_wait3A_100] : memref<8x128xi32, #tpu.memory_space<vmem>> -> memref<1x128xi32, #tpu.memory_space<vmem>>
          %dma_wait3A_102 = tpu.memref_squeeze %dma_wait3A_101 : memref<1x128xi32, #tpu.memory_space<vmem>> -> memref<128xi32, #tpu.memory_space<vmem>>
          %dma_wait3A_103 = arith.constant 0 : i32
          %dma_wait3A_104 = arith.constant 0 : i32
          %dma_wait3A_105 = tpu.memref_slice %arg13[%dma_wait3A_103, %dma_wait3A_104] : memref<10240x128xf32, #tpu.memory_space<vmem_shared>> -> memref<10240x128xf32, #tpu.memory_space<vmem_shared>>
          tpu.wait_indirect_dma semaphore(%run_scoped3A : memref<!tpu.dma_semaphore, #tpu.memory_space<semaphore_mem>>) src(%arg10 : memref<128x128xf32, #tpu.memory_space<vmem>>) dst(%dma_wait3A_105 : memref<10240x128xf32, #tpu.memory_space<vmem_shared>>)
          tpu.yield
        }) : () -> ()
      }
      %scan3A_51 = arith.constant 4 : i32
      %dma_wait3A = arith.constant 7 : i32
      %dma_wait3A_52 = arith.constant 0 : i32
      %dma_wait3A_53 = tpu.memref_slice %arg7[%dma_wait3A, %dma_wait3A_52] : memref<8x128xi32, #tpu.memory_space<vmem>> -> memref<1x128xi32, #tpu.memory_space<vmem>>
      %dma_wait3A_54 = tpu.memref_squeeze %dma_wait3A_53 : memref<1x128xi32, #tpu.memory_space<vmem>> -> memref<128xi32, #tpu.memory_space<vmem>>
      %dma_wait3A_55 = arith.constant 0 : i32
      %dma_wait3A_56 = arith.constant 0 : i32
      %dma_wait3A_57 = tpu.memref_slice %arg2[%dma_wait3A_55, %dma_wait3A_56] : memref<10000x128xf32, #tpu.memory_space<hbm>> -> memref<10000x128xf32, #tpu.memory_space<hbm>>
      tpu.wait_indirect_dma semaphore(%arg11 : memref<!tpu.dma_semaphore, #tpu.memory_space<semaphore_mem>>) src(%dma_wait3A_57 : memref<10000x128xf32, #tpu.memory_space<hbm>>) dst(%arg9 : memref<128x128xf32, #tpu.memory_space<vmem>>)
    }
    %while3A_33 = arith.constant 1 : i32
    scf.for %while3A_37 = %while3A_31 to %while3A_27 step %while3A_33  : i32 {
      %mul3A_38 = arith.constant 8 : i32
      %mul3A_39 = arith.muli %while3A_37, %mul3A_38 : i32
      %add3A_40 = arith.addi %add3A, %mul3A_39 : i32
      "tpu.region"() ({
        %run_scoped3A = tpu.sem_alloc : memref<!tpu.dma_semaphore, #tpu.memory_space<semaphore_mem>>
        %dma_start3A_58 = arith.constant 0 : i32
        %dma_start3A_59 = tpu.memref_slice %arg3[%add3A_40, %dma_start3A_58] : memref<2560x128xi32, #tpu.memory_space<hbm>> -> memref<8x128xi32, #tpu.memory_space<hbm>>
        %dma_start3A_60 = arith.constant 0 : i32
        %dma_start3A_61 = tpu.memref_slice %arg3[%add3A_40, %dma_start3A_60] : memref<2560x128xi32, #tpu.memory_space<hbm>> -> memref<8x128xi32, #tpu.memory_space<hbm>>
        tpu.enqueue_dma source(%dma_start3A_61 : memref<8x128xi32, #tpu.memory_space<hbm>>) target(%arg7 : memref<8x128xi32, #tpu.memory_space<vmem>>) target_semaphore(%run_scoped3A : memref<!tpu.dma_semaphore, #tpu.memory_space<semaphore_mem>>)
        %dma_wait3A_62 = arith.constant 0 : i32
        %dma_wait3A_63 = tpu.memref_slice %arg3[%add3A_40, %dma_wait3A_62] : memref<2560x128xi32, #tpu.memory_space<hbm>> -> memref<8x128xi32, #tpu.memory_space<hbm>>
        %dma_wait3A_64 = arith.constant 0 : i32
        %dma_wait3A_65 = tpu.memref_slice %arg3[%add3A_40, %dma_wait3A_64] : memref<2560x128xi32, #tpu.memory_space<hbm>> -> memref<8x128xi32, #tpu.memory_space<hbm>>
        tpu.wait_dma2 semaphore(%run_scoped3A : memref<!tpu.dma_semaphore, #tpu.memory_space<semaphore_mem>>) src(%dma_wait3A_65 : memref<8x128xi32, #tpu.memory_space<hbm>>) dst(%arg7 : memref<8x128xi32, #tpu.memory_space<vmem>>)
        tpu.yield
      }) : () -> ()
      "tpu.region"() ({
        %run_scoped3A = tpu.sem_alloc : memref<!tpu.dma_semaphore, #tpu.memory_space<semaphore_mem>>
        %dma_start3A_58 = arith.constant 0 : i32
        %dma_start3A_59 = tpu.memref_slice %arg4[%add3A_40, %dma_start3A_58] : memref<2560x128xi32, #tpu.memory_space<hbm>> -> memref<8x128xi32, #tpu.memory_space<hbm>>
        %dma_start3A_60 = arith.constant 0 : i32
        %dma_start3A_61 = tpu.memref_slice %arg4[%add3A_40, %dma_start3A_60] : memref<2560x128xi32, #tpu.memory_space<hbm>> -> memref<8x128xi32, #tpu.memory_space<hbm>>
        tpu.enqueue_dma source(%dma_start3A_61 : memref<8x128xi32, #tpu.memory_space<hbm>>) target(%arg8 : memref<8x128xi32, #tpu.memory_space<vmem>>) target_semaphore(%run_scoped3A : memref<!tpu.dma_semaphore, #tpu.memory_space<semaphore_mem>>)
        %dma_wait3A_62 = arith.constant 0 : i32
        %dma_wait3A_63 = tpu.memref_slice %arg4[%add3A_40, %dma_wait3A_62] : memref<2560x128xi32, #tpu.memory_space<hbm>> -> memref<8x128xi32, #tpu.memory_space<hbm>>
        %dma_wait3A_64 = arith.constant 0 : i32
        %dma_wait3A_65 = tpu.memref_slice %arg4[%add3A_40, %dma_wait3A_64] : memref<2560x128xi32, #tpu.memory_space<hbm>> -> memref<8x128xi32, #tpu.memory_space<hbm>>
        tpu.wait_dma2 semaphore(%run_scoped3A : memref<!tpu.dma_semaphore, #tpu.memory_space<semaphore_mem>>) src(%dma_wait3A_65 : memref<8x128xi32, #tpu.memory_space<hbm>>) dst(%arg8 : memref<8x128xi32, #tpu.memory_space<vmem>>)
        tpu.yield
      }) : () -> ()
      %dma_start3A = arith.constant 0 : i32
      %dma_start3A_41 = arith.constant 0 : i32
      %dma_start3A_42 = tpu.memref_slice %arg7[%dma_start3A, %dma_start3A_41] : memref<8x128xi32, #tpu.memory_space<vmem>> -> memref<1x128xi32, #tpu.memory_space<vmem>>
      %dma_start3A_43 = tpu.memref_squeeze %dma_start3A_42 : memref<1x128xi32, #tpu.memory_space<vmem>> -> memref<128xi32, #tpu.memory_space<vmem>>
      %dma_start3A_44 = arith.constant 0 : i32
      %dma_start3A_45 = arith.constant 0 : i32
      %dma_start3A_46 = tpu.memref_slice %arg2[%dma_start3A_44, %dma_start3A_45] : memref<10000x128xf32, #tpu.memory_space<hbm>> -> memref<10000x128xf32, #tpu.memory_space<hbm>>
      tpu.enqueue_indirect_dma source(%dma_start3A_46 : memref<10000x128xf32, #tpu.memory_space<hbm>>) target(%arg9 : memref<128x128xf32, #tpu.memory_space<vmem>>) offsets(%dma_start3A_43 : memref<128xi32, #tpu.memory_space<vmem>>) semaphore(%arg11 : memref<!tpu.dma_semaphore, #tpu.memory_space<semaphore_mem>>)
      %scan3A = arith.constant 0 : i32
      %scan3A_47 = arith.constant 0 : i32
      %scan3A_48 = arith.constant 4 : i32
      %scan3A_49 = arith.addi %scan3A_47, %scan3A_48 : i32
      %scan3A_50 = arith.constant 1 : i32
      scf.for %scan3A_58 = %scan3A_47 to %scan3A_49 step %scan3A_50  : i32 {
        %mul3A_59 = arith.constant 2 : i32
        %mul3A_60 = arith.muli %mul3A_59, %scan3A_58 : i32
        %dma_wait3A_61 = arith.constant 0 : i32
        %dma_wait3A_62 = tpu.memref_slice %arg7[%mul3A_60, %dma_wait3A_61] : memref<8x128xi32, #tpu.memory_space<vmem>> -> memref<1x128xi32, #tpu.memory_space<vmem>>
        %dma_wait3A_63 = tpu.memref_squeeze %dma_wait3A_62 : memref<1x128xi32, #tpu.memory_space<vmem>> -> memref<128xi32, #tpu.memory_space<vmem>>
        %dma_wait3A_64 = arith.constant 0 : i32
        %dma_wait3A_65 = arith.constant 0 : i32
        %dma_wait3A_66 = tpu.memref_slice %arg2[%dma_wait3A_64, %dma_wait3A_65] : memref<10000x128xf32, #tpu.memory_space<hbm>> -> memref<10000x128xf32, #tpu.memory_space<hbm>>
        tpu.wait_indirect_dma semaphore(%arg11 : memref<!tpu.dma_semaphore, #tpu.memory_space<semaphore_mem>>) src(%dma_wait3A_66 : memref<10000x128xf32, #tpu.memory_space<hbm>>) dst(%arg9 : memref<128x128xf32, #tpu.memory_space<vmem>>)
        %add3A_67 = arith.constant 1 : i32
        %add3A_68 = arith.addi %mul3A_60, %add3A_67 : i32
        %dma_start3A_69 = arith.constant 0 : i32
        %dma_start3A_70 = tpu.memref_slice %arg7[%add3A_68, %dma_start3A_69] : memref<8x128xi32, #tpu.memory_space<vmem>> -> memref<1x128xi32, #tpu.memory_space<vmem>>
        %dma_start3A_71 = tpu.memref_squeeze %dma_start3A_70 : memref<1x128xi32, #tpu.memory_space<vmem>> -> memref<128xi32, #tpu.memory_space<vmem>>
        %dma_start3A_72 = arith.constant 0 : i32
        %dma_start3A_73 = arith.constant 0 : i32
        %dma_start3A_74 = tpu.memref_slice %arg2[%dma_start3A_72, %dma_start3A_73] : memref<10000x128xf32, #tpu.memory_space<hbm>> -> memref<10000x128xf32, #tpu.memory_space<hbm>>
        tpu.enqueue_indirect_dma source(%dma_start3A_74 : memref<10000x128xf32, #tpu.memory_space<hbm>>) target(%arg10 : memref<128x128xf32, #tpu.memory_space<vmem>>) offsets(%dma_start3A_71 : memref<128xi32, #tpu.memory_space<vmem>>) semaphore(%arg12 : memref<!tpu.dma_semaphore, #tpu.memory_space<semaphore_mem>>)
        "tpu.region"() ({
          %run_scoped3A = tpu.sem_alloc : memref<!tpu.dma_semaphore, #tpu.memory_space<semaphore_mem>>
          %dma_start3A_94 = arith.constant 0 : i32
          %dma_start3A_95 = tpu.memref_slice %arg8[%mul3A_60, %dma_start3A_94] : memref<8x128xi32, #tpu.memory_space<vmem>> -> memref<1x128xi32, #tpu.memory_space<vmem>>
          %dma_start3A_96 = tpu.memref_squeeze %dma_start3A_95 : memref<1x128xi32, #tpu.memory_space<vmem>> -> memref<128xi32, #tpu.memory_space<vmem>>
          %dma_start3A_97 = arith.constant 0 : i32
          %dma_start3A_98 = arith.constant 0 : i32
          %dma_start3A_99 = tpu.memref_slice %arg13[%dma_start3A_97, %dma_start3A_98] : memref<10240x128xf32, #tpu.memory_space<vmem_shared>> -> memref<10240x128xf32, #tpu.memory_space<vmem_shared>>
          tpu.enqueue_indirect_dma source(%arg9 : memref<128x128xf32, #tpu.memory_space<vmem>>) target(%dma_start3A_99 : memref<10240x128xf32, #tpu.memory_space<vmem_shared>>) offsets(%dma_start3A_96 : memref<128xi32, #tpu.memory_space<vmem>>) semaphore(%run_scoped3A : memref<!tpu.dma_semaphore, #tpu.memory_space<semaphore_mem>>) {add = true}
          %dma_wait3A_100 = arith.constant 0 : i32
          %dma_wait3A_101 = tpu.memref_slice %arg8[%mul3A_60, %dma_wait3A_100] : memref<8x128xi32, #tpu.memory_space<vmem>> -> memref<1x128xi32, #tpu.memory_space<vmem>>
          %dma_wait3A_102 = tpu.memref_squeeze %dma_wait3A_101 : memref<1x128xi32, #tpu.memory_space<vmem>> -> memref<128xi32, #tpu.memory_space<vmem>>
          %dma_wait3A_103 = arith.constant 0 : i32
          %dma_wait3A_104 = arith.constant 0 : i32
          %dma_wait3A_105 = tpu.memref_slice %arg13[%dma_wait3A_103, %dma_wait3A_104] : memref<10240x128xf32, #tpu.memory_space<vmem_shared>> -> memref<10240x128xf32, #tpu.memory_space<vmem_shared>>
          tpu.wait_indirect_dma semaphore(%run_scoped3A : memref<!tpu.dma_semaphore, #tpu.memory_space<semaphore_mem>>) src(%arg9 : memref<128x128xf32, #tpu.memory_space<vmem>>) dst(%dma_wait3A_105 : memref<10240x128xf32, #tpu.memory_space<vmem_shared>>)
          tpu.yield
        }) : () -> ()
        %add3A_75 = arith.constant 1 : i32
        %add3A_76 = arith.addi %mul3A_60, %add3A_75 : i32
        %dma_wait3A_77 = arith.constant 0 : i32
        %dma_wait3A_78 = tpu.memref_slice %arg7[%add3A_76, %dma_wait3A_77] : memref<8x128xi32, #tpu.memory_space<vmem>> -> memref<1x128xi32, #tpu.memory_space<vmem>>
        %dma_wait3A_79 = tpu.memref_squeeze %dma_wait3A_78 : memref<1x128xi32, #tpu.memory_space<vmem>> -> memref<128xi32, #tpu.memory_space<vmem>>
        %dma_wait3A_80 = arith.constant 0 : i32
        %dma_wait3A_81 = arith.constant 0 : i32
        %dma_wait3A_82 = tpu.memref_slice %arg2[%dma_wait3A_80, %dma_wait3A_81] : memref<10000x128xf32, #tpu.memory_space<hbm>> -> memref<10000x128xf32, #tpu.memory_space<hbm>>
        tpu.wait_indirect_dma semaphore(%arg12 : memref<!tpu.dma_semaphore, #tpu.memory_space<semaphore_mem>>) src(%dma_wait3A_82 : memref<10000x128xf32, #tpu.memory_space<hbm>>) dst(%arg10 : memref<128x128xf32, #tpu.memory_space<vmem>>)
        %add3A_83 = arith.constant 2 : i32
        %add3A_84 = arith.addi %mul3A_60, %add3A_83 : i32
        %min3A = arith.constant 7 : i32
        %min3A_85 = arith.minsi %add3A_84, %min3A : i32
        %dma_start3A_86 = arith.constant 0 : i32
        %dma_start3A_87 = tpu.memref_slice %arg7[%min3A_85, %dma_start3A_86] : memref<8x128xi32, #tpu.memory_space<vmem>> -> memref<1x128xi32, #tpu.memory_space<vmem>>
        %dma_start3A_88 = tpu.memref_squeeze %dma_start3A_87 : memref<1x128xi32, #tpu.memory_space<vmem>> -> memref<128xi32, #tpu.memory_space<vmem>>
        %dma_start3A_89 = arith.constant 0 : i32
        %dma_start3A_90 = arith.constant 0 : i32
        %dma_start3A_91 = tpu.memref_slice %arg2[%dma_start3A_89, %dma_start3A_90] : memref<10000x128xf32, #tpu.memory_space<hbm>> -> memref<10000x128xf32, #tpu.memory_space<hbm>>
        tpu.enqueue_indirect_dma source(%dma_start3A_91 : memref<10000x128xf32, #tpu.memory_space<hbm>>) target(%arg9 : memref<128x128xf32, #tpu.memory_space<vmem>>) offsets(%dma_start3A_88 : memref<128xi32, #tpu.memory_space<vmem>>) semaphore(%arg11 : memref<!tpu.dma_semaphore, #tpu.memory_space<semaphore_mem>>)
        %add3A_92 = arith.constant 1 : i32
        %add3A_93 = arith.addi %mul3A_60, %add3A_92 : i32
        "tpu.region"() ({
          %run_scoped3A = tpu.sem_alloc : memref<!tpu.dma_semaphore, #tpu.memory_space<semaphore_mem>>
          %dma_start3A_94 = arith.constant 0 : i32
          %dma_start3A_95 = tpu.memref_slice %arg8[%add3A_93, %dma_start3A_94] : memref<8x128xi32, #tpu.memory_space<vmem>> -> memref<1x128xi32, #tpu.memory_space<vmem>>
          %dma_start3A_96 = tpu.memref_squeeze %dma_start3A_95 : memref<1x128xi32, #tpu.memory_space<vmem>> -> memref<128xi32, #tpu.memory_space<vmem>>
          %dma_start3A_97 = arith.constant 0 : i32
          %dma_start3A_98 = arith.constant 0 : i32
          %dma_start3A_99 = tpu.memref_slice %arg13[%dma_start3A_97, %dma_start3A_98] : memref<10240x128xf32, #tpu.memory_space<vmem_shared>> -> memref<10240x128xf32, #tpu.memory_space<vmem_shared>>
          tpu.enqueue_indirect_dma source(%arg10 : memref<128x128xf32, #tpu.memory_space<vmem>>) target(%dma_start3A_99 : memref<10240x128xf32, #tpu.memory_space<vmem_shared>>) offsets(%dma_start3A_96 : memref<128xi32, #tpu.memory_space<vmem>>) semaphore(%run_scoped3A : memref<!tpu.dma_semaphore, #tpu.memory_space<semaphore_mem>>) {add = true}
          %dma_wait3A_100 = arith.constant 0 : i32
          %dma_wait3A_101 = tpu.memref_slice %arg8[%add3A_93, %dma_wait3A_100] : memref<8x128xi32, #tpu.memory_space<vmem>> -> memref<1x128xi32, #tpu.memory_space<vmem>>
          %dma_wait3A_102 = tpu.memref_squeeze %dma_wait3A_101 : memref<1x128xi32, #tpu.memory_space<vmem>> -> memref<128xi32, #tpu.memory_space<vmem>>
          %dma_wait3A_103 = arith.constant 0 : i32
          %dma_wait3A_104 = arith.constant 0 : i32
          %dma_wait3A_105 = tpu.memref_slice %arg13[%dma_wait3A_103, %dma_wait3A_104] : memref<10240x128xf32, #tpu.memory_space<vmem_shared>> -> memref<10240x128xf32, #tpu.memory_space<vmem_shared>>
          tpu.wait_indirect_dma semaphore(%run_scoped3A : memref<!tpu.dma_semaphore, #tpu.memory_space<semaphore_mem>>) src(%arg10 : memref<128x128xf32, #tpu.memory_space<vmem>>) dst(%dma_wait3A_105 : memref<10240x128xf32, #tpu.memory_space<vmem_shared>>)
          tpu.yield
        }) : () -> ()
      }
      %scan3A_51 = arith.constant 4 : i32
      %dma_wait3A = arith.constant 7 : i32
      %dma_wait3A_52 = arith.constant 0 : i32
      %dma_wait3A_53 = tpu.memref_slice %arg7[%dma_wait3A, %dma_wait3A_52] : memref<8x128xi32, #tpu.memory_space<vmem>> -> memref<1x128xi32, #tpu.memory_space<vmem>>
      %dma_wait3A_54 = tpu.memref_squeeze %dma_wait3A_53 : memref<1x128xi32, #tpu.memory_space<vmem>> -> memref<128xi32, #tpu.memory_space<vmem>>
      %dma_wait3A_55 = arith.constant 0 : i32
      %dma_wait3A_56 = arith.constant 0 : i32
      %dma_wait3A_57 = tpu.memref_slice %arg2[%dma_wait3A_55, %dma_wait3A_56] : memref<10000x128xf32, #tpu.memory_space<hbm>> -> memref<10000x128xf32, #tpu.memory_space<hbm>>
      tpu.wait_indirect_dma semaphore(%arg11 : memref<!tpu.dma_semaphore, #tpu.memory_space<semaphore_mem>>) src(%dma_wait3A_57 : memref<10000x128xf32, #tpu.memory_space<hbm>>) dst(%arg9 : memref<128x128xf32, #tpu.memory_space<vmem>>)
    }
    %barrier3A_34 = arith.constant 0 : index
    tpu.barrier barrier_id(%barrier3A_34)
    %mul3A_35 = arith.constant 640 : i32
    %mul3A_36 = arith.muli %arg1, %mul3A_35 : i32
    "tpu.region"() ({
      %run_scoped3A = tpu.sem_alloc : memref<!tpu.dma_semaphore, #tpu.memory_space<semaphore_mem>>
      %dma_start3A = arith.constant 0 : i32
      %dma_start3A_37 = tpu.memref_slice %arg6[%arg0, %mul3A_36, %dma_start3A] : memref<2x10240x128xf32, #tpu.memory_space<hbm>> -> memref<1x640x128xf32, #tpu.memory_space<hbm>>
      %dma_start3A_38 = tpu.memref_squeeze %dma_start3A_37 : memref<1x640x128xf32, #tpu.memory_space<hbm>> -> memref<640x128xf32, #tpu.memory_space<hbm>>
      %dma_start3A_39 = arith.constant 0 : i32
      %dma_start3A_40 = tpu.memref_slice %arg13[%mul3A_36, %dma_start3A_39] : memref<10240x128xf32, #tpu.memory_space<vmem_shared>> -> memref<640x128xf32, #tpu.memory_space<vmem_shared>>
      tpu.enqueue_dma source(%dma_start3A_40 : memref<640x128xf32, #tpu.memory_space<vmem_shared>>) target(%dma_start3A_38 : memref<640x128xf32, #tpu.memory_space<hbm>>) target_semaphore(%run_scoped3A : memref<!tpu.dma_semaphore, #tpu.memory_space<semaphore_mem>>)
      %dma_wait3A = arith.constant 0 : i32
      %dma_wait3A_41 = tpu.memref_slice %arg6[%arg0, %mul3A_36, %dma_wait3A] : memref<2x10240x128xf32, #tpu.memory_space<hbm>> -> memref<1x640x128xf32, #tpu.memory_space<hbm>>
      %dma_wait3A_42 = tpu.memref_squeeze %dma_wait3A_41 : memref<1x640x128xf32, #tpu.memory_space<hbm>> -> memref<640x128xf32, #tpu.memory_space<hbm>>
      %dma_wait3A_43 = arith.constant 0 : i32
      %dma_wait3A_44 = tpu.memref_slice %arg13[%mul3A_36, %dma_wait3A_43] : memref<10240x128xf32, #tpu.memory_space<vmem_shared>> -> memref<640x128xf32, #tpu.memory_space<vmem_shared>>
      tpu.wait_dma2 semaphore(%run_scoped3A : memref<!tpu.dma_semaphore, #tpu.memory_space<semaphore_mem>>) src(%dma_wait3A_44 : memref<640x128xf32, #tpu.memory_space<vmem_shared>>) dst(%dma_wait3A_42 : memref<640x128xf32, #tpu.memory_space<hbm>>)
      tpu.yield
    }) : () -> ()
    return
  }
}

#map = affine_map<(d0, d1) -> (0, 0)>
#map1 = affine_map<(d0, d1) -> (0, 0, 0)>
module attributes {stable_mosaic.version = 14 : i64} {
  func.func @_sc_scatter_body(%arg0: i32, %arg1: i32, %arg2: memref<10000x128xf32, #tpu.memory_space<hbm>>, %arg3: memref<2560x128xi32, #tpu.memory_space<hbm>>, %arg4: memref<2560x128xi32, #tpu.memory_space<hbm>>, %arg5: memref<640x128xf32, #tpu.memory_space<hbm>>, %arg6: memref<2x10240x128xf32, #tpu.memory_space<hbm>>, %arg7: memref<8x128xi32, #tpu.memory_space<vmem>>, %arg8: memref<8x128xi32, #tpu.memory_space<vmem>>, %arg9: memref<128x128xf32, #tpu.memory_space<vmem>>, %arg10: memref<128x128xf32, #tpu.memory_space<vmem>>, %arg11: memref<!tpu.dma_semaphore, #tpu.memory_space<semaphore_mem>>, %arg12: memref<!tpu.dma_semaphore, #tpu.memory_space<semaphore_mem>>, %arg13: memref<10240x128xf32, #tpu.memory_space<vmem_shared>>) attributes {dimension_semantics = [#tpu.dimension_semantics<core_parallel>, #tpu.dimension_semantics<subcore_parallel>], iteration_bounds = array<i64: 2, 16>, scalar_prefetch = 0 : i64, scratch_operands = 7 : i64, tpu.core_type = #tpu.core_type<sc_vector_subcore>, window_params = [{transform_indices = #map}, {transform_indices = #map}, {transform_indices = #map}, {transform_indices = #map}, {transform_indices = #map1}]} {
    %mul3A = arith.constant 160 : i32
    %mul3A_0 = arith.muli %arg1, %mul3A : i32
    %mul3A_1 = arith.constant 120 : i32
    %mul3A_2 = arith.muli %arg0, %mul3A_1 : i32
    %add3A = arith.addi %mul3A_0, %mul3A_2 : i32
    %mul3A_3 = arith.constant -80 : i32
    %mul3A_4 = arith.muli %arg0, %mul3A_3 : i32
    %add3A_5 = arith.constant 120 : i32
    %add3A_6 = arith.addi %add3A_5, %mul3A_4 : i32
    %jit3A = arith.constant 8 : i32
    %div3A = arith.divsi %add3A_6, %jit3A : i32
    %sign3A = arith.constant 0 : i32
    %sign3A_7 = arith.cmpi sgt, %add3A_6, %sign3A : i32
    %sign3A_8 = arith.extui %sign3A_7 : i1 to i32
    %sign3A_9 = arith.constant 0 : i32
    %sign3A_10 = arith.cmpi slt, %add3A_6, %sign3A_9 : i32
    %sign3A_11 = arith.extui %sign3A_10 : i1 to i32
    %sign3A_12 = arith.subi %sign3A_8, %sign3A_11 : i32
    %sign3A_13 = arith.constant 0 : i32
    %sign3A_14 = arith.cmpi sgt, %jit3A, %sign3A_13 : i32
    %sign3A_15 = arith.extui %sign3A_14 : i1 to i32
    %sign3A_16 = arith.constant 0 : i32
    %sign3A_17 = arith.cmpi slt, %jit3A, %sign3A_16 : i32
    %sign3A_18 = arith.extui %sign3A_17 : i1 to i32
    %sign3A_19 = arith.subi %sign3A_15, %sign3A_18 : i32
    %ne3A = arith.cmpi ne, %sign3A_12, %sign3A_19 : i32
    %rem3A = arith.remsi %add3A_6, %jit3A : i32
    %ne3A_20 = arith.constant 0 : i32
    %ne3A_21 = arith.cmpi ne, %rem3A, %ne3A_20 : i32
    %and3A = arith.andi %ne3A, %ne3A_21 : i1
    %sub3A = arith.constant 1 : i32
    %sub3A_22 = arith.subi %div3A, %sub3A : i32
    %select_n3A = arith.select %and3A, %sub3A_22, %div3A : i32
    %mul3A_23 = arith.constant 640 : i32
    %mul3A_24 = arith.muli %arg1, %mul3A_23 : i32
    "tpu.region"() ({
      %run_scoped3A = tpu.sem_alloc : memref<!tpu.dma_semaphore, #tpu.memory_space<semaphore_mem>>
      %dma_start3A = arith.constant 0 : i32
      %dma_start3A_37 = tpu.memref_slice %arg13[%mul3A_24, %dma_start3A] : memref<10240x128xf32, #tpu.memory_space<vmem_shared>> -> memref<640x128xf32, #tpu.memory_space<vmem_shared>>
      tpu.enqueue_dma source(%arg5 : memref<640x128xf32, #tpu.memory_space<hbm>>) target(%dma_start3A_37 : memref<640x128xf32, #tpu.memory_space<vmem_shared>>) target_semaphore(%run_scoped3A : memref<!tpu.dma_semaphore, #tpu.memory_space<semaphore_mem>>)
      %dma_wait3A = arith.constant 0 : i32
      %dma_wait3A_38 = tpu.memref_slice %arg13[%mul3A_24, %dma_wait3A] : memref<10240x128xf32, #tpu.memory_space<vmem_shared>> -> memref<640x128xf32, #tpu.memory_space<vmem_shared>>
      tpu.wait_dma2 semaphore(%run_scoped3A : memref<!tpu.dma_semaphore, #tpu.memory_space<semaphore_mem>>) src(%arg5 : memref<640x128xf32, #tpu.memory_space<hbm>>) dst(%dma_wait3A_38 : memref<640x128xf32, #tpu.memory_space<vmem_shared>>)
      tpu.yield
    }) : () -> ()
    %barrier3A = arith.constant 0 : index
    tpu.barrier barrier_id(%barrier3A)
    %while3A = arith.constant 0 : i32
    %while3A_25 = arith.constant 0 : i32
    %while3A_26 = arith.subi %select_n3A, %while3A_25 : i32
    %while3A_27 = arith.addi %while3A_25, %while3A_26 : i32
    %while3A_28 = arith.constant 1 : i32
    %while3A_29 = arith.divsi %while3A_26, %while3A_28 : i32
    %while3A_30 = arith.muli %while3A_29, %while3A_28 : i32
    %while3A_31 = arith.addi %while3A_25, %while3A_30 : i32
    %while3A_32 = arith.constant 1 : i32
    scf.for %while3A_37 = %while3A_25 to %while3A_31 step %while3A_32  : i32 {
      %mul3A_38 = arith.constant 8 : i32
      %mul3A_39 = arith.muli %while3A_37, %mul3A_38 : i32
      %add3A_40 = arith.addi %add3A, %mul3A_39 : i32
      "tpu.region"() ({
        %run_scoped3A = tpu.sem_alloc : memref<!tpu.dma_semaphore, #tpu.memory_space<semaphore_mem>>
        %dma_start3A_58 = arith.constant 0 : i32
        %dma_start3A_59 = tpu.memref_slice %arg3[%add3A_40, %dma_start3A_58] : memref<2560x128xi32, #tpu.memory_space<hbm>> -> memref<8x128xi32, #tpu.memory_space<hbm>>
        %dma_start3A_60 = arith.constant 0 : i32
        %dma_start3A_61 = tpu.memref_slice %arg3[%add3A_40, %dma_start3A_60] : memref<2560x128xi32, #tpu.memory_space<hbm>> -> memref<8x128xi32, #tpu.memory_space<hbm>>
        tpu.enqueue_dma source(%dma_start3A_61 : memref<8x128xi32, #tpu.memory_space<hbm>>) target(%arg7 : memref<8x128xi32, #tpu.memory_space<vmem>>) target_semaphore(%run_scoped3A : memref<!tpu.dma_semaphore, #tpu.memory_space<semaphore_mem>>)
        %dma_wait3A_62 = arith.constant 0 : i32
        %dma_wait3A_63 = tpu.memref_slice %arg3[%add3A_40, %dma_wait3A_62] : memref<2560x128xi32, #tpu.memory_space<hbm>> -> memref<8x128xi32, #tpu.memory_space<hbm>>
        %dma_wait3A_64 = arith.constant 0 : i32
        %dma_wait3A_65 = tpu.memref_slice %arg3[%add3A_40, %dma_wait3A_64] : memref<2560x128xi32, #tpu.memory_space<hbm>> -> memref<8x128xi32, #tpu.memory_space<hbm>>
        tpu.wait_dma2 semaphore(%run_scoped3A : memref<!tpu.dma_semaphore, #tpu.memory_space<semaphore_mem>>) src(%dma_wait3A_65 : memref<8x128xi32, #tpu.memory_space<hbm>>) dst(%arg7 : memref<8x128xi32, #tpu.memory_space<vmem>>)
        tpu.yield
      }) : () -> ()
      "tpu.region"() ({
        %run_scoped3A = tpu.sem_alloc : memref<!tpu.dma_semaphore, #tpu.memory_space<semaphore_mem>>
        %dma_start3A_58 = arith.constant 0 : i32
        %dma_start3A_59 = tpu.memref_slice %arg4[%add3A_40, %dma_start3A_58] : memref<2560x128xi32, #tpu.memory_space<hbm>> -> memref<8x128xi32, #tpu.memory_space<hbm>>
        %dma_start3A_60 = arith.constant 0 : i32
        %dma_start3A_61 = tpu.memref_slice %arg4[%add3A_40, %dma_start3A_60] : memref<2560x128xi32, #tpu.memory_space<hbm>> -> memref<8x128xi32, #tpu.memory_space<hbm>>
        tpu.enqueue_dma source(%dma_start3A_61 : memref<8x128xi32, #tpu.memory_space<hbm>>) target(%arg8 : memref<8x128xi32, #tpu.memory_space<vmem>>) target_semaphore(%run_scoped3A : memref<!tpu.dma_semaphore, #tpu.memory_space<semaphore_mem>>)
        %dma_wait3A_62 = arith.constant 0 : i32
        %dma_wait3A_63 = tpu.memref_slice %arg4[%add3A_40, %dma_wait3A_62] : memref<2560x128xi32, #tpu.memory_space<hbm>> -> memref<8x128xi32, #tpu.memory_space<hbm>>
        %dma_wait3A_64 = arith.constant 0 : i32
        %dma_wait3A_65 = tpu.memref_slice %arg4[%add3A_40, %dma_wait3A_64] : memref<2560x128xi32, #tpu.memory_space<hbm>> -> memref<8x128xi32, #tpu.memory_space<hbm>>
        tpu.wait_dma2 semaphore(%run_scoped3A : memref<!tpu.dma_semaphore, #tpu.memory_space<semaphore_mem>>) src(%dma_wait3A_65 : memref<8x128xi32, #tpu.memory_space<hbm>>) dst(%arg8 : memref<8x128xi32, #tpu.memory_space<vmem>>)
        tpu.yield
      }) : () -> ()
      %dma_start3A = arith.constant 0 : i32
      %dma_start3A_41 = arith.constant 0 : i32
      %dma_start3A_42 = tpu.memref_slice %arg7[%dma_start3A, %dma_start3A_41] : memref<8x128xi32, #tpu.memory_space<vmem>> -> memref<1x128xi32, #tpu.memory_space<vmem>>
      %dma_start3A_43 = tpu.memref_squeeze %dma_start3A_42 : memref<1x128xi32, #tpu.memory_space<vmem>> -> memref<128xi32, #tpu.memory_space<vmem>>
      %dma_start3A_44 = arith.constant 0 : i32
      %dma_start3A_45 = arith.constant 0 : i32
      %dma_start3A_46 = tpu.memref_slice %arg2[%dma_start3A_44, %dma_start3A_45] : memref<10000x128xf32, #tpu.memory_space<hbm>> -> memref<10000x128xf32, #tpu.memory_space<hbm>>
      tpu.enqueue_indirect_dma source(%dma_start3A_46 : memref<10000x128xf32, #tpu.memory_space<hbm>>) target(%arg9 : memref<128x128xf32, #tpu.memory_space<vmem>>) offsets(%dma_start3A_43 : memref<128xi32, #tpu.memory_space<vmem>>) semaphore(%arg11 : memref<!tpu.dma_semaphore, #tpu.memory_space<semaphore_mem>>)
      %scan3A = arith.constant 0 : i32
      %scan3A_47 = arith.constant 0 : i32
      %scan3A_48 = arith.constant 4 : i32
      %scan3A_49 = arith.addi %scan3A_47, %scan3A_48 : i32
      %scan3A_50 = arith.constant 1 : i32
      scf.for %scan3A_58 = %scan3A_47 to %scan3A_49 step %scan3A_50  : i32 {
        %mul3A_59 = arith.constant 2 : i32
        %mul3A_60 = arith.muli %mul3A_59, %scan3A_58 : i32
        %dma_wait3A_61 = arith.constant 0 : i32
        %dma_wait3A_62 = tpu.memref_slice %arg7[%mul3A_60, %dma_wait3A_61] : memref<8x128xi32, #tpu.memory_space<vmem>> -> memref<1x128xi32, #tpu.memory_space<vmem>>
        %dma_wait3A_63 = tpu.memref_squeeze %dma_wait3A_62 : memref<1x128xi32, #tpu.memory_space<vmem>> -> memref<128xi32, #tpu.memory_space<vmem>>
        %dma_wait3A_64 = arith.constant 0 : i32
        %dma_wait3A_65 = arith.constant 0 : i32
        %dma_wait3A_66 = tpu.memref_slice %arg2[%dma_wait3A_64, %dma_wait3A_65] : memref<10000x128xf32, #tpu.memory_space<hbm>> -> memref<10000x128xf32, #tpu.memory_space<hbm>>
        tpu.wait_indirect_dma semaphore(%arg11 : memref<!tpu.dma_semaphore, #tpu.memory_space<semaphore_mem>>) src(%dma_wait3A_66 : memref<10000x128xf32, #tpu.memory_space<hbm>>) dst(%arg9 : memref<128x128xf32, #tpu.memory_space<vmem>>)
        %add3A_67 = arith.constant 1 : i32
        %add3A_68 = arith.addi %mul3A_60, %add3A_67 : i32
        %dma_start3A_69 = arith.constant 0 : i32
        %dma_start3A_70 = tpu.memref_slice %arg7[%add3A_68, %dma_start3A_69] : memref<8x128xi32, #tpu.memory_space<vmem>> -> memref<1x128xi32, #tpu.memory_space<vmem>>
        %dma_start3A_71 = tpu.memref_squeeze %dma_start3A_70 : memref<1x128xi32, #tpu.memory_space<vmem>> -> memref<128xi32, #tpu.memory_space<vmem>>
        %dma_start3A_72 = arith.constant 0 : i32
        %dma_start3A_73 = arith.constant 0 : i32
        %dma_start3A_74 = tpu.memref_slice %arg2[%dma_start3A_72, %dma_start3A_73] : memref<10000x128xf32, #tpu.memory_space<hbm>> -> memref<10000x128xf32, #tpu.memory_space<hbm>>
        tpu.enqueue_indirect_dma source(%dma_start3A_74 : memref<10000x128xf32, #tpu.memory_space<hbm>>) target(%arg10 : memref<128x128xf32, #tpu.memory_space<vmem>>) offsets(%dma_start3A_71 : memref<128xi32, #tpu.memory_space<vmem>>) semaphore(%arg12 : memref<!tpu.dma_semaphore, #tpu.memory_space<semaphore_mem>>)
        "tpu.region"() ({
          %run_scoped3A = tpu.sem_alloc : memref<!tpu.dma_semaphore, #tpu.memory_space<semaphore_mem>>
          %dma_start3A_94 = arith.constant 0 : i32
          %dma_start3A_95 = tpu.memref_slice %arg8[%mul3A_60, %dma_start3A_94] : memref<8x128xi32, #tpu.memory_space<vmem>> -> memref<1x128xi32, #tpu.memory_space<vmem>>
          %dma_start3A_96 = tpu.memref_squeeze %dma_start3A_95 : memref<1x128xi32, #tpu.memory_space<vmem>> -> memref<128xi32, #tpu.memory_space<vmem>>
          %dma_start3A_97 = arith.constant 0 : i32
          %dma_start3A_98 = arith.constant 0 : i32
          %dma_start3A_99 = tpu.memref_slice %arg13[%dma_start3A_97, %dma_start3A_98] : memref<10240x128xf32, #tpu.memory_space<vmem_shared>> -> memref<10240x128xf32, #tpu.memory_space<vmem_shared>>
          tpu.enqueue_indirect_dma source(%arg9 : memref<128x128xf32, #tpu.memory_space<vmem>>) target(%dma_start3A_99 : memref<10240x128xf32, #tpu.memory_space<vmem_shared>>) offsets(%dma_start3A_96 : memref<128xi32, #tpu.memory_space<vmem>>) semaphore(%run_scoped3A : memref<!tpu.dma_semaphore, #tpu.memory_space<semaphore_mem>>) {add = true}
          %dma_wait3A_100 = arith.constant 0 : i32
          %dma_wait3A_101 = tpu.memref_slice %arg8[%mul3A_60, %dma_wait3A_100] : memref<8x128xi32, #tpu.memory_space<vmem>> -> memref<1x128xi32, #tpu.memory_space<vmem>>
          %dma_wait3A_102 = tpu.memref_squeeze %dma_wait3A_101 : memref<1x128xi32, #tpu.memory_space<vmem>> -> memref<128xi32, #tpu.memory_space<vmem>>
          %dma_wait3A_103 = arith.constant 0 : i32
          %dma_wait3A_104 = arith.constant 0 : i32
          %dma_wait3A_105 = tpu.memref_slice %arg13[%dma_wait3A_103, %dma_wait3A_104] : memref<10240x128xf32, #tpu.memory_space<vmem_shared>> -> memref<10240x128xf32, #tpu.memory_space<vmem_shared>>
          tpu.wait_indirect_dma semaphore(%run_scoped3A : memref<!tpu.dma_semaphore, #tpu.memory_space<semaphore_mem>>) src(%arg9 : memref<128x128xf32, #tpu.memory_space<vmem>>) dst(%dma_wait3A_105 : memref<10240x128xf32, #tpu.memory_space<vmem_shared>>)
          tpu.yield
        }) : () -> ()
        %add3A_75 = arith.constant 1 : i32
        %add3A_76 = arith.addi %mul3A_60, %add3A_75 : i32
        %dma_wait3A_77 = arith.constant 0 : i32
        %dma_wait3A_78 = tpu.memref_slice %arg7[%add3A_76, %dma_wait3A_77] : memref<8x128xi32, #tpu.memory_space<vmem>> -> memref<1x128xi32, #tpu.memory_space<vmem>>
        %dma_wait3A_79 = tpu.memref_squeeze %dma_wait3A_78 : memref<1x128xi32, #tpu.memory_space<vmem>> -> memref<128xi32, #tpu.memory_space<vmem>>
        %dma_wait3A_80 = arith.constant 0 : i32
        %dma_wait3A_81 = arith.constant 0 : i32
        %dma_wait3A_82 = tpu.memref_slice %arg2[%dma_wait3A_80, %dma_wait3A_81] : memref<10000x128xf32, #tpu.memory_space<hbm>> -> memref<10000x128xf32, #tpu.memory_space<hbm>>
        tpu.wait_indirect_dma semaphore(%arg12 : memref<!tpu.dma_semaphore, #tpu.memory_space<semaphore_mem>>) src(%dma_wait3A_82 : memref<10000x128xf32, #tpu.memory_space<hbm>>) dst(%arg10 : memref<128x128xf32, #tpu.memory_space<vmem>>)
        %add3A_83 = arith.constant 2 : i32
        %add3A_84 = arith.addi %mul3A_60, %add3A_83 : i32
        %min3A = arith.constant 7 : i32
        %min3A_85 = arith.minsi %add3A_84, %min3A : i32
        %dma_start3A_86 = arith.constant 0 : i32
        %dma_start3A_87 = tpu.memref_slice %arg7[%min3A_85, %dma_start3A_86] : memref<8x128xi32, #tpu.memory_space<vmem>> -> memref<1x128xi32, #tpu.memory_space<vmem>>
        %dma_start3A_88 = tpu.memref_squeeze %dma_start3A_87 : memref<1x128xi32, #tpu.memory_space<vmem>> -> memref<128xi32, #tpu.memory_space<vmem>>
        %dma_start3A_89 = arith.constant 0 : i32
        %dma_start3A_90 = arith.constant 0 : i32
        %dma_start3A_91 = tpu.memref_slice %arg2[%dma_start3A_89, %dma_start3A_90] : memref<10000x128xf32, #tpu.memory_space<hbm>> -> memref<10000x128xf32, #tpu.memory_space<hbm>>
        tpu.enqueue_indirect_dma source(%dma_start3A_91 : memref<10000x128xf32, #tpu.memory_space<hbm>>) target(%arg9 : memref<128x128xf32, #tpu.memory_space<vmem>>) offsets(%dma_start3A_88 : memref<128xi32, #tpu.memory_space<vmem>>) semaphore(%arg11 : memref<!tpu.dma_semaphore, #tpu.memory_space<semaphore_mem>>)
        %add3A_92 = arith.constant 1 : i32
        %add3A_93 = arith.addi %mul3A_60, %add3A_92 : i32
        "tpu.region"() ({
          %run_scoped3A = tpu.sem_alloc : memref<!tpu.dma_semaphore, #tpu.memory_space<semaphore_mem>>
          %dma_start3A_94 = arith.constant 0 : i32
          %dma_start3A_95 = tpu.memref_slice %arg8[%add3A_93, %dma_start3A_94] : memref<8x128xi32, #tpu.memory_space<vmem>> -> memref<1x128xi32, #tpu.memory_space<vmem>>
          %dma_start3A_96 = tpu.memref_squeeze %dma_start3A_95 : memref<1x128xi32, #tpu.memory_space<vmem>> -> memref<128xi32, #tpu.memory_space<vmem>>
          %dma_start3A_97 = arith.constant 0 : i32
          %dma_start3A_98 = arith.constant 0 : i32
          %dma_start3A_99 = tpu.memref_slice %arg13[%dma_start3A_97, %dma_start3A_98] : memref<10240x128xf32, #tpu.memory_space<vmem_shared>> -> memref<10240x128xf32, #tpu.memory_space<vmem_shared>>
          tpu.enqueue_indirect_dma source(%arg10 : memref<128x128xf32, #tpu.memory_space<vmem>>) target(%dma_start3A_99 : memref<10240x128xf32, #tpu.memory_space<vmem_shared>>) offsets(%dma_start3A_96 : memref<128xi32, #tpu.memory_space<vmem>>) semaphore(%run_scoped3A : memref<!tpu.dma_semaphore, #tpu.memory_space<semaphore_mem>>) {add = true}
          %dma_wait3A_100 = arith.constant 0 : i32
          %dma_wait3A_101 = tpu.memref_slice %arg8[%add3A_93, %dma_wait3A_100] : memref<8x128xi32, #tpu.memory_space<vmem>> -> memref<1x128xi32, #tpu.memory_space<vmem>>
          %dma_wait3A_102 = tpu.memref_squeeze %dma_wait3A_101 : memref<1x128xi32, #tpu.memory_space<vmem>> -> memref<128xi32, #tpu.memory_space<vmem>>
          %dma_wait3A_103 = arith.constant 0 : i32
          %dma_wait3A_104 = arith.constant 0 : i32
          %dma_wait3A_105 = tpu.memref_slice %arg13[%dma_wait3A_103, %dma_wait3A_104] : memref<10240x128xf32, #tpu.memory_space<vmem_shared>> -> memref<10240x128xf32, #tpu.memory_space<vmem_shared>>
          tpu.wait_indirect_dma semaphore(%run_scoped3A : memref<!tpu.dma_semaphore, #tpu.memory_space<semaphore_mem>>) src(%arg10 : memref<128x128xf32, #tpu.memory_space<vmem>>) dst(%dma_wait3A_105 : memref<10240x128xf32, #tpu.memory_space<vmem_shared>>)
          tpu.yield
        }) : () -> ()
      }
      %scan3A_51 = arith.constant 4 : i32
      %dma_wait3A = arith.constant 7 : i32
      %dma_wait3A_52 = arith.constant 0 : i32
      %dma_wait3A_53 = tpu.memref_slice %arg7[%dma_wait3A, %dma_wait3A_52] : memref<8x128xi32, #tpu.memory_space<vmem>> -> memref<1x128xi32, #tpu.memory_space<vmem>>
      %dma_wait3A_54 = tpu.memref_squeeze %dma_wait3A_53 : memref<1x128xi32, #tpu.memory_space<vmem>> -> memref<128xi32, #tpu.memory_space<vmem>>
      %dma_wait3A_55 = arith.constant 0 : i32
      %dma_wait3A_56 = arith.constant 0 : i32
      %dma_wait3A_57 = tpu.memref_slice %arg2[%dma_wait3A_55, %dma_wait3A_56] : memref<10000x128xf32, #tpu.memory_space<hbm>> -> memref<10000x128xf32, #tpu.memory_space<hbm>>
      tpu.wait_indirect_dma semaphore(%arg11 : memref<!tpu.dma_semaphore, #tpu.memory_space<semaphore_mem>>) src(%dma_wait3A_57 : memref<10000x128xf32, #tpu.memory_space<hbm>>) dst(%arg9 : memref<128x128xf32, #tpu.memory_space<vmem>>)
    }
    %while3A_33 = arith.constant 1 : i32
    scf.for %while3A_37 = %while3A_31 to %while3A_27 step %while3A_33  : i32 {
      %mul3A_38 = arith.constant 8 : i32
      %mul3A_39 = arith.muli %while3A_37, %mul3A_38 : i32
      %add3A_40 = arith.addi %add3A, %mul3A_39 : i32
      "tpu.region"() ({
        %run_scoped3A = tpu.sem_alloc : memref<!tpu.dma_semaphore, #tpu.memory_space<semaphore_mem>>
        %dma_start3A_58 = arith.constant 0 : i32
        %dma_start3A_59 = tpu.memref_slice %arg3[%add3A_40, %dma_start3A_58] : memref<2560x128xi32, #tpu.memory_space<hbm>> -> memref<8x128xi32, #tpu.memory_space<hbm>>
        %dma_start3A_60 = arith.constant 0 : i32
        %dma_start3A_61 = tpu.memref_slice %arg3[%add3A_40, %dma_start3A_60] : memref<2560x128xi32, #tpu.memory_space<hbm>> -> memref<8x128xi32, #tpu.memory_space<hbm>>
        tpu.enqueue_dma source(%dma_start3A_61 : memref<8x128xi32, #tpu.memory_space<hbm>>) target(%arg7 : memref<8x128xi32, #tpu.memory_space<vmem>>) target_semaphore(%run_scoped3A : memref<!tpu.dma_semaphore, #tpu.memory_space<semaphore_mem>>)
        %dma_wait3A_62 = arith.constant 0 : i32
        %dma_wait3A_63 = tpu.memref_slice %arg3[%add3A_40, %dma_wait3A_62] : memref<2560x128xi32, #tpu.memory_space<hbm>> -> memref<8x128xi32, #tpu.memory_space<hbm>>
        %dma_wait3A_64 = arith.constant 0 : i32
        %dma_wait3A_65 = tpu.memref_slice %arg3[%add3A_40, %dma_wait3A_64] : memref<2560x128xi32, #tpu.memory_space<hbm>> -> memref<8x128xi32, #tpu.memory_space<hbm>>
        tpu.wait_dma2 semaphore(%run_scoped3A : memref<!tpu.dma_semaphore, #tpu.memory_space<semaphore_mem>>) src(%dma_wait3A_65 : memref<8x128xi32, #tpu.memory_space<hbm>>) dst(%arg7 : memref<8x128xi32, #tpu.memory_space<vmem>>)
        tpu.yield
      }) : () -> ()
      "tpu.region"() ({
        %run_scoped3A = tpu.sem_alloc : memref<!tpu.dma_semaphore, #tpu.memory_space<semaphore_mem>>
        %dma_start3A_58 = arith.constant 0 : i32
        %dma_start3A_59 = tpu.memref_slice %arg4[%add3A_40, %dma_start3A_58] : memref<2560x128xi32, #tpu.memory_space<hbm>> -> memref<8x128xi32, #tpu.memory_space<hbm>>
        %dma_start3A_60 = arith.constant 0 : i32
        %dma_start3A_61 = tpu.memref_slice %arg4[%add3A_40, %dma_start3A_60] : memref<2560x128xi32, #tpu.memory_space<hbm>> -> memref<8x128xi32, #tpu.memory_space<hbm>>
        tpu.enqueue_dma source(%dma_start3A_61 : memref<8x128xi32, #tpu.memory_space<hbm>>) target(%arg8 : memref<8x128xi32, #tpu.memory_space<vmem>>) target_semaphore(%run_scoped3A : memref<!tpu.dma_semaphore, #tpu.memory_space<semaphore_mem>>)
        %dma_wait3A_62 = arith.constant 0 : i32
        %dma_wait3A_63 = tpu.memref_slice %arg4[%add3A_40, %dma_wait3A_62] : memref<2560x128xi32, #tpu.memory_space<hbm>> -> memref<8x128xi32, #tpu.memory_space<hbm>>
        %dma_wait3A_64 = arith.constant 0 : i32
        %dma_wait3A_65 = tpu.memref_slice %arg4[%add3A_40, %dma_wait3A_64] : memref<2560x128xi32, #tpu.memory_space<hbm>> -> memref<8x128xi32, #tpu.memory_space<hbm>>
        tpu.wait_dma2 semaphore(%run_scoped3A : memref<!tpu.dma_semaphore, #tpu.memory_space<semaphore_mem>>) src(%dma_wait3A_65 : memref<8x128xi32, #tpu.memory_space<hbm>>) dst(%arg8 : memref<8x128xi32, #tpu.memory_space<vmem>>)
        tpu.yield
      }) : () -> ()
      %dma_start3A = arith.constant 0 : i32
      %dma_start3A_41 = arith.constant 0 : i32
      %dma_start3A_42 = tpu.memref_slice %arg7[%dma_start3A, %dma_start3A_41] : memref<8x128xi32, #tpu.memory_space<vmem>> -> memref<1x128xi32, #tpu.memory_space<vmem>>
      %dma_start3A_43 = tpu.memref_squeeze %dma_start3A_42 : memref<1x128xi32, #tpu.memory_space<vmem>> -> memref<128xi32, #tpu.memory_space<vmem>>
      %dma_start3A_44 = arith.constant 0 : i32
      %dma_start3A_45 = arith.constant 0 : i32
      %dma_start3A_46 = tpu.memref_slice %arg2[%dma_start3A_44, %dma_start3A_45] : memref<10000x128xf32, #tpu.memory_space<hbm>> -> memref<10000x128xf32, #tpu.memory_space<hbm>>
      tpu.enqueue_indirect_dma source(%dma_start3A_46 : memref<10000x128xf32, #tpu.memory_space<hbm>>) target(%arg9 : memref<128x128xf32, #tpu.memory_space<vmem>>) offsets(%dma_start3A_43 : memref<128xi32, #tpu.memory_space<vmem>>) semaphore(%arg11 : memref<!tpu.dma_semaphore, #tpu.memory_space<semaphore_mem>>)
      %scan3A = arith.constant 0 : i32
      %scan3A_47 = arith.constant 0 : i32
      %scan3A_48 = arith.constant 4 : i32
      %scan3A_49 = arith.addi %scan3A_47, %scan3A_48 : i32
      %scan3A_50 = arith.constant 1 : i32
      scf.for %scan3A_58 = %scan3A_47 to %scan3A_49 step %scan3A_50  : i32 {
        %mul3A_59 = arith.constant 2 : i32
        %mul3A_60 = arith.muli %mul3A_59, %scan3A_58 : i32
        %dma_wait3A_61 = arith.constant 0 : i32
        %dma_wait3A_62 = tpu.memref_slice %arg7[%mul3A_60, %dma_wait3A_61] : memref<8x128xi32, #tpu.memory_space<vmem>> -> memref<1x128xi32, #tpu.memory_space<vmem>>
        %dma_wait3A_63 = tpu.memref_squeeze %dma_wait3A_62 : memref<1x128xi32, #tpu.memory_space<vmem>> -> memref<128xi32, #tpu.memory_space<vmem>>
        %dma_wait3A_64 = arith.constant 0 : i32
        %dma_wait3A_65 = arith.constant 0 : i32
        %dma_wait3A_66 = tpu.memref_slice %arg2[%dma_wait3A_64, %dma_wait3A_65] : memref<10000x128xf32, #tpu.memory_space<hbm>> -> memref<10000x128xf32, #tpu.memory_space<hbm>>
        tpu.wait_indirect_dma semaphore(%arg11 : memref<!tpu.dma_semaphore, #tpu.memory_space<semaphore_mem>>) src(%dma_wait3A_66 : memref<10000x128xf32, #tpu.memory_space<hbm>>) dst(%arg9 : memref<128x128xf32, #tpu.memory_space<vmem>>)
        %add3A_67 = arith.constant 1 : i32
        %add3A_68 = arith.addi %mul3A_60, %add3A_67 : i32
        %dma_start3A_69 = arith.constant 0 : i32
        %dma_start3A_70 = tpu.memref_slice %arg7[%add3A_68, %dma_start3A_69] : memref<8x128xi32, #tpu.memory_space<vmem>> -> memref<1x128xi32, #tpu.memory_space<vmem>>
        %dma_start3A_71 = tpu.memref_squeeze %dma_start3A_70 : memref<1x128xi32, #tpu.memory_space<vmem>> -> memref<128xi32, #tpu.memory_space<vmem>>
        %dma_start3A_72 = arith.constant 0 : i32
        %dma_start3A_73 = arith.constant 0 : i32
        %dma_start3A_74 = tpu.memref_slice %arg2[%dma_start3A_72, %dma_start3A_73] : memref<10000x128xf32, #tpu.memory_space<hbm>> -> memref<10000x128xf32, #tpu.memory_space<hbm>>
        tpu.enqueue_indirect_dma source(%dma_start3A_74 : memref<10000x128xf32, #tpu.memory_space<hbm>>) target(%arg10 : memref<128x128xf32, #tpu.memory_space<vmem>>) offsets(%dma_start3A_71 : memref<128xi32, #tpu.memory_space<vmem>>) semaphore(%arg12 : memref<!tpu.dma_semaphore, #tpu.memory_space<semaphore_mem>>)
        "tpu.region"() ({
          %run_scoped3A = tpu.sem_alloc : memref<!tpu.dma_semaphore, #tpu.memory_space<semaphore_mem>>
          %dma_start3A_94 = arith.constant 0 : i32
          %dma_start3A_95 = tpu.memref_slice %arg8[%mul3A_60, %dma_start3A_94] : memref<8x128xi32, #tpu.memory_space<vmem>> -> memref<1x128xi32, #tpu.memory_space<vmem>>
          %dma_start3A_96 = tpu.memref_squeeze %dma_start3A_95 : memref<1x128xi32, #tpu.memory_space<vmem>> -> memref<128xi32, #tpu.memory_space<vmem>>
          %dma_start3A_97 = arith.constant 0 : i32
          %dma_start3A_98 = arith.constant 0 : i32
          %dma_start3A_99 = tpu.memref_slice %arg13[%dma_start3A_97, %dma_start3A_98] : memref<10240x128xf32, #tpu.memory_space<vmem_shared>> -> memref<10240x128xf32, #tpu.memory_space<vmem_shared>>
          tpu.enqueue_indirect_dma source(%arg9 : memref<128x128xf32, #tpu.memory_space<vmem>>) target(%dma_start3A_99 : memref<10240x128xf32, #tpu.memory_space<vmem_shared>>) offsets(%dma_start3A_96 : memref<128xi32, #tpu.memory_space<vmem>>) semaphore(%run_scoped3A : memref<!tpu.dma_semaphore, #tpu.memory_space<semaphore_mem>>) {add = true}
          %dma_wait3A_100 = arith.constant 0 : i32
          %dma_wait3A_101 = tpu.memref_slice %arg8[%mul3A_60, %dma_wait3A_100] : memref<8x128xi32, #tpu.memory_space<vmem>> -> memref<1x128xi32, #tpu.memory_space<vmem>>
          %dma_wait3A_102 = tpu.memref_squeeze %dma_wait3A_101 : memref<1x128xi32, #tpu.memory_space<vmem>> -> memref<128xi32, #tpu.memory_space<vmem>>
          %dma_wait3A_103 = arith.constant 0 : i32
          %dma_wait3A_104 = arith.constant 0 : i32
          %dma_wait3A_105 = tpu.memref_slice %arg13[%dma_wait3A_103, %dma_wait3A_104] : memref<10240x128xf32, #tpu.memory_space<vmem_shared>> -> memref<10240x128xf32, #tpu.memory_space<vmem_shared>>
          tpu.wait_indirect_dma semaphore(%run_scoped3A : memref<!tpu.dma_semaphore, #tpu.memory_space<semaphore_mem>>) src(%arg9 : memref<128x128xf32, #tpu.memory_space<vmem>>) dst(%dma_wait3A_105 : memref<10240x128xf32, #tpu.memory_space<vmem_shared>>)
          tpu.yield
        }) : () -> ()
        %add3A_75 = arith.constant 1 : i32
        %add3A_76 = arith.addi %mul3A_60, %add3A_75 : i32
        %dma_wait3A_77 = arith.constant 0 : i32
        %dma_wait3A_78 = tpu.memref_slice %arg7[%add3A_76, %dma_wait3A_77] : memref<8x128xi32, #tpu.memory_space<vmem>> -> memref<1x128xi32, #tpu.memory_space<vmem>>
        %dma_wait3A_79 = tpu.memref_squeeze %dma_wait3A_78 : memref<1x128xi32, #tpu.memory_space<vmem>> -> memref<128xi32, #tpu.memory_space<vmem>>
        %dma_wait3A_80 = arith.constant 0 : i32
        %dma_wait3A_81 = arith.constant 0 : i32
        %dma_wait3A_82 = tpu.memref_slice %arg2[%dma_wait3A_80, %dma_wait3A_81] : memref<10000x128xf32, #tpu.memory_space<hbm>> -> memref<10000x128xf32, #tpu.memory_space<hbm>>
        tpu.wait_indirect_dma semaphore(%arg12 : memref<!tpu.dma_semaphore, #tpu.memory_space<semaphore_mem>>) src(%dma_wait3A_82 : memref<10000x128xf32, #tpu.memory_space<hbm>>) dst(%arg10 : memref<128x128xf32, #tpu.memory_space<vmem>>)
        %add3A_83 = arith.constant 2 : i32
        %add3A_84 = arith.addi %mul3A_60, %add3A_83 : i32
        %min3A = arith.constant 7 : i32
        %min3A_85 = arith.minsi %add3A_84, %min3A : i32
        %dma_start3A_86 = arith.constant 0 : i32
        %dma_start3A_87 = tpu.memref_slice %arg7[%min3A_85, %dma_start3A_86] : memref<8x128xi32, #tpu.memory_space<vmem>> -> memref<1x128xi32, #tpu.memory_space<vmem>>
        %dma_start3A_88 = tpu.memref_squeeze %dma_start3A_87 : memref<1x128xi32, #tpu.memory_space<vmem>> -> memref<128xi32, #tpu.memory_space<vmem>>
        %dma_start3A_89 = arith.constant 0 : i32
        %dma_start3A_90 = arith.constant 0 : i32
        %dma_start3A_91 = tpu.memref_slice %arg2[%dma_start3A_89, %dma_start3A_90] : memref<10000x128xf32, #tpu.memory_space<hbm>> -> memref<10000x128xf32, #tpu.memory_space<hbm>>
        tpu.enqueue_indirect_dma source(%dma_start3A_91 : memref<10000x128xf32, #tpu.memory_space<hbm>>) target(%arg9 : memref<128x128xf32, #tpu.memory_space<vmem>>) offsets(%dma_start3A_88 : memref<128xi32, #tpu.memory_space<vmem>>) semaphore(%arg11 : memref<!tpu.dma_semaphore, #tpu.memory_space<semaphore_mem>>)
        %add3A_92 = arith.constant 1 : i32
        %add3A_93 = arith.addi %mul3A_60, %add3A_92 : i32
        "tpu.region"() ({
          %run_scoped3A = tpu.sem_alloc : memref<!tpu.dma_semaphore, #tpu.memory_space<semaphore_mem>>
          %dma_start3A_94 = arith.constant 0 : i32
          %dma_start3A_95 = tpu.memref_slice %arg8[%add3A_93, %dma_start3A_94] : memref<8x128xi32, #tpu.memory_space<vmem>> -> memref<1x128xi32, #tpu.memory_space<vmem>>
          %dma_start3A_96 = tpu.memref_squeeze %dma_start3A_95 : memref<1x128xi32, #tpu.memory_space<vmem>> -> memref<128xi32, #tpu.memory_space<vmem>>
          %dma_start3A_97 = arith.constant 0 : i32
          %dma_start3A_98 = arith.constant 0 : i32
          %dma_start3A_99 = tpu.memref_slice %arg13[%dma_start3A_97, %dma_start3A_98] : memref<10240x128xf32, #tpu.memory_space<vmem_shared>> -> memref<10240x128xf32, #tpu.memory_space<vmem_shared>>
          tpu.enqueue_indirect_dma source(%arg10 : memref<128x128xf32, #tpu.memory_space<vmem>>) target(%dma_start3A_99 : memref<10240x128xf32, #tpu.memory_space<vmem_shared>>) offsets(%dma_start3A_96 : memref<128xi32, #tpu.memory_space<vmem>>) semaphore(%run_scoped3A : memref<!tpu.dma_semaphore, #tpu.memory_space<semaphore_mem>>) {add = true}
          %dma_wait3A_100 = arith.constant 0 : i32
          %dma_wait3A_101 = tpu.memref_slice %arg8[%add3A_93, %dma_wait3A_100] : memref<8x128xi32, #tpu.memory_space<vmem>> -> memref<1x128xi32, #tpu.memory_space<vmem>>
          %dma_wait3A_102 = tpu.memref_squeeze %dma_wait3A_101 : memref<1x128xi32, #tpu.memory_space<vmem>> -> memref<128xi32, #tpu.memory_space<vmem>>
          %dma_wait3A_103 = arith.constant 0 : i32
          %dma_wait3A_104 = arith.constant 0 : i32
          %dma_wait3A_105 = tpu.memref_slice %arg13[%dma_wait3A_103, %dma_wait3A_104] : memref<10240x128xf32, #tpu.memory_space<vmem_shared>> -> memref<10240x128xf32, #tpu.memory_space<vmem_shared>>
          tpu.wait_indirect_dma semaphore(%run_scoped3A : memref<!tpu.dma_semaphore, #tpu.memory_space<semaphore_mem>>) src(%arg10 : memref<128x128xf32, #tpu.memory_space<vmem>>) dst(%dma_wait3A_105 : memref<10240x128xf32, #tpu.memory_space<vmem_shared>>)
          tpu.yield
        }) : () -> ()
      }
      %scan3A_51 = arith.constant 4 : i32
      %dma_wait3A = arith.constant 7 : i32
      %dma_wait3A_52 = arith.constant 0 : i32
      %dma_wait3A_53 = tpu.memref_slice %arg7[%dma_wait3A, %dma_wait3A_52] : memref<8x128xi32, #tpu.memory_space<vmem>> -> memref<1x128xi32, #tpu.memory_space<vmem>>
      %dma_wait3A_54 = tpu.memref_squeeze %dma_wait3A_53 : memref<1x128xi32, #tpu.memory_space<vmem>> -> memref<128xi32, #tpu.memory_space<vmem>>
      %dma_wait3A_55 = arith.constant 0 : i32
      %dma_wait3A_56 = arith.constant 0 : i32
      %dma_wait3A_57 = tpu.memref_slice %arg2[%dma_wait3A_55, %dma_wait3A_56] : memref<10000x128xf32, #tpu.memory_space<hbm>> -> memref<10000x128xf32, #tpu.memory_space<hbm>>
      tpu.wait_indirect_dma semaphore(%arg11 : memref<!tpu.dma_semaphore, #tpu.memory_space<semaphore_mem>>) src(%dma_wait3A_57 : memref<10000x128xf32, #tpu.memory_space<hbm>>) dst(%arg9 : memref<128x128xf32, #tpu.memory_space<vmem>>)
    }
    %barrier3A_34 = arith.constant 0 : index
    tpu.barrier barrier_id(%barrier3A_34)
    %mul3A_35 = arith.constant 640 : i32
    %mul3A_36 = arith.muli %arg1, %mul3A_35 : i32
    "tpu.region"() ({
      %run_scoped3A = tpu.sem_alloc : memref<!tpu.dma_semaphore, #tpu.memory_space<semaphore_mem>>
      %dma_start3A = arith.constant 0 : i32
      %dma_start3A_37 = tpu.memref_slice %arg6[%arg0, %mul3A_36, %dma_start3A] : memref<2x10240x128xf32, #tpu.memory_space<hbm>> -> memref<1x640x128xf32, #tpu.memory_space<hbm>>
      %dma_start3A_38 = tpu.memref_squeeze %dma_start3A_37 : memref<1x640x128xf32, #tpu.memory_space<hbm>> -> memref<640x128xf32, #tpu.memory_space<hbm>>
      %dma_start3A_39 = arith.constant 0 : i32
      %dma_start3A_40 = tpu.memref_slice %arg13[%mul3A_36, %dma_start3A_39] : memref<10240x128xf32, #tpu.memory_space<vmem_shared>> -> memref<640x128xf32, #tpu.memory_space<vmem_shared>>
      tpu.enqueue_dma source(%dma_start3A_40 : memref<640x128xf32, #tpu.memory_space<vmem_shared>>) target(%dma_start3A_38 : memref<640x128xf32, #tpu.memory_space<hbm>>) target_semaphore(%run_scoped3A : memref<!tpu.dma_semaphore, #tpu.memory_space<semaphore_mem>>)
      %dma_wait3A = arith.constant 0 : i32
      %dma_wait3A_41 = tpu.memref_slice %arg6[%arg0, %mul3A_36, %dma_wait3A] : memref<2x10240x128xf32, #tpu.memory_space<hbm>> -> memref<1x640x128xf32, #tpu.memory_space<hbm>>
      %dma_wait3A_42 = tpu.memref_squeeze %dma_wait3A_41 : memref<1x640x128xf32, #tpu.memory_space<hbm>> -> memref<640x128xf32, #tpu.memory_space<hbm>>
      %dma_wait3A_43 = arith.constant 0 : i32
      %dma_wait3A_44 = tpu.memref_slice %arg13[%mul3A_36, %dma_wait3A_43] : memref<10240x128xf32, #tpu.memory_space<vmem_shared>> -> memref<640x128xf32, #tpu.memory_space<vmem_shared>>
      tpu.wait_dma2 semaphore(%run_scoped3A : memref<!tpu.dma_semaphore, #tpu.memory_space<semaphore_mem>>) src(%dma_wait3A_44 : memref<640x128xf32, #tpu.memory_space<vmem_shared>>) dst(%dma_wait3A_42 : memref<640x128xf32, #tpu.memory_space<hbm>>)
      tpu.yield
    }) : () -> ()
    return
  }
}

#map = affine_map<(d0, d1) -> (0, 0, 0)>
#map1 = affine_map<(d0, d1) -> (0, 0)>
module attributes {stable_mosaic.version = 14 : i64} {
  func.func @_sc_degree_body(%arg0: i32, %arg1: i32, %arg2: memref<32x80x128xi32, #tpu.memory_space<hbm>>, %arg3: memref<640x128xf32, #tpu.memory_space<hbm>>, %arg4: memref<128x128xf32, #tpu.memory_space<hbm>>, %arg5: memref<2x10240x128xf32, #tpu.memory_space<hbm>>, %arg6: memref<80x128xi32, #tpu.memory_space<vmem>>, %arg7: memref<128x128xf32, #tpu.memory_space<vmem>>, %arg8: memref<10240x128xf32, #tpu.memory_space<vmem_shared>>) attributes {dimension_semantics = [#tpu.dimension_semantics<core_parallel>, #tpu.dimension_semantics<subcore_parallel>], iteration_bounds = array<i64: 2, 16>, scalar_prefetch = 0 : i64, scratch_operands = 3 : i64, tpu.core_type = #tpu.core_type<sc_vector_subcore>, window_params = [{transform_indices = #map}, {transform_indices = #map1}, {transform_indices = #map1}, {transform_indices = #map}]} {
    %mul3A = arith.constant 2 : i32
    %mul3A_0 = arith.muli %arg1, %mul3A : i32
    %add3A = arith.addi %mul3A_0, %arg0 : i32
    "tpu.region"() ({
      %run_scoped3A = tpu.sem_alloc : memref<!tpu.dma_semaphore, #tpu.memory_space<semaphore_mem>>
      %dma_start3A = arith.constant 0 : i32
      %dma_start3A_11 = arith.constant 0 : i32
      %dma_start3A_12 = tpu.memref_slice %arg2[%add3A, %dma_start3A, %dma_start3A_11] : memref<32x80x128xi32, #tpu.memory_space<hbm>> -> memref<1x80x128xi32, #tpu.memory_space<hbm>>
      %dma_start3A_13 = tpu.memref_squeeze %dma_start3A_12 : memref<1x80x128xi32, #tpu.memory_space<hbm>> -> memref<80x128xi32, #tpu.memory_space<hbm>>
      %dma_start3A_14 = arith.constant 0 : i32
      %dma_start3A_15 = arith.constant 0 : i32
      %dma_start3A_16 = tpu.memref_slice %arg2[%add3A, %dma_start3A_14, %dma_start3A_15] : memref<32x80x128xi32, #tpu.memory_space<hbm>> -> memref<1x80x128xi32, #tpu.memory_space<hbm>>
      %dma_start3A_17 = tpu.memref_squeeze %dma_start3A_16 : memref<1x80x128xi32, #tpu.memory_space<hbm>> -> memref<80x128xi32, #tpu.memory_space<hbm>>
      tpu.enqueue_dma source(%dma_start3A_17 : memref<80x128xi32, #tpu.memory_space<hbm>>) target(%arg6 : memref<80x128xi32, #tpu.memory_space<vmem>>) target_semaphore(%run_scoped3A : memref<!tpu.dma_semaphore, #tpu.memory_space<semaphore_mem>>)
      %dma_wait3A = arith.constant 0 : i32
      %dma_wait3A_18 = arith.constant 0 : i32
      %dma_wait3A_19 = tpu.memref_slice %arg2[%add3A, %dma_wait3A, %dma_wait3A_18] : memref<32x80x128xi32, #tpu.memory_space<hbm>> -> memref<1x80x128xi32, #tpu.memory_space<hbm>>
      %dma_wait3A_20 = tpu.memref_squeeze %dma_wait3A_19 : memref<1x80x128xi32, #tpu.memory_space<hbm>> -> memref<80x128xi32, #tpu.memory_space<hbm>>
      %dma_wait3A_21 = arith.constant 0 : i32
      %dma_wait3A_22 = arith.constant 0 : i32
      %dma_wait3A_23 = tpu.memref_slice %arg2[%add3A, %dma_wait3A_21, %dma_wait3A_22] : memref<32x80x128xi32, #tpu.memory_space<hbm>> -> memref<1x80x128xi32, #tpu.memory_space<hbm>>
      %dma_wait3A_24 = tpu.memref_squeeze %dma_wait3A_23 : memref<1x80x128xi32, #tpu.memory_space<hbm>> -> memref<80x128xi32, #tpu.memory_space<hbm>>
      tpu.wait_dma2 semaphore(%run_scoped3A : memref<!tpu.dma_semaphore, #tpu.memory_space<semaphore_mem>>) src(%dma_wait3A_24 : memref<80x128xi32, #tpu.memory_space<hbm>>) dst(%arg6 : memref<80x128xi32, #tpu.memory_space<vmem>>)
      tpu.yield
    }) : () -> ()
    %mul3A_1 = arith.constant 640 : i32
    %mul3A_2 = arith.muli %arg1, %mul3A_1 : i32
    "tpu.region"() ({
      %run_scoped3A = tpu.sem_alloc : memref<!tpu.dma_semaphore, #tpu.memory_space<semaphore_mem>>
      %dma_start3A = arith.constant 0 : i32
      %dma_start3A_11 = tpu.memref_slice %arg8[%mul3A_2, %dma_start3A] : memref<10240x128xf32, #tpu.memory_space<vmem_shared>> -> memref<640x128xf32, #tpu.memory_space<vmem_shared>>
      tpu.enqueue_dma source(%arg3 : memref<640x128xf32, #tpu.memory_space<hbm>>) target(%dma_start3A_11 : memref<640x128xf32, #tpu.memory_space<vmem_shared>>) target_semaphore(%run_scoped3A : memref<!tpu.dma_semaphore, #tpu.memory_space<semaphore_mem>>)
      %dma_wait3A = arith.constant 0 : i32
      %dma_wait3A_12 = tpu.memref_slice %arg8[%mul3A_2, %dma_wait3A] : memref<10240x128xf32, #tpu.memory_space<vmem_shared>> -> memref<640x128xf32, #tpu.memory_space<vmem_shared>>
      tpu.wait_dma2 semaphore(%run_scoped3A : memref<!tpu.dma_semaphore, #tpu.memory_space<semaphore_mem>>) src(%arg3 : memref<640x128xf32, #tpu.memory_space<hbm>>) dst(%dma_wait3A_12 : memref<640x128xf32, #tpu.memory_space<vmem_shared>>)
      tpu.yield
    }) : () -> ()
    "tpu.region"() ({
      %run_scoped3A = tpu.sem_alloc : memref<!tpu.dma_semaphore, #tpu.memory_space<semaphore_mem>>
      tpu.enqueue_dma source(%arg4 : memref<128x128xf32, #tpu.memory_space<hbm>>) target(%arg7 : memref<128x128xf32, #tpu.memory_space<vmem>>) target_semaphore(%run_scoped3A : memref<!tpu.dma_semaphore, #tpu.memory_space<semaphore_mem>>)
      tpu.wait_dma2 semaphore(%run_scoped3A : memref<!tpu.dma_semaphore, #tpu.memory_space<semaphore_mem>>) src(%arg4 : memref<128x128xf32, #tpu.memory_space<hbm>>) dst(%arg7 : memref<128x128xf32, #tpu.memory_space<vmem>>)
      tpu.yield
    }) : () -> ()
    %barrier3A = arith.constant 0 : index
    tpu.barrier barrier_id(%barrier3A)
    %scan3A = arith.constant 0 : i32
    %scan3A_3 = arith.constant 0 : i32
    %scan3A_4 = arith.constant 80 : i32
    %scan3A_5 = arith.addi %scan3A_3, %scan3A_4 : i32
    %scan3A_6 = arith.constant 1 : i32
    scf.for %scan3A_11 = %scan3A_3 to %scan3A_5 step %scan3A_6  : i32 {
      "tpu.region"() ({
        %run_scoped3A = tpu.sem_alloc : memref<!tpu.dma_semaphore, #tpu.memory_space<semaphore_mem>>
        %dma_start3A = arith.constant 0 : i32
        %dma_start3A_12 = tpu.memref_slice %arg6[%scan3A_11, %dma_start3A] : memref<80x128xi32, #tpu.memory_space<vmem>> -> memref<1x128xi32, #tpu.memory_space<vmem>>
        %dma_start3A_13 = tpu.memref_squeeze %dma_start3A_12 : memref<1x128xi32, #tpu.memory_space<vmem>> -> memref<128xi32, #tpu.memory_space<vmem>>
        %dma_start3A_14 = arith.constant 0 : i32
        %dma_start3A_15 = arith.constant 0 : i32
        %dma_start3A_16 = tpu.memref_slice %arg8[%dma_start3A_14, %dma_start3A_15] : memref<10240x128xf32, #tpu.memory_space<vmem_shared>> -> memref<10240x128xf32, #tpu.memory_space<vmem_shared>>
        tpu.enqueue_indirect_dma source(%arg7 : memref<128x128xf32, #tpu.memory_space<vmem>>) target(%dma_start3A_16 : memref<10240x128xf32, #tpu.memory_space<vmem_shared>>) offsets(%dma_start3A_13 : memref<128xi32, #tpu.memory_space<vmem>>) semaphore(%run_scoped3A : memref<!tpu.dma_semaphore, #tpu.memory_space<semaphore_mem>>) {add = true}
        %dma_wait3A = arith.constant 0 : i32
        %dma_wait3A_17 = tpu.memref_slice %arg6[%scan3A_11, %dma_wait3A] : memref<80x128xi32, #tpu.memory_space<vmem>> -> memref<1x128xi32, #tpu.memory_space<vmem>>
        %dma_wait3A_18 = tpu.memref_squeeze %dma_wait3A_17 : memref<1x128xi32, #tpu.memory_space<vmem>> -> memref<128xi32, #tpu.memory_space<vmem>>
        %dma_wait3A_19 = arith.constant 0 : i32
        %dma_wait3A_20 = arith.constant 0 : i32
        %dma_wait3A_21 = tpu.memref_slice %arg8[%dma_wait3A_19, %dma_wait3A_20] : memref<10240x128xf32, #tpu.memory_space<vmem_shared>> -> memref<10240x128xf32, #tpu.memory_space<vmem_shared>>
        tpu.wait_indirect_dma semaphore(%run_scoped3A : memref<!tpu.dma_semaphore, #tpu.memory_space<semaphore_mem>>) src(%arg7 : memref<128x128xf32, #tpu.memory_space<vmem>>) dst(%dma_wait3A_21 : memref<10240x128xf32, #tpu.memory_space<vmem_shared>>)
        tpu.yield
      }) : () -> ()
    }
    %scan3A_7 = arith.constant 80 : i32
    %barrier3A_8 = arith.constant 0 : index
    tpu.barrier barrier_id(%barrier3A_8)
    %mul3A_9 = arith.constant 640 : i32
    %mul3A_10 = arith.muli %arg1, %mul3A_9 : i32
    "tpu.region"() ({
      %run_scoped3A = tpu.sem_alloc : memref<!tpu.dma_semaphore, #tpu.memory_space<semaphore_mem>>
      %dma_start3A = arith.constant 0 : i32
      %dma_start3A_11 = tpu.memref_slice %arg5[%arg0, %mul3A_10, %dma_start3A] : memref<2x10240x128xf32, #tpu.memory_space<hbm>> -> memref<1x640x128xf32, #tpu.memory_space<hbm>>
      %dma_start3A_12 = tpu.memref_squeeze %dma_start3A_11 : memref<1x640x128xf32, #tpu.memory_space<hbm>> -> memref<640x128xf32, #tpu.memory_space<hbm>>
      %dma_start3A_13 = arith.constant 0 : i32
      %dma_start3A_14 = tpu.memref_slice %arg8[%mul3A_10, %dma_start3A_13] : memref<10240x128xf32, #tpu.memory_space<vmem_shared>> -> memref<640x128xf32, #tpu.memory_space<vmem_shared>>
      tpu.enqueue_dma source(%dma_start3A_14 : memref<640x128xf32, #tpu.memory_space<vmem_shared>>) target(%dma_start3A_12 : memref<640x128xf32, #tpu.memory_space<hbm>>) target_semaphore(%run_scoped3A : memref<!tpu.dma_semaphore, #tpu.memory_space<semaphore_mem>>)
      %dma_wait3A = arith.constant 0 : i32
      %dma_wait3A_15 = tpu.memref_slice %arg5[%arg0, %mul3A_10, %dma_wait3A] : memref<2x10240x128xf32, #tpu.memory_space<hbm>> -> memref<1x640x128xf32, #tpu.memory_space<hbm>>
      %dma_wait3A_16 = tpu.memref_squeeze %dma_wait3A_15 : memref<1x640x128xf32, #tpu.memory_space<hbm>> -> memref<640x128xf32, #tpu.memory_space<hbm>>
      %dma_wait3A_17 = arith.constant 0 : i32
      %dma_wait3A_18 = tpu.memref_slice %arg8[%mul3A_10, %dma_wait3A_17] : memref<10240x128xf32, #tpu.memory_space<vmem_shared>> -> memref<640x128xf32, #tpu.memory_space<vmem_shared>>
      tpu.wait_dma2 semaphore(%run_scoped3A : memref<!tpu.dma_semaphore, #tpu.memory_space<semaphore_mem>>) src(%dma_wait3A_18 : memref<640x128xf32, #tpu.memory_space<vmem_shared>>) dst(%dma_wait3A_16 : memref<640x128xf32, #tpu.memory_space<hbm>>)
      tpu.yield
    }) : () -> ()
    return
  }
}

#map = affine_map<(d0, d1) -> (0, 0)>
#map1 = affine_map<(d0, d1) -> (0, 0, 0)>
module attributes {stable_mosaic.version = 14 : i64} {
  func.func @_sc_scatter_body(%arg0: i32, %arg1: i32, %arg2: memref<10000x128xf32, #tpu.memory_space<hbm>>, %arg3: memref<2560x128xi32, #tpu.memory_space<hbm>>, %arg4: memref<2560x128xi32, #tpu.memory_space<hbm>>, %arg5: memref<640x128xf32, #tpu.memory_space<hbm>>, %arg6: memref<2x10240x128xf32, #tpu.memory_space<hbm>>, %arg7: memref<8x128xi32, #tpu.memory_space<vmem>>, %arg8: memref<8x128xi32, #tpu.memory_space<vmem>>, %arg9: memref<128x128xf32, #tpu.memory_space<vmem>>, %arg10: memref<128x128xf32, #tpu.memory_space<vmem>>, %arg11: memref<!tpu.dma_semaphore, #tpu.memory_space<semaphore_mem>>, %arg12: memref<!tpu.dma_semaphore, #tpu.memory_space<semaphore_mem>>, %arg13: memref<10240x128xf32, #tpu.memory_space<vmem_shared>>) attributes {dimension_semantics = [#tpu.dimension_semantics<core_parallel>, #tpu.dimension_semantics<subcore_parallel>], iteration_bounds = array<i64: 2, 16>, scalar_prefetch = 0 : i64, scratch_operands = 7 : i64, tpu.core_type = #tpu.core_type<sc_vector_subcore>, window_params = [{transform_indices = #map}, {transform_indices = #map}, {transform_indices = #map}, {transform_indices = #map}, {transform_indices = #map1}]} {
    %mul3A = arith.constant 160 : i32
    %mul3A_0 = arith.muli %arg1, %mul3A : i32
    %mul3A_1 = arith.constant 120 : i32
    %mul3A_2 = arith.muli %arg0, %mul3A_1 : i32
    %add3A = arith.addi %mul3A_0, %mul3A_2 : i32
    %mul3A_3 = arith.constant -80 : i32
    %mul3A_4 = arith.muli %arg0, %mul3A_3 : i32
    %add3A_5 = arith.constant 120 : i32
    %add3A_6 = arith.addi %add3A_5, %mul3A_4 : i32
    %jit3A = arith.constant 8 : i32
    %div3A = arith.divsi %add3A_6, %jit3A : i32
    %sign3A = arith.constant 0 : i32
    %sign3A_7 = arith.cmpi sgt, %add3A_6, %sign3A : i32
    %sign3A_8 = arith.extui %sign3A_7 : i1 to i32
    %sign3A_9 = arith.constant 0 : i32
    %sign3A_10 = arith.cmpi slt, %add3A_6, %sign3A_9 : i32
    %sign3A_11 = arith.extui %sign3A_10 : i1 to i32
    %sign3A_12 = arith.subi %sign3A_8, %sign3A_11 : i32
    %sign3A_13 = arith.constant 0 : i32
    %sign3A_14 = arith.cmpi sgt, %jit3A, %sign3A_13 : i32
    %sign3A_15 = arith.extui %sign3A_14 : i1 to i32
    %sign3A_16 = arith.constant 0 : i32
    %sign3A_17 = arith.cmpi slt, %jit3A, %sign3A_16 : i32
    %sign3A_18 = arith.extui %sign3A_17 : i1 to i32
    %sign3A_19 = arith.subi %sign3A_15, %sign3A_18 : i32
    %ne3A = arith.cmpi ne, %sign3A_12, %sign3A_19 : i32
    %rem3A = arith.remsi %add3A_6, %jit3A : i32
    %ne3A_20 = arith.constant 0 : i32
    %ne3A_21 = arith.cmpi ne, %rem3A, %ne3A_20 : i32
    %and3A = arith.andi %ne3A, %ne3A_21 : i1
    %sub3A = arith.constant 1 : i32
    %sub3A_22 = arith.subi %div3A, %sub3A : i32
    %select_n3A = arith.select %and3A, %sub3A_22, %div3A : i32
    %mul3A_23 = arith.constant 640 : i32
    %mul3A_24 = arith.muli %arg1, %mul3A_23 : i32
    "tpu.region"() ({
      %run_scoped3A = tpu.sem_alloc : memref<!tpu.dma_semaphore, #tpu.memory_space<semaphore_mem>>
      %dma_start3A = arith.constant 0 : i32
      %dma_start3A_37 = tpu.memref_slice %arg13[%mul3A_24, %dma_start3A] : memref<10240x128xf32, #tpu.memory_space<vmem_shared>> -> memref<640x128xf32, #tpu.memory_space<vmem_shared>>
      tpu.enqueue_dma source(%arg5 : memref<640x128xf32, #tpu.memory_space<hbm>>) target(%dma_start3A_37 : memref<640x128xf32, #tpu.memory_space<vmem_shared>>) target_semaphore(%run_scoped3A : memref<!tpu.dma_semaphore, #tpu.memory_space<semaphore_mem>>)
      %dma_wait3A = arith.constant 0 : i32
      %dma_wait3A_38 = tpu.memref_slice %arg13[%mul3A_24, %dma_wait3A] : memref<10240x128xf32, #tpu.memory_space<vmem_shared>> -> memref<640x128xf32, #tpu.memory_space<vmem_shared>>
      tpu.wait_dma2 semaphore(%run_scoped3A : memref<!tpu.dma_semaphore, #tpu.memory_space<semaphore_mem>>) src(%arg5 : memref<640x128xf32, #tpu.memory_space<hbm>>) dst(%dma_wait3A_38 : memref<640x128xf32, #tpu.memory_space<vmem_shared>>)
      tpu.yield
    }) : () -> ()
    %barrier3A = arith.constant 0 : index
    tpu.barrier barrier_id(%barrier3A)
    %while3A = arith.constant 0 : i32
    %while3A_25 = arith.constant 0 : i32
    %while3A_26 = arith.subi %select_n3A, %while3A_25 : i32
    %while3A_27 = arith.addi %while3A_25, %while3A_26 : i32
    %while3A_28 = arith.constant 1 : i32
    %while3A_29 = arith.divsi %while3A_26, %while3A_28 : i32
    %while3A_30 = arith.muli %while3A_29, %while3A_28 : i32
    %while3A_31 = arith.addi %while3A_25, %while3A_30 : i32
    %while3A_32 = arith.constant 1 : i32
    scf.for %while3A_37 = %while3A_25 to %while3A_31 step %while3A_32  : i32 {
      %mul3A_38 = arith.constant 8 : i32
      %mul3A_39 = arith.muli %while3A_37, %mul3A_38 : i32
      %add3A_40 = arith.addi %add3A, %mul3A_39 : i32
      "tpu.region"() ({
        %run_scoped3A = tpu.sem_alloc : memref<!tpu.dma_semaphore, #tpu.memory_space<semaphore_mem>>
        %dma_start3A_58 = arith.constant 0 : i32
        %dma_start3A_59 = tpu.memref_slice %arg3[%add3A_40, %dma_start3A_58] : memref<2560x128xi32, #tpu.memory_space<hbm>> -> memref<8x128xi32, #tpu.memory_space<hbm>>
        %dma_start3A_60 = arith.constant 0 : i32
        %dma_start3A_61 = tpu.memref_slice %arg3[%add3A_40, %dma_start3A_60] : memref<2560x128xi32, #tpu.memory_space<hbm>> -> memref<8x128xi32, #tpu.memory_space<hbm>>
        tpu.enqueue_dma source(%dma_start3A_61 : memref<8x128xi32, #tpu.memory_space<hbm>>) target(%arg7 : memref<8x128xi32, #tpu.memory_space<vmem>>) target_semaphore(%run_scoped3A : memref<!tpu.dma_semaphore, #tpu.memory_space<semaphore_mem>>)
        %dma_wait3A_62 = arith.constant 0 : i32
        %dma_wait3A_63 = tpu.memref_slice %arg3[%add3A_40, %dma_wait3A_62] : memref<2560x128xi32, #tpu.memory_space<hbm>> -> memref<8x128xi32, #tpu.memory_space<hbm>>
        %dma_wait3A_64 = arith.constant 0 : i32
        %dma_wait3A_65 = tpu.memref_slice %arg3[%add3A_40, %dma_wait3A_64] : memref<2560x128xi32, #tpu.memory_space<hbm>> -> memref<8x128xi32, #tpu.memory_space<hbm>>
        tpu.wait_dma2 semaphore(%run_scoped3A : memref<!tpu.dma_semaphore, #tpu.memory_space<semaphore_mem>>) src(%dma_wait3A_65 : memref<8x128xi32, #tpu.memory_space<hbm>>) dst(%arg7 : memref<8x128xi32, #tpu.memory_space<vmem>>)
        tpu.yield
      }) : () -> ()
      "tpu.region"() ({
        %run_scoped3A = tpu.sem_alloc : memref<!tpu.dma_semaphore, #tpu.memory_space<semaphore_mem>>
        %dma_start3A_58 = arith.constant 0 : i32
        %dma_start3A_59 = tpu.memref_slice %arg4[%add3A_40, %dma_start3A_58] : memref<2560x128xi32, #tpu.memory_space<hbm>> -> memref<8x128xi32, #tpu.memory_space<hbm>>
        %dma_start3A_60 = arith.constant 0 : i32
        %dma_start3A_61 = tpu.memref_slice %arg4[%add3A_40, %dma_start3A_60] : memref<2560x128xi32, #tpu.memory_space<hbm>> -> memref<8x128xi32, #tpu.memory_space<hbm>>
        tpu.enqueue_dma source(%dma_start3A_61 : memref<8x128xi32, #tpu.memory_space<hbm>>) target(%arg8 : memref<8x128xi32, #tpu.memory_space<vmem>>) target_semaphore(%run_scoped3A : memref<!tpu.dma_semaphore, #tpu.memory_space<semaphore_mem>>)
        %dma_wait3A_62 = arith.constant 0 : i32
        %dma_wait3A_63 = tpu.memref_slice %arg4[%add3A_40, %dma_wait3A_62] : memref<2560x128xi32, #tpu.memory_space<hbm>> -> memref<8x128xi32, #tpu.memory_space<hbm>>
        %dma_wait3A_64 = arith.constant 0 : i32
        %dma_wait3A_65 = tpu.memref_slice %arg4[%add3A_40, %dma_wait3A_64] : memref<2560x128xi32, #tpu.memory_space<hbm>> -> memref<8x128xi32, #tpu.memory_space<hbm>>
        tpu.wait_dma2 semaphore(%run_scoped3A : memref<!tpu.dma_semaphore, #tpu.memory_space<semaphore_mem>>) src(%dma_wait3A_65 : memref<8x128xi32, #tpu.memory_space<hbm>>) dst(%arg8 : memref<8x128xi32, #tpu.memory_space<vmem>>)
        tpu.yield
      }) : () -> ()
      %dma_start3A = arith.constant 0 : i32
      %dma_start3A_41 = arith.constant 0 : i32
      %dma_start3A_42 = tpu.memref_slice %arg7[%dma_start3A, %dma_start3A_41] : memref<8x128xi32, #tpu.memory_space<vmem>> -> memref<1x128xi32, #tpu.memory_space<vmem>>
      %dma_start3A_43 = tpu.memref_squeeze %dma_start3A_42 : memref<1x128xi32, #tpu.memory_space<vmem>> -> memref<128xi32, #tpu.memory_space<vmem>>
      %dma_start3A_44 = arith.constant 0 : i32
      %dma_start3A_45 = arith.constant 0 : i32
      %dma_start3A_46 = tpu.memref_slice %arg2[%dma_start3A_44, %dma_start3A_45] : memref<10000x128xf32, #tpu.memory_space<hbm>> -> memref<10000x128xf32, #tpu.memory_space<hbm>>
      tpu.enqueue_indirect_dma source(%dma_start3A_46 : memref<10000x128xf32, #tpu.memory_space<hbm>>) target(%arg9 : memref<128x128xf32, #tpu.memory_space<vmem>>) offsets(%dma_start3A_43 : memref<128xi32, #tpu.memory_space<vmem>>) semaphore(%arg11 : memref<!tpu.dma_semaphore, #tpu.memory_space<semaphore_mem>>)
      %scan3A = arith.constant 0 : i32
      %scan3A_47 = arith.constant 0 : i32
      %scan3A_48 = arith.constant 4 : i32
      %scan3A_49 = arith.addi %scan3A_47, %scan3A_48 : i32
      %scan3A_50 = arith.constant 1 : i32
      scf.for %scan3A_58 = %scan3A_47 to %scan3A_49 step %scan3A_50  : i32 {
        %mul3A_59 = arith.constant 2 : i32
        %mul3A_60 = arith.muli %mul3A_59, %scan3A_58 : i32
        %dma_wait3A_61 = arith.constant 0 : i32
        %dma_wait3A_62 = tpu.memref_slice %arg7[%mul3A_60, %dma_wait3A_61] : memref<8x128xi32, #tpu.memory_space<vmem>> -> memref<1x128xi32, #tpu.memory_space<vmem>>
        %dma_wait3A_63 = tpu.memref_squeeze %dma_wait3A_62 : memref<1x128xi32, #tpu.memory_space<vmem>> -> memref<128xi32, #tpu.memory_space<vmem>>
        %dma_wait3A_64 = arith.constant 0 : i32
        %dma_wait3A_65 = arith.constant 0 : i32
        %dma_wait3A_66 = tpu.memref_slice %arg2[%dma_wait3A_64, %dma_wait3A_65] : memref<10000x128xf32, #tpu.memory_space<hbm>> -> memref<10000x128xf32, #tpu.memory_space<hbm>>
        tpu.wait_indirect_dma semaphore(%arg11 : memref<!tpu.dma_semaphore, #tpu.memory_space<semaphore_mem>>) src(%dma_wait3A_66 : memref<10000x128xf32, #tpu.memory_space<hbm>>) dst(%arg9 : memref<128x128xf32, #tpu.memory_space<vmem>>)
        %add3A_67 = arith.constant 1 : i32
        %add3A_68 = arith.addi %mul3A_60, %add3A_67 : i32
        %dma_start3A_69 = arith.constant 0 : i32
        %dma_start3A_70 = tpu.memref_slice %arg7[%add3A_68, %dma_start3A_69] : memref<8x128xi32, #tpu.memory_space<vmem>> -> memref<1x128xi32, #tpu.memory_space<vmem>>
        %dma_start3A_71 = tpu.memref_squeeze %dma_start3A_70 : memref<1x128xi32, #tpu.memory_space<vmem>> -> memref<128xi32, #tpu.memory_space<vmem>>
        %dma_start3A_72 = arith.constant 0 : i32
        %dma_start3A_73 = arith.constant 0 : i32
        %dma_start3A_74 = tpu.memref_slice %arg2[%dma_start3A_72, %dma_start3A_73] : memref<10000x128xf32, #tpu.memory_space<hbm>> -> memref<10000x128xf32, #tpu.memory_space<hbm>>
        tpu.enqueue_indirect_dma source(%dma_start3A_74 : memref<10000x128xf32, #tpu.memory_space<hbm>>) target(%arg10 : memref<128x128xf32, #tpu.memory_space<vmem>>) offsets(%dma_start3A_71 : memref<128xi32, #tpu.memory_space<vmem>>) semaphore(%arg12 : memref<!tpu.dma_semaphore, #tpu.memory_space<semaphore_mem>>)
        "tpu.region"() ({
          %run_scoped3A = tpu.sem_alloc : memref<!tpu.dma_semaphore, #tpu.memory_space<semaphore_mem>>
          %dma_start3A_94 = arith.constant 0 : i32
          %dma_start3A_95 = tpu.memref_slice %arg8[%mul3A_60, %dma_start3A_94] : memref<8x128xi32, #tpu.memory_space<vmem>> -> memref<1x128xi32, #tpu.memory_space<vmem>>
          %dma_start3A_96 = tpu.memref_squeeze %dma_start3A_95 : memref<1x128xi32, #tpu.memory_space<vmem>> -> memref<128xi32, #tpu.memory_space<vmem>>
          %dma_start3A_97 = arith.constant 0 : i32
          %dma_start3A_98 = arith.constant 0 : i32
          %dma_start3A_99 = tpu.memref_slice %arg13[%dma_start3A_97, %dma_start3A_98] : memref<10240x128xf32, #tpu.memory_space<vmem_shared>> -> memref<10240x128xf32, #tpu.memory_space<vmem_shared>>
          tpu.enqueue_indirect_dma source(%arg9 : memref<128x128xf32, #tpu.memory_space<vmem>>) target(%dma_start3A_99 : memref<10240x128xf32, #tpu.memory_space<vmem_shared>>) offsets(%dma_start3A_96 : memref<128xi32, #tpu.memory_space<vmem>>) semaphore(%run_scoped3A : memref<!tpu.dma_semaphore, #tpu.memory_space<semaphore_mem>>) {add = true}
          %dma_wait3A_100 = arith.constant 0 : i32
          %dma_wait3A_101 = tpu.memref_slice %arg8[%mul3A_60, %dma_wait3A_100] : memref<8x128xi32, #tpu.memory_space<vmem>> -> memref<1x128xi32, #tpu.memory_space<vmem>>
          %dma_wait3A_102 = tpu.memref_squeeze %dma_wait3A_101 : memref<1x128xi32, #tpu.memory_space<vmem>> -> memref<128xi32, #tpu.memory_space<vmem>>
          %dma_wait3A_103 = arith.constant 0 : i32
          %dma_wait3A_104 = arith.constant 0 : i32
          %dma_wait3A_105 = tpu.memref_slice %arg13[%dma_wait3A_103, %dma_wait3A_104] : memref<10240x128xf32, #tpu.memory_space<vmem_shared>> -> memref<10240x128xf32, #tpu.memory_space<vmem_shared>>
          tpu.wait_indirect_dma semaphore(%run_scoped3A : memref<!tpu.dma_semaphore, #tpu.memory_space<semaphore_mem>>) src(%arg9 : memref<128x128xf32, #tpu.memory_space<vmem>>) dst(%dma_wait3A_105 : memref<10240x128xf32, #tpu.memory_space<vmem_shared>>)
          tpu.yield
        }) : () -> ()
        %add3A_75 = arith.constant 1 : i32
        %add3A_76 = arith.addi %mul3A_60, %add3A_75 : i32
        %dma_wait3A_77 = arith.constant 0 : i32
        %dma_wait3A_78 = tpu.memref_slice %arg7[%add3A_76, %dma_wait3A_77] : memref<8x128xi32, #tpu.memory_space<vmem>> -> memref<1x128xi32, #tpu.memory_space<vmem>>
        %dma_wait3A_79 = tpu.memref_squeeze %dma_wait3A_78 : memref<1x128xi32, #tpu.memory_space<vmem>> -> memref<128xi32, #tpu.memory_space<vmem>>
        %dma_wait3A_80 = arith.constant 0 : i32
        %dma_wait3A_81 = arith.constant 0 : i32
        %dma_wait3A_82 = tpu.memref_slice %arg2[%dma_wait3A_80, %dma_wait3A_81] : memref<10000x128xf32, #tpu.memory_space<hbm>> -> memref<10000x128xf32, #tpu.memory_space<hbm>>
        tpu.wait_indirect_dma semaphore(%arg12 : memref<!tpu.dma_semaphore, #tpu.memory_space<semaphore_mem>>) src(%dma_wait3A_82 : memref<10000x128xf32, #tpu.memory_space<hbm>>) dst(%arg10 : memref<128x128xf32, #tpu.memory_space<vmem>>)
        %add3A_83 = arith.constant 2 : i32
        %add3A_84 = arith.addi %mul3A_60, %add3A_83 : i32
        %min3A = arith.constant 7 : i32
        %min3A_85 = arith.minsi %add3A_84, %min3A : i32
        %dma_start3A_86 = arith.constant 0 : i32
        %dma_start3A_87 = tpu.memref_slice %arg7[%min3A_85, %dma_start3A_86] : memref<8x128xi32, #tpu.memory_space<vmem>> -> memref<1x128xi32, #tpu.memory_space<vmem>>
        %dma_start3A_88 = tpu.memref_squeeze %dma_start3A_87 : memref<1x128xi32, #tpu.memory_space<vmem>> -> memref<128xi32, #tpu.memory_space<vmem>>
        %dma_start3A_89 = arith.constant 0 : i32
        %dma_start3A_90 = arith.constant 0 : i32
        %dma_start3A_91 = tpu.memref_slice %arg2[%dma_start3A_89, %dma_start3A_90] : memref<10000x128xf32, #tpu.memory_space<hbm>> -> memref<10000x128xf32, #tpu.memory_space<hbm>>
        tpu.enqueue_indirect_dma source(%dma_start3A_91 : memref<10000x128xf32, #tpu.memory_space<hbm>>) target(%arg9 : memref<128x128xf32, #tpu.memory_space<vmem>>) offsets(%dma_start3A_88 : memref<128xi32, #tpu.memory_space<vmem>>) semaphore(%arg11 : memref<!tpu.dma_semaphore, #tpu.memory_space<semaphore_mem>>)
        %add3A_92 = arith.constant 1 : i32
        %add3A_93 = arith.addi %mul3A_60, %add3A_92 : i32
        "tpu.region"() ({
          %run_scoped3A = tpu.sem_alloc : memref<!tpu.dma_semaphore, #tpu.memory_space<semaphore_mem>>
          %dma_start3A_94 = arith.constant 0 : i32
          %dma_start3A_95 = tpu.memref_slice %arg8[%add3A_93, %dma_start3A_94] : memref<8x128xi32, #tpu.memory_space<vmem>> -> memref<1x128xi32, #tpu.memory_space<vmem>>
          %dma_start3A_96 = tpu.memref_squeeze %dma_start3A_95 : memref<1x128xi32, #tpu.memory_space<vmem>> -> memref<128xi32, #tpu.memory_space<vmem>>
          %dma_start3A_97 = arith.constant 0 : i32
          %dma_start3A_98 = arith.constant 0 : i32
          %dma_start3A_99 = tpu.memref_slice %arg13[%dma_start3A_97, %dma_start3A_98] : memref<10240x128xf32, #tpu.memory_space<vmem_shared>> -> memref<10240x128xf32, #tpu.memory_space<vmem_shared>>
          tpu.enqueue_indirect_dma source(%arg10 : memref<128x128xf32, #tpu.memory_space<vmem>>) target(%dma_start3A_99 : memref<10240x128xf32, #tpu.memory_space<vmem_shared>>) offsets(%dma_start3A_96 : memref<128xi32, #tpu.memory_space<vmem>>) semaphore(%run_scoped3A : memref<!tpu.dma_semaphore, #tpu.memory_space<semaphore_mem>>) {add = true}
          %dma_wait3A_100 = arith.constant 0 : i32
          %dma_wait3A_101 = tpu.memref_slice %arg8[%add3A_93, %dma_wait3A_100] : memref<8x128xi32, #tpu.memory_space<vmem>> -> memref<1x128xi32, #tpu.memory_space<vmem>>
          %dma_wait3A_102 = tpu.memref_squeeze %dma_wait3A_101 : memref<1x128xi32, #tpu.memory_space<vmem>> -> memref<128xi32, #tpu.memory_space<vmem>>
          %dma_wait3A_103 = arith.constant 0 : i32
          %dma_wait3A_104 = arith.constant 0 : i32
          %dma_wait3A_105 = tpu.memref_slice %arg13[%dma_wait3A_103, %dma_wait3A_104] : memref<10240x128xf32, #tpu.memory_space<vmem_shared>> -> memref<10240x128xf32, #tpu.memory_space<vmem_shared>>
          tpu.wait_indirect_dma semaphore(%run_scoped3A : memref<!tpu.dma_semaphore, #tpu.memory_space<semaphore_mem>>) src(%arg10 : memref<128x128xf32, #tpu.memory_space<vmem>>) dst(%dma_wait3A_105 : memref<10240x128xf32, #tpu.memory_space<vmem_shared>>)
          tpu.yield
        }) : () -> ()
      }
      %scan3A_51 = arith.constant 4 : i32
      %dma_wait3A = arith.constant 7 : i32
      %dma_wait3A_52 = arith.constant 0 : i32
      %dma_wait3A_53 = tpu.memref_slice %arg7[%dma_wait3A, %dma_wait3A_52] : memref<8x128xi32, #tpu.memory_space<vmem>> -> memref<1x128xi32, #tpu.memory_space<vmem>>
      %dma_wait3A_54 = tpu.memref_squeeze %dma_wait3A_53 : memref<1x128xi32, #tpu.memory_space<vmem>> -> memref<128xi32, #tpu.memory_space<vmem>>
      %dma_wait3A_55 = arith.constant 0 : i32
      %dma_wait3A_56 = arith.constant 0 : i32
      %dma_wait3A_57 = tpu.memref_slice %arg2[%dma_wait3A_55, %dma_wait3A_56] : memref<10000x128xf32, #tpu.memory_space<hbm>> -> memref<10000x128xf32, #tpu.memory_space<hbm>>
      tpu.wait_indirect_dma semaphore(%arg11 : memref<!tpu.dma_semaphore, #tpu.memory_space<semaphore_mem>>) src(%dma_wait3A_57 : memref<10000x128xf32, #tpu.memory_space<hbm>>) dst(%arg9 : memref<128x128xf32, #tpu.memory_space<vmem>>)
    }
    %while3A_33 = arith.constant 1 : i32
    scf.for %while3A_37 = %while3A_31 to %while3A_27 step %while3A_33  : i32 {
      %mul3A_38 = arith.constant 8 : i32
      %mul3A_39 = arith.muli %while3A_37, %mul3A_38 : i32
      %add3A_40 = arith.addi %add3A, %mul3A_39 : i32
      "tpu.region"() ({
        %run_scoped3A = tpu.sem_alloc : memref<!tpu.dma_semaphore, #tpu.memory_space<semaphore_mem>>
        %dma_start3A_58 = arith.constant 0 : i32
        %dma_start3A_59 = tpu.memref_slice %arg3[%add3A_40, %dma_start3A_58] : memref<2560x128xi32, #tpu.memory_space<hbm>> -> memref<8x128xi32, #tpu.memory_space<hbm>>
        %dma_start3A_60 = arith.constant 0 : i32
        %dma_start3A_61 = tpu.memref_slice %arg3[%add3A_40, %dma_start3A_60] : memref<2560x128xi32, #tpu.memory_space<hbm>> -> memref<8x128xi32, #tpu.memory_space<hbm>>
        tpu.enqueue_dma source(%dma_start3A_61 : memref<8x128xi32, #tpu.memory_space<hbm>>) target(%arg7 : memref<8x128xi32, #tpu.memory_space<vmem>>) target_semaphore(%run_scoped3A : memref<!tpu.dma_semaphore, #tpu.memory_space<semaphore_mem>>)
        %dma_wait3A_62 = arith.constant 0 : i32
        %dma_wait3A_63 = tpu.memref_slice %arg3[%add3A_40, %dma_wait3A_62] : memref<2560x128xi32, #tpu.memory_space<hbm>> -> memref<8x128xi32, #tpu.memory_space<hbm>>
        %dma_wait3A_64 = arith.constant 0 : i32
        %dma_wait3A_65 = tpu.memref_slice %arg3[%add3A_40, %dma_wait3A_64] : memref<2560x128xi32, #tpu.memory_space<hbm>> -> memref<8x128xi32, #tpu.memory_space<hbm>>
        tpu.wait_dma2 semaphore(%run_scoped3A : memref<!tpu.dma_semaphore, #tpu.memory_space<semaphore_mem>>) src(%dma_wait3A_65 : memref<8x128xi32, #tpu.memory_space<hbm>>) dst(%arg7 : memref<8x128xi32, #tpu.memory_space<vmem>>)
        tpu.yield
      }) : () -> ()
      "tpu.region"() ({
        %run_scoped3A = tpu.sem_alloc : memref<!tpu.dma_semaphore, #tpu.memory_space<semaphore_mem>>
        %dma_start3A_58 = arith.constant 0 : i32
        %dma_start3A_59 = tpu.memref_slice %arg4[%add3A_40, %dma_start3A_58] : memref<2560x128xi32, #tpu.memory_space<hbm>> -> memref<8x128xi32, #tpu.memory_space<hbm>>
        %dma_start3A_60 = arith.constant 0 : i32
        %dma_start3A_61 = tpu.memref_slice %arg4[%add3A_40, %dma_start3A_60] : memref<2560x128xi32, #tpu.memory_space<hbm>> -> memref<8x128xi32, #tpu.memory_space<hbm>>
        tpu.enqueue_dma source(%dma_start3A_61 : memref<8x128xi32, #tpu.memory_space<hbm>>) target(%arg8 : memref<8x128xi32, #tpu.memory_space<vmem>>) target_semaphore(%run_scoped3A : memref<!tpu.dma_semaphore, #tpu.memory_space<semaphore_mem>>)
        %dma_wait3A_62 = arith.constant 0 : i32
        %dma_wait3A_63 = tpu.memref_slice %arg4[%add3A_40, %dma_wait3A_62] : memref<2560x128xi32, #tpu.memory_space<hbm>> -> memref<8x128xi32, #tpu.memory_space<hbm>>
        %dma_wait3A_64 = arith.constant 0 : i32
        %dma_wait3A_65 = tpu.memref_slice %arg4[%add3A_40, %dma_wait3A_64] : memref<2560x128xi32, #tpu.memory_space<hbm>> -> memref<8x128xi32, #tpu.memory_space<hbm>>
        tpu.wait_dma2 semaphore(%run_scoped3A : memref<!tpu.dma_semaphore, #tpu.memory_space<semaphore_mem>>) src(%dma_wait3A_65 : memref<8x128xi32, #tpu.memory_space<hbm>>) dst(%arg8 : memref<8x128xi32, #tpu.memory_space<vmem>>)
        tpu.yield
      }) : () -> ()
      %dma_start3A = arith.constant 0 : i32
      %dma_start3A_41 = arith.constant 0 : i32
      %dma_start3A_42 = tpu.memref_slice %arg7[%dma_start3A, %dma_start3A_41] : memref<8x128xi32, #tpu.memory_space<vmem>> -> memref<1x128xi32, #tpu.memory_space<vmem>>
      %dma_start3A_43 = tpu.memref_squeeze %dma_start3A_42 : memref<1x128xi32, #tpu.memory_space<vmem>> -> memref<128xi32, #tpu.memory_space<vmem>>
      %dma_start3A_44 = arith.constant 0 : i32
      %dma_start3A_45 = arith.constant 0 : i32
      %dma_start3A_46 = tpu.memref_slice %arg2[%dma_start3A_44, %dma_start3A_45] : memref<10000x128xf32, #tpu.memory_space<hbm>> -> memref<10000x128xf32, #tpu.memory_space<hbm>>
      tpu.enqueue_indirect_dma source(%dma_start3A_46 : memref<10000x128xf32, #tpu.memory_space<hbm>>) target(%arg9 : memref<128x128xf32, #tpu.memory_space<vmem>>) offsets(%dma_start3A_43 : memref<128xi32, #tpu.memory_space<vmem>>) semaphore(%arg11 : memref<!tpu.dma_semaphore, #tpu.memory_space<semaphore_mem>>)
      %scan3A = arith.constant 0 : i32
      %scan3A_47 = arith.constant 0 : i32
      %scan3A_48 = arith.constant 4 : i32
      %scan3A_49 = arith.addi %scan3A_47, %scan3A_48 : i32
      %scan3A_50 = arith.constant 1 : i32
      scf.for %scan3A_58 = %scan3A_47 to %scan3A_49 step %scan3A_50  : i32 {
        %mul3A_59 = arith.constant 2 : i32
        %mul3A_60 = arith.muli %mul3A_59, %scan3A_58 : i32
        %dma_wait3A_61 = arith.constant 0 : i32
        %dma_wait3A_62 = tpu.memref_slice %arg7[%mul3A_60, %dma_wait3A_61] : memref<8x128xi32, #tpu.memory_space<vmem>> -> memref<1x128xi32, #tpu.memory_space<vmem>>
        %dma_wait3A_63 = tpu.memref_squeeze %dma_wait3A_62 : memref<1x128xi32, #tpu.memory_space<vmem>> -> memref<128xi32, #tpu.memory_space<vmem>>
        %dma_wait3A_64 = arith.constant 0 : i32
        %dma_wait3A_65 = arith.constant 0 : i32
        %dma_wait3A_66 = tpu.memref_slice %arg2[%dma_wait3A_64, %dma_wait3A_65] : memref<10000x128xf32, #tpu.memory_space<hbm>> -> memref<10000x128xf32, #tpu.memory_space<hbm>>
        tpu.wait_indirect_dma semaphore(%arg11 : memref<!tpu.dma_semaphore, #tpu.memory_space<semaphore_mem>>) src(%dma_wait3A_66 : memref<10000x128xf32, #tpu.memory_space<hbm>>) dst(%arg9 : memref<128x128xf32, #tpu.memory_space<vmem>>)
        %add3A_67 = arith.constant 1 : i32
        %add3A_68 = arith.addi %mul3A_60, %add3A_67 : i32
        %dma_start3A_69 = arith.constant 0 : i32
        %dma_start3A_70 = tpu.memref_slice %arg7[%add3A_68, %dma_start3A_69] : memref<8x128xi32, #tpu.memory_space<vmem>> -> memref<1x128xi32, #tpu.memory_space<vmem>>
        %dma_start3A_71 = tpu.memref_squeeze %dma_start3A_70 : memref<1x128xi32, #tpu.memory_space<vmem>> -> memref<128xi32, #tpu.memory_space<vmem>>
        %dma_start3A_72 = arith.constant 0 : i32
        %dma_start3A_73 = arith.constant 0 : i32
        %dma_start3A_74 = tpu.memref_slice %arg2[%dma_start3A_72, %dma_start3A_73] : memref<10000x128xf32, #tpu.memory_space<hbm>> -> memref<10000x128xf32, #tpu.memory_space<hbm>>
        tpu.enqueue_indirect_dma source(%dma_start3A_74 : memref<10000x128xf32, #tpu.memory_space<hbm>>) target(%arg10 : memref<128x128xf32, #tpu.memory_space<vmem>>) offsets(%dma_start3A_71 : memref<128xi32, #tpu.memory_space<vmem>>) semaphore(%arg12 : memref<!tpu.dma_semaphore, #tpu.memory_space<semaphore_mem>>)
        "tpu.region"() ({
          %run_scoped3A = tpu.sem_alloc : memref<!tpu.dma_semaphore, #tpu.memory_space<semaphore_mem>>
          %dma_start3A_94 = arith.constant 0 : i32
          %dma_start3A_95 = tpu.memref_slice %arg8[%mul3A_60, %dma_start3A_94] : memref<8x128xi32, #tpu.memory_space<vmem>> -> memref<1x128xi32, #tpu.memory_space<vmem>>
          %dma_start3A_96 = tpu.memref_squeeze %dma_start3A_95 : memref<1x128xi32, #tpu.memory_space<vmem>> -> memref<128xi32, #tpu.memory_space<vmem>>
          %dma_start3A_97 = arith.constant 0 : i32
          %dma_start3A_98 = arith.constant 0 : i32
          %dma_start3A_99 = tpu.memref_slice %arg13[%dma_start3A_97, %dma_start3A_98] : memref<10240x128xf32, #tpu.memory_space<vmem_shared>> -> memref<10240x128xf32, #tpu.memory_space<vmem_shared>>
          tpu.enqueue_indirect_dma source(%arg9 : memref<128x128xf32, #tpu.memory_space<vmem>>) target(%dma_start3A_99 : memref<10240x128xf32, #tpu.memory_space<vmem_shared>>) offsets(%dma_start3A_96 : memref<128xi32, #tpu.memory_space<vmem>>) semaphore(%run_scoped3A : memref<!tpu.dma_semaphore, #tpu.memory_space<semaphore_mem>>) {add = true}
          %dma_wait3A_100 = arith.constant 0 : i32
          %dma_wait3A_101 = tpu.memref_slice %arg8[%mul3A_60, %dma_wait3A_100] : memref<8x128xi32, #tpu.memory_space<vmem>> -> memref<1x128xi32, #tpu.memory_space<vmem>>
          %dma_wait3A_102 = tpu.memref_squeeze %dma_wait3A_101 : memref<1x128xi32, #tpu.memory_space<vmem>> -> memref<128xi32, #tpu.memory_space<vmem>>
          %dma_wait3A_103 = arith.constant 0 : i32
          %dma_wait3A_104 = arith.constant 0 : i32
          %dma_wait3A_105 = tpu.memref_slice %arg13[%dma_wait3A_103, %dma_wait3A_104] : memref<10240x128xf32, #tpu.memory_space<vmem_shared>> -> memref<10240x128xf32, #tpu.memory_space<vmem_shared>>
          tpu.wait_indirect_dma semaphore(%run_scoped3A : memref<!tpu.dma_semaphore, #tpu.memory_space<semaphore_mem>>) src(%arg9 : memref<128x128xf32, #tpu.memory_space<vmem>>) dst(%dma_wait3A_105 : memref<10240x128xf32, #tpu.memory_space<vmem_shared>>)
          tpu.yield
        }) : () -> ()
        %add3A_75 = arith.constant 1 : i32
        %add3A_76 = arith.addi %mul3A_60, %add3A_75 : i32
        %dma_wait3A_77 = arith.constant 0 : i32
        %dma_wait3A_78 = tpu.memref_slice %arg7[%add3A_76, %dma_wait3A_77] : memref<8x128xi32, #tpu.memory_space<vmem>> -> memref<1x128xi32, #tpu.memory_space<vmem>>
        %dma_wait3A_79 = tpu.memref_squeeze %dma_wait3A_78 : memref<1x128xi32, #tpu.memory_space<vmem>> -> memref<128xi32, #tpu.memory_space<vmem>>
        %dma_wait3A_80 = arith.constant 0 : i32
        %dma_wait3A_81 = arith.constant 0 : i32
        %dma_wait3A_82 = tpu.memref_slice %arg2[%dma_wait3A_80, %dma_wait3A_81] : memref<10000x128xf32, #tpu.memory_space<hbm>> -> memref<10000x128xf32, #tpu.memory_space<hbm>>
        tpu.wait_indirect_dma semaphore(%arg12 : memref<!tpu.dma_semaphore, #tpu.memory_space<semaphore_mem>>) src(%dma_wait3A_82 : memref<10000x128xf32, #tpu.memory_space<hbm>>) dst(%arg10 : memref<128x128xf32, #tpu.memory_space<vmem>>)
        %add3A_83 = arith.constant 2 : i32
        %add3A_84 = arith.addi %mul3A_60, %add3A_83 : i32
        %min3A = arith.constant 7 : i32
        %min3A_85 = arith.minsi %add3A_84, %min3A : i32
        %dma_start3A_86 = arith.constant 0 : i32
        %dma_start3A_87 = tpu.memref_slice %arg7[%min3A_85, %dma_start3A_86] : memref<8x128xi32, #tpu.memory_space<vmem>> -> memref<1x128xi32, #tpu.memory_space<vmem>>
        %dma_start3A_88 = tpu.memref_squeeze %dma_start3A_87 : memref<1x128xi32, #tpu.memory_space<vmem>> -> memref<128xi32, #tpu.memory_space<vmem>>
        %dma_start3A_89 = arith.constant 0 : i32
        %dma_start3A_90 = arith.constant 0 : i32
        %dma_start3A_91 = tpu.memref_slice %arg2[%dma_start3A_89, %dma_start3A_90] : memref<10000x128xf32, #tpu.memory_space<hbm>> -> memref<10000x128xf32, #tpu.memory_space<hbm>>
        tpu.enqueue_indirect_dma source(%dma_start3A_91 : memref<10000x128xf32, #tpu.memory_space<hbm>>) target(%arg9 : memref<128x128xf32, #tpu.memory_space<vmem>>) offsets(%dma_start3A_88 : memref<128xi32, #tpu.memory_space<vmem>>) semaphore(%arg11 : memref<!tpu.dma_semaphore, #tpu.memory_space<semaphore_mem>>)
        %add3A_92 = arith.constant 1 : i32
        %add3A_93 = arith.addi %mul3A_60, %add3A_92 : i32
        "tpu.region"() ({
          %run_scoped3A = tpu.sem_alloc : memref<!tpu.dma_semaphore, #tpu.memory_space<semaphore_mem>>
          %dma_start3A_94 = arith.constant 0 : i32
          %dma_start3A_95 = tpu.memref_slice %arg8[%add3A_93, %dma_start3A_94] : memref<8x128xi32, #tpu.memory_space<vmem>> -> memref<1x128xi32, #tpu.memory_space<vmem>>
          %dma_start3A_96 = tpu.memref_squeeze %dma_start3A_95 : memref<1x128xi32, #tpu.memory_space<vmem>> -> memref<128xi32, #tpu.memory_space<vmem>>
          %dma_start3A_97 = arith.constant 0 : i32
          %dma_start3A_98 = arith.constant 0 : i32
          %dma_start3A_99 = tpu.memref_slice %arg13[%dma_start3A_97, %dma_start3A_98] : memref<10240x128xf32, #tpu.memory_space<vmem_shared>> -> memref<10240x128xf32, #tpu.memory_space<vmem_shared>>
          tpu.enqueue_indirect_dma source(%arg10 : memref<128x128xf32, #tpu.memory_space<vmem>>) target(%dma_start3A_99 : memref<10240x128xf32, #tpu.memory_space<vmem_shared>>) offsets(%dma_start3A_96 : memref<128xi32, #tpu.memory_space<vmem>>) semaphore(%run_scoped3A : memref<!tpu.dma_semaphore, #tpu.memory_space<semaphore_mem>>) {add = true}
          %dma_wait3A_100 = arith.constant 0 : i32
          %dma_wait3A_101 = tpu.memref_slice %arg8[%add3A_93, %dma_wait3A_100] : memref<8x128xi32, #tpu.memory_space<vmem>> -> memref<1x128xi32, #tpu.memory_space<vmem>>
          %dma_wait3A_102 = tpu.memref_squeeze %dma_wait3A_101 : memref<1x128xi32, #tpu.memory_space<vmem>> -> memref<128xi32, #tpu.memory_space<vmem>>
          %dma_wait3A_103 = arith.constant 0 : i32
          %dma_wait3A_104 = arith.constant 0 : i32
          %dma_wait3A_105 = tpu.memref_slice %arg13[%dma_wait3A_103, %dma_wait3A_104] : memref<10240x128xf32, #tpu.memory_space<vmem_shared>> -> memref<10240x128xf32, #tpu.memory_space<vmem_shared>>
          tpu.wait_indirect_dma semaphore(%run_scoped3A : memref<!tpu.dma_semaphore, #tpu.memory_space<semaphore_mem>>) src(%arg10 : memref<128x128xf32, #tpu.memory_space<vmem>>) dst(%dma_wait3A_105 : memref<10240x128xf32, #tpu.memory_space<vmem_shared>>)
          tpu.yield
        }) : () -> ()
      }
      %scan3A_51 = arith.constant 4 : i32
      %dma_wait3A = arith.constant 7 : i32
      %dma_wait3A_52 = arith.constant 0 : i32
      %dma_wait3A_53 = tpu.memref_slice %arg7[%dma_wait3A, %dma_wait3A_52] : memref<8x128xi32, #tpu.memory_space<vmem>> -> memref<1x128xi32, #tpu.memory_space<vmem>>
      %dma_wait3A_54 = tpu.memref_squeeze %dma_wait3A_53 : memref<1x128xi32, #tpu.memory_space<vmem>> -> memref<128xi32, #tpu.memory_space<vmem>>
      %dma_wait3A_55 = arith.constant 0 : i32
      %dma_wait3A_56 = arith.constant 0 : i32
      %dma_wait3A_57 = tpu.memref_slice %arg2[%dma_wait3A_55, %dma_wait3A_56] : memref<10000x128xf32, #tpu.memory_space<hbm>> -> memref<10000x128xf32, #tpu.memory_space<hbm>>
      tpu.wait_indirect_dma semaphore(%arg11 : memref<!tpu.dma_semaphore, #tpu.memory_space<semaphore_mem>>) src(%dma_wait3A_57 : memref<10000x128xf32, #tpu.memory_space<hbm>>) dst(%arg9 : memref<128x128xf32, #tpu.memory_space<vmem>>)
    }
    %barrier3A_34 = arith.constant 0 : index
    tpu.barrier barrier_id(%barrier3A_34)
    %mul3A_35 = arith.constant 640 : i32
    %mul3A_36 = arith.muli %arg1, %mul3A_35 : i32
    "tpu.region"() ({
      %run_scoped3A = tpu.sem_alloc : memref<!tpu.dma_semaphore, #tpu.memory_space<semaphore_mem>>
      %dma_start3A = arith.constant 0 : i32
      %dma_start3A_37 = tpu.memref_slice %arg6[%arg0, %mul3A_36, %dma_start3A] : memref<2x10240x128xf32, #tpu.memory_space<hbm>> -> memref<1x640x128xf32, #tpu.memory_space<hbm>>
      %dma_start3A_38 = tpu.memref_squeeze %dma_start3A_37 : memref<1x640x128xf32, #tpu.memory_space<hbm>> -> memref<640x128xf32, #tpu.memory_space<hbm>>
      %dma_start3A_39 = arith.constant 0 : i32
      %dma_start3A_40 = tpu.memref_slice %arg13[%mul3A_36, %dma_start3A_39] : memref<10240x128xf32, #tpu.memory_space<vmem_shared>> -> memref<640x128xf32, #tpu.memory_space<vmem_shared>>
      tpu.enqueue_dma source(%dma_start3A_40 : memref<640x128xf32, #tpu.memory_space<vmem_shared>>) target(%dma_start3A_38 : memref<640x128xf32, #tpu.memory_space<hbm>>) target_semaphore(%run_scoped3A : memref<!tpu.dma_semaphore, #tpu.memory_space<semaphore_mem>>)
      %dma_wait3A = arith.constant 0 : i32
      %dma_wait3A_41 = tpu.memref_slice %arg6[%arg0, %mul3A_36, %dma_wait3A] : memref<2x10240x128xf32, #tpu.memory_space<hbm>> -> memref<1x640x128xf32, #tpu.memory_space<hbm>>
      %dma_wait3A_42 = tpu.memref_squeeze %dma_wait3A_41 : memref<1x640x128xf32, #tpu.memory_space<hbm>> -> memref<640x128xf32, #tpu.memory_space<hbm>>
      %dma_wait3A_43 = arith.constant 0 : i32
      %dma_wait3A_44 = tpu.memref_slice %arg13[%mul3A_36, %dma_wait3A_43] : memref<10240x128xf32, #tpu.memory_space<vmem_shared>> -> memref<640x128xf32, #tpu.memory_space<vmem_shared>>
      tpu.wait_dma2 semaphore(%run_scoped3A : memref<!tpu.dma_semaphore, #tpu.memory_space<semaphore_mem>>) src(%dma_wait3A_44 : memref<640x128xf32, #tpu.memory_space<vmem_shared>>) dst(%dma_wait3A_42 : memref<640x128xf32, #tpu.memory_space<hbm>>)
      tpu.yield
    }) : () -> ()
    return
  }
}

module attributes {stable_mosaic.version = 14 : i64} {
  func.func @_tc_dense_body(%arg0: i32, %arg1: memref<2x1000x128xf32, #tpu.memory_space<vmem>>, %arg2: memref<2x1000x128xf32, #tpu.memory_space<vmem>>, %arg3: memref<1000x128xf32, #tpu.memory_space<vmem>>, %arg4: memref<128x128xf32, #tpu.memory_space<vmem>>, %arg5: memref<128x128xf32, #tpu.memory_space<vmem>>, %arg6: memref<1x128xf32, #tpu.memory_space<vmem>>, %arg7: memref<128x128xf32, #tpu.memory_space<vmem>>, %arg8: memref<1x128xf32, #tpu.memory_space<vmem>>, %arg9: memref<1000x128xf32, #tpu.memory_space<vmem>>) attributes {dimension_semantics = [#tpu.dimension_semantics<arbitrary>], iteration_bounds = array<i64: 10>, scalar_prefetch = 0 : i64, scratch_operands = 0 : i64, tpu.core_type = #tpu.core_type<tc>, window_params = [{transform_indices = @transform_0, window_bounds = array<i64: 2, 1000, 128>}, {transform_indices = @transform_1, window_bounds = array<i64: 2, 1000, 128>}, {transform_indices = @transform_2, window_bounds = array<i64: 1000, 128>}, {pipeline_mode = #tpu.pipeline_mode<synchronous>, transform_indices = @transform_3, window_bounds = array<i64: 128, 128>}, {pipeline_mode = #tpu.pipeline_mode<synchronous>, transform_indices = @transform_4, window_bounds = array<i64: 128, 128>}, {pipeline_mode = #tpu.pipeline_mode<synchronous>, transform_indices = @transform_5, window_bounds = array<i64: 1, 128>}, {pipeline_mode = #tpu.pipeline_mode<synchronous>, transform_indices = @transform_6, window_bounds = array<i64: 128, 128>}, {pipeline_mode = #tpu.pipeline_mode<synchronous>, transform_indices = @transform_7, window_bounds = array<i64: 1, 128>}, {transform_indices = @transform_8, window_bounds = array<i64: 1000, 128>}]} {
    %get3A = arith.constant 0 : index
    %get3A_0 = arith.constant 0 : index
    %get3A_1 = arith.constant 0 : index
    %get3A_2 = vector.load %arg2[%get3A, %get3A_0, %get3A_1] : memref<2x1000x128xf32, #tpu.memory_space<vmem>>, vector<1x1000x1xf32>
    %get3A_3 = vector.shape_cast %get3A_2 : vector<1x1000x1xf32> to vector<1000x1xf32>
    %get3A_4 = arith.constant 1 : index
    %get3A_5 = arith.constant 0 : index
    %get3A_6 = arith.constant 0 : index
    %get3A_7 = vector.load %arg2[%get3A_4, %get3A_5, %get3A_6] : memref<2x1000x128xf32, #tpu.memory_space<vmem>>, vector<1x1000x1xf32>
    %get3A_8 = vector.shape_cast %get3A_7 : vector<1x1000x1xf32> to vector<1000x1xf32>
    %add3A = arith.addf %get3A_3, %get3A_8 : vector<1000x1xf32>
    %get3A_9 = arith.constant 0 : index
    %get3A_10 = arith.constant 0 : index
    %get3A_11 = arith.constant 0 : index
    %get3A_12 = vector.load %arg1[%get3A_9, %get3A_10, %get3A_11] : memref<2x1000x128xf32, #tpu.memory_space<vmem>>, vector<1x1000x128xf32>
    %get3A_13 = vector.shape_cast %get3A_12 : vector<1x1000x128xf32> to vector<1000x128xf32>
    %get3A_14 = arith.constant 1 : index
    %get3A_15 = arith.constant 0 : index
    %get3A_16 = arith.constant 0 : index
    %get3A_17 = vector.load %arg1[%get3A_14, %get3A_15, %get3A_16] : memref<2x1000x128xf32, #tpu.memory_space<vmem>>, vector<1x1000x128xf32>
    %get3A_18 = vector.shape_cast %get3A_17 : vector<1x1000x128xf32> to vector<1000x128xf32>
    %add3A_19 = arith.addf %get3A_13, %get3A_18 : vector<1000x128xf32>
    %max3A = arith.constant 1.000000e+00 : f32
    %max3A_20 = vector.broadcast %max3A : f32 to vector<1000x1xf32>
    %max3A_21 = arith.maximumf %add3A, %max3A_20 : vector<1000x1xf32>
    %div3A = vector.broadcast %max3A_21 : vector<1000x1xf32> to vector<1000x128xf32>
    %div3A_22 = arith.divf %add3A_19, %div3A : vector<1000x128xf32>
    %get3A_23 = arith.constant 0 : index
    %get3A_24 = arith.constant 0 : index
    %get3A_25 = vector.load %arg4[%get3A_23, %get3A_24] : memref<128x128xf32, #tpu.memory_space<vmem>>, vector<128x128xf32>
    %dot_general3A = arith.constant dense<0.000000e+00> : vector<1000x128xf32>
    %dot_general3A_26 = tpu.matmul %div3A_22, %get3A_25, %dot_general3A {dimension_numbers = #tpu.dot_dimension_numbers<[1], [0], [0], [1], [0, 0, 1, 1], [], []>, transpose_lhs_hint = false} : vector<1000x128xf32>, vector<128x128xf32>, vector<1000x128xf32> -> vector<1000x128xf32>
    %get3A_27 = arith.constant 0 : index
    %get3A_28 = arith.constant 0 : index
    %get3A_29 = vector.load %arg6[%get3A_27, %get3A_28] : memref<1x128xf32, #tpu.memory_space<vmem>>, vector<1x128xf32>
    %add3A_30 = vector.broadcast %get3A_29 : vector<1x128xf32> to vector<1000x128xf32>
    %add3A_31 = arith.addf %dot_general3A_26, %add3A_30 : vector<1000x128xf32>
    %get3A_32 = arith.constant 0 : index
    %get3A_33 = arith.constant 0 : index
    %get3A_34 = vector.load %arg3[%get3A_32, %get3A_33] : memref<1000x128xf32, #tpu.memory_space<vmem>>, vector<1000x128xf32>
    %get3A_35 = arith.constant 0 : index
    %get3A_36 = arith.constant 0 : index
    %get3A_37 = vector.load %arg5[%get3A_35, %get3A_36] : memref<128x128xf32, #tpu.memory_space<vmem>>, vector<128x128xf32>
    %dot_general3A_38 = arith.constant dense<0.000000e+00> : vector<1000x128xf32>
    %dot_general3A_39 = tpu.matmul %get3A_34, %get3A_37, %dot_general3A_38 {dimension_numbers = #tpu.dot_dimension_numbers<[1], [0], [0], [1], [0, 0, 1, 1], [], []>, transpose_lhs_hint = false} : vector<1000x128xf32>, vector<128x128xf32>, vector<1000x128xf32> -> vector<1000x128xf32>
    %add3A_40 = arith.addf %add3A_31, %dot_general3A_39 : vector<1000x128xf32>
    %ge3A = arith.constant 0.000000e+00 : f32
    %ge3A_41 = vector.broadcast %ge3A : f32 to vector<1000x128xf32>
    %ge3A_42 = arith.cmpf oge, %add3A_40, %ge3A_41 : vector<1000x128xf32>
    %mul3A = arith.constant 1.000000e-01 : f32
    %mul3A_43 = vector.broadcast %mul3A : f32 to vector<1000x128xf32>
    %mul3A_44 = arith.mulf %mul3A_43, %add3A_40 : vector<1000x128xf32>
    %select_n3A = arith.select %ge3A_42, %add3A_40, %mul3A_44 : vector<1000x128xi1>, vector<1000x128xf32>
    %get3A_45 = arith.constant 0 : index
    %get3A_46 = arith.constant 0 : index
    %get3A_47 = vector.load %arg7[%get3A_45, %get3A_46] : memref<128x128xf32, #tpu.memory_space<vmem>>, vector<128x128xf32>
    %dot_general3A_48 = arith.constant dense<0.000000e+00> : vector<1000x128xf32>
    %dot_general3A_49 = tpu.matmul %select_n3A, %get3A_47, %dot_general3A_48 {dimension_numbers = #tpu.dot_dimension_numbers<[1], [0], [0], [1], [0, 0, 1, 1], [], []>, transpose_lhs_hint = false} : vector<1000x128xf32>, vector<128x128xf32>, vector<1000x128xf32> -> vector<1000x128xf32>
    %get3A_50 = arith.constant 0 : index
    %get3A_51 = arith.constant 0 : index
    %get3A_52 = vector.load %arg8[%get3A_50, %get3A_51] : memref<1x128xf32, #tpu.memory_space<vmem>>, vector<1x128xf32>
    %add3A_53 = vector.broadcast %get3A_52 : vector<1x128xf32> to vector<1000x128xf32>
    %add3A_54 = arith.addf %dot_general3A_49, %add3A_53 : vector<1000x128xf32>
    %ge3A_55 = arith.constant 0.000000e+00 : f32
    %ge3A_56 = vector.broadcast %ge3A_55 : f32 to vector<1000x128xf32>
    %ge3A_57 = arith.cmpf oge, %add3A_54, %ge3A_56 : vector<1000x128xf32>
    %mul3A_58 = arith.constant 1.000000e-01 : f32
    %mul3A_59 = vector.broadcast %mul3A_58 : f32 to vector<1000x128xf32>
    %mul3A_60 = arith.mulf %mul3A_59, %add3A_54 : vector<1000x128xf32>
    %select_n3A_61 = arith.select %ge3A_57, %add3A_54, %mul3A_60 : vector<1000x128xi1>, vector<1000x128xf32>
    %swap3A = arith.constant 0 : index
    %swap3A_62 = arith.constant 0 : index
    %swap3A_63 = vector.load %arg9[%swap3A, %swap3A_62] : memref<1000x128xf32, #tpu.memory_space<vmem>>, vector<1000x128xf32>
    tpu.vector_store %arg9[%swap3A, %swap3A_62], %select_n3A_61 {strides = array<i32>} : memref<1000x128xf32, #tpu.memory_space<vmem>>, vector<1000x128xf32>,
    return
  }
  func.func @transform_0(%arg0: i32) -> (i32, i32, i32) {
    %c0_i32 = arith.constant 0 : i32
    %c0_i32_0 = arith.constant 0 : i32
    %c0_i32_1 = arith.constant 0 : i32
    return %c0_i32, %arg0, %c0_i32_0 : i32, i32, i32
  }
  func.func @transform_1(%arg0: i32) -> (i32, i32, i32) {
    %c0_i32 = arith.constant 0 : i32
    %c0_i32_0 = arith.constant 0 : i32
    %c0_i32_1 = arith.constant 0 : i32
    return %c0_i32, %arg0, %c0_i32_0 : i32, i32, i32
  }
  func.func @transform_2(%arg0: i32) -> (i32, i32) {
    %c0_i32 = arith.constant 0 : i32
    %c0_i32_0 = arith.constant 0 : i32
    return %arg0, %c0_i32 : i32, i32
  }
  func.func @transform_3(%arg0: i32) -> (i32, i32) {
    %c0_i32 = arith.constant 0 : i32
    %c0_i32_0 = arith.constant 0 : i32
    %c0_i32_1 = arith.constant 0 : i32
    return %c0_i32, %c0_i32_0 : i32, i32
  }
  func.func @transform_4(%arg0: i32) -> (i32, i32) {
    %c0_i32 = arith.constant 0 : i32
    %c0_i32_0 = arith.constant 0 : i32
    %c0_i32_1 = arith.constant 0 : i32
    return %c0_i32, %c0_i32_0 : i32, i32
  }
  func.func @transform_5(%arg0: i32) -> (i32, i32) {
    %c0_i32 = arith.constant 0 : i32
    %c0_i32_0 = arith.constant 0 : i32
    %c0_i32_1 = arith.constant 0 : i32
    return %c0_i32, %c0_i32_0 : i32, i32
  }
  func.func @transform_6(%arg0: i32) -> (i32, i32) {
    %c0_i32 = arith.constant 0 : i32
    %c0_i32_0 = arith.constant 0 : i32
    %c0_i32_1 = arith.constant 0 : i32
    return %c0_i32, %c0_i32_0 : i32, i32
  }
  func.func @transform_7(%arg0: i32) -> (i32, i32) {
    %c0_i32 = arith.constant 0 : i32
    %c0_i32_0 = arith.constant 0 : i32
    %c0_i32_1 = arith.constant 0 : i32
    return %c0_i32, %c0_i32_0 : i32, i32
  }
  func.func @transform_8(%arg0: i32) -> (i32, i32) {
    %c0_i32 = arith.constant 0 : i32
    %c0_i32_0 = arith.constant 0 : i32
    return %arg0, %c0_i32 : i32, i32
  }
}

module attributes {stable_mosaic.version = 14 : i64} {
  func.func @_tc_dense_body(%arg0: i32, %arg1: memref<2x1000x128xf32, #tpu.memory_space<vmem>>, %arg2: memref<2x1000x128xf32, #tpu.memory_space<vmem>>, %arg3: memref<1000x128xf32, #tpu.memory_space<vmem>>, %arg4: memref<128x128xf32, #tpu.memory_space<vmem>>, %arg5: memref<128x128xf32, #tpu.memory_space<vmem>>, %arg6: memref<1x128xf32, #tpu.memory_space<vmem>>, %arg7: memref<128x128xf32, #tpu.memory_space<vmem>>, %arg8: memref<1x128xf32, #tpu.memory_space<vmem>>, %arg9: memref<1000x128xf32, #tpu.memory_space<vmem>>) attributes {dimension_semantics = [#tpu.dimension_semantics<arbitrary>], iteration_bounds = array<i64: 10>, scalar_prefetch = 0 : i64, scratch_operands = 0 : i64, tpu.core_type = #tpu.core_type<tc>, window_params = [{transform_indices = @transform_0, window_bounds = array<i64: 2, 1000, 128>}, {transform_indices = @transform_1, window_bounds = array<i64: 2, 1000, 128>}, {transform_indices = @transform_2, window_bounds = array<i64: 1000, 128>}, {pipeline_mode = #tpu.pipeline_mode<synchronous>, transform_indices = @transform_3, window_bounds = array<i64: 128, 128>}, {pipeline_mode = #tpu.pipeline_mode<synchronous>, transform_indices = @transform_4, window_bounds = array<i64: 128, 128>}, {pipeline_mode = #tpu.pipeline_mode<synchronous>, transform_indices = @transform_5, window_bounds = array<i64: 1, 128>}, {pipeline_mode = #tpu.pipeline_mode<synchronous>, transform_indices = @transform_6, window_bounds = array<i64: 128, 128>}, {pipeline_mode = #tpu.pipeline_mode<synchronous>, transform_indices = @transform_7, window_bounds = array<i64: 1, 128>}, {transform_indices = @transform_8, window_bounds = array<i64: 1000, 128>}]} {
    %get3A = arith.constant 0 : index
    %get3A_0 = arith.constant 0 : index
    %get3A_1 = arith.constant 0 : index
    %get3A_2 = vector.load %arg2[%get3A, %get3A_0, %get3A_1] : memref<2x1000x128xf32, #tpu.memory_space<vmem>>, vector<1x1000x1xf32>
    %get3A_3 = vector.shape_cast %get3A_2 : vector<1x1000x1xf32> to vector<1000x1xf32>
    %get3A_4 = arith.constant 1 : index
    %get3A_5 = arith.constant 0 : index
    %get3A_6 = arith.constant 0 : index
    %get3A_7 = vector.load %arg2[%get3A_4, %get3A_5, %get3A_6] : memref<2x1000x128xf32, #tpu.memory_space<vmem>>, vector<1x1000x1xf32>
    %get3A_8 = vector.shape_cast %get3A_7 : vector<1x1000x1xf32> to vector<1000x1xf32>
    %add3A = arith.addf %get3A_3, %get3A_8 : vector<1000x1xf32>
    %get3A_9 = arith.constant 0 : index
    %get3A_10 = arith.constant 0 : index
    %get3A_11 = arith.constant 0 : index
    %get3A_12 = vector.load %arg1[%get3A_9, %get3A_10, %get3A_11] : memref<2x1000x128xf32, #tpu.memory_space<vmem>>, vector<1x1000x128xf32>
    %get3A_13 = vector.shape_cast %get3A_12 : vector<1x1000x128xf32> to vector<1000x128xf32>
    %get3A_14 = arith.constant 1 : index
    %get3A_15 = arith.constant 0 : index
    %get3A_16 = arith.constant 0 : index
    %get3A_17 = vector.load %arg1[%get3A_14, %get3A_15, %get3A_16] : memref<2x1000x128xf32, #tpu.memory_space<vmem>>, vector<1x1000x128xf32>
    %get3A_18 = vector.shape_cast %get3A_17 : vector<1x1000x128xf32> to vector<1000x128xf32>
    %add3A_19 = arith.addf %get3A_13, %get3A_18 : vector<1000x128xf32>
    %max3A = arith.constant 1.000000e+00 : f32
    %max3A_20 = vector.broadcast %max3A : f32 to vector<1000x1xf32>
    %max3A_21 = arith.maximumf %add3A, %max3A_20 : vector<1000x1xf32>
    %div3A = vector.broadcast %max3A_21 : vector<1000x1xf32> to vector<1000x128xf32>
    %div3A_22 = arith.divf %add3A_19, %div3A : vector<1000x128xf32>
    %get3A_23 = arith.constant 0 : index
    %get3A_24 = arith.constant 0 : index
    %get3A_25 = vector.load %arg4[%get3A_23, %get3A_24] : memref<128x128xf32, #tpu.memory_space<vmem>>, vector<128x128xf32>
    %dot_general3A = arith.constant dense<0.000000e+00> : vector<1000x128xf32>
    %dot_general3A_26 = tpu.matmul %div3A_22, %get3A_25, %dot_general3A {dimension_numbers = #tpu.dot_dimension_numbers<[1], [0], [0], [1], [0, 0, 1, 1], [], []>, transpose_lhs_hint = false} : vector<1000x128xf32>, vector<128x128xf32>, vector<1000x128xf32> -> vector<1000x128xf32>
    %get3A_27 = arith.constant 0 : index
    %get3A_28 = arith.constant 0 : index
    %get3A_29 = vector.load %arg6[%get3A_27, %get3A_28] : memref<1x128xf32, #tpu.memory_space<vmem>>, vector<1x128xf32>
    %add3A_30 = vector.broadcast %get3A_29 : vector<1x128xf32> to vector<1000x128xf32>
    %add3A_31 = arith.addf %dot_general3A_26, %add3A_30 : vector<1000x128xf32>
    %get3A_32 = arith.constant 0 : index
    %get3A_33 = arith.constant 0 : index
    %get3A_34 = vector.load %arg3[%get3A_32, %get3A_33] : memref<1000x128xf32, #tpu.memory_space<vmem>>, vector<1000x128xf32>
    %get3A_35 = arith.constant 0 : index
    %get3A_36 = arith.constant 0 : index
    %get3A_37 = vector.load %arg5[%get3A_35, %get3A_36] : memref<128x128xf32, #tpu.memory_space<vmem>>, vector<128x128xf32>
    %dot_general3A_38 = arith.constant dense<0.000000e+00> : vector<1000x128xf32>
    %dot_general3A_39 = tpu.matmul %get3A_34, %get3A_37, %dot_general3A_38 {dimension_numbers = #tpu.dot_dimension_numbers<[1], [0], [0], [1], [0, 0, 1, 1], [], []>, transpose_lhs_hint = false} : vector<1000x128xf32>, vector<128x128xf32>, vector<1000x128xf32> -> vector<1000x128xf32>
    %add3A_40 = arith.addf %add3A_31, %dot_general3A_39 : vector<1000x128xf32>
    %get3A_41 = arith.constant 0 : index
    %get3A_42 = arith.constant 0 : index
    %get3A_43 = vector.load %arg7[%get3A_41, %get3A_42] : memref<128x128xf32, #tpu.memory_space<vmem>>, vector<128x128xf32>
    %dot_general3A_44 = arith.constant dense<0.000000e+00> : vector<1000x128xf32>
    %dot_general3A_45 = tpu.matmul %add3A_40, %get3A_43, %dot_general3A_44 {dimension_numbers = #tpu.dot_dimension_numbers<[1], [0], [0], [1], [0, 0, 1, 1], [], []>, transpose_lhs_hint = false} : vector<1000x128xf32>, vector<128x128xf32>, vector<1000x128xf32> -> vector<1000x128xf32>
    %get3A_46 = arith.constant 0 : index
    %get3A_47 = arith.constant 0 : index
    %get3A_48 = vector.load %arg8[%get3A_46, %get3A_47] : memref<1x128xf32, #tpu.memory_space<vmem>>, vector<1x128xf32>
    %add3A_49 = vector.broadcast %get3A_48 : vector<1x128xf32> to vector<1000x128xf32>
    %add3A_50 = arith.addf %dot_general3A_45, %add3A_49 : vector<1000x128xf32>
    %swap3A = arith.constant 0 : index
    %swap3A_51 = arith.constant 0 : index
    %swap3A_52 = vector.load %arg9[%swap3A, %swap3A_51] : memref<1000x128xf32, #tpu.memory_space<vmem>>, vector<1000x128xf32>
    tpu.vector_store %arg9[%swap3A, %swap3A_51], %add3A_50 {strides = array<i32>} : memref<1000x128xf32, #tpu.memory_space<vmem>>, vector<1000x128xf32>,
    return
  }
  func.func @transform_0(%arg0: i32) -> (i32, i32, i32) {
    %c0_i32 = arith.constant 0 : i32
    %c0_i32_0 = arith.constant 0 : i32
    %c0_i32_1 = arith.constant 0 : i32
    return %c0_i32, %arg0, %c0_i32_0 : i32, i32, i32
  }
  func.func @transform_1(%arg0: i32) -> (i32, i32, i32) {
    %c0_i32 = arith.constant 0 : i32
    %c0_i32_0 = arith.constant 0 : i32
    %c0_i32_1 = arith.constant 0 : i32
    return %c0_i32, %arg0, %c0_i32_0 : i32, i32, i32
  }
  func.func @transform_2(%arg0: i32) -> (i32, i32) {
    %c0_i32 = arith.constant 0 : i32
    %c0_i32_0 = arith.constant 0 : i32
    return %arg0, %c0_i32 : i32, i32
  }
  func.func @transform_3(%arg0: i32) -> (i32, i32) {
    %c0_i32 = arith.constant 0 : i32
    %c0_i32_0 = arith.constant 0 : i32
    %c0_i32_1 = arith.constant 0 : i32
    return %c0_i32, %c0_i32_0 : i32, i32
  }
  func.func @transform_4(%arg0: i32) -> (i32, i32) {
    %c0_i32 = arith.constant 0 : i32
    %c0_i32_0 = arith.constant 0 : i32
    %c0_i32_1 = arith.constant 0 : i32
    return %c0_i32, %c0_i32_0 : i32, i32
  }
  func.func @transform_5(%arg0: i32) -> (i32, i32) {
    %c0_i32 = arith.constant 0 : i32
    %c0_i32_0 = arith.constant 0 : i32
    %c0_i32_1 = arith.constant 0 : i32
    return %c0_i32, %c0_i32_0 : i32, i32
  }
  func.func @transform_6(%arg0: i32) -> (i32, i32) {
    %c0_i32 = arith.constant 0 : i32
    %c0_i32_0 = arith.constant 0 : i32
    %c0_i32_1 = arith.constant 0 : i32
    return %c0_i32, %c0_i32_0 : i32, i32
  }
  func.func @transform_7(%arg0: i32) -> (i32, i32) {
    %c0_i32 = arith.constant 0 : i32
    %c0_i32_0 = arith.constant 0 : i32
    %c0_i32_1 = arith.constant 0 : i32
    return %c0_i32, %c0_i32_0 : i32, i32
  }
  func.func @transform_8(%arg0: i32) -> (i32, i32) {
    %c0_i32 = arith.constant 0 : i32
    %c0_i32_0 = arith.constant 0 : i32
    return %arg0, %c0_i32 : i32, i32
  }
}

</mosaic_0001>

<sc_bundles>
// kernel: kernel.12.cloned.1.call-start
scs
__scs_entry_jumppad:
0x0: {  	(pc) =	sbr.rel $0x88, $3  }
0x1: {  	(tag) =	ssettag $0x0;
	lr =	simm.s32 $0x1  }
0x2: {  	[smem:$0x3F90] =	sst lr;
	_ =	strace $0xD0000000  }
0x3: {  	_ = 	snop  }
0x4: {  	_ = 	snop  }
0x5: {  	_ = 	snop  }
0x6: {  	_ = 	snop  }
0x7: {  	_ = 	snop  }
__scs_overlays_trampoline_lowered:
0x8: {  	[smem:$0x3F9F] =	sst s0  }
0x9: {  	[smem:$0x3FA0] =	sst s1  }
0xa: {  	[smem:$0x3FA1] =	sst s2  }
0xb: {  	[smem:$0x3FA2] =	sst s3  }
0xc: {  	[smem:$0x3FA3] =	sst s4  }
0xd: {  	[smem:$0x3FA4] =	sst s5  }
0xe: {  	[smem:$0x3FA5] =	sst s6  }
0xf: {  	[smem:$0x3FA6] =	sst s7  }
0x10: {  	[smem:$0x3FA7] =	sst s8  }
0x11: {  	[smem:$0x3FA8] =	sst s9;
	s0 =	simm.s32 @!p0 $0x0  }
0x12: {  	s1 =	sld [smem:$0x3F8E];
	s0 =	simm.s32 @p0 $0x1  }
0x13: {  	[smem:$0x3FA9] =	sst s0;
	s0 =	simm.s32 @!p1 $0x0  }
0x14: {  	s2 =	sld [smem:$0x3F8D];
	s0 =	simm.s32 @p1 $0x1  }
0x15: {  	[smem:$0x3FAA] =	sst s0;
	s0 =	simm.s32 @!p2 $0x0  }
0x16: {  	s3 =	sld [smem:$0x3FDB];
	s0 =	simm.s32 @p2 $0x1  }
0x17: {  	s4 =	simm.s32 $0x1BF5;
	[smem:$0x3FAC] =	sst s0  }
0x18: {  	s0 =	sld [smem:$0x3F8F];
	_ =	swait.ge [sflag:s4], $0x0  }
0x19: {  	s7 =	sld [smem:$0x3F90]  }
0x1a: {  	s8 =	sadd.s32 $0xFFFFE003, lr  }
0x1b: {  	s9 =	sadd.s32 $0xFFFFFEF7, lr;
	s5 =	simm.s32 $0xFFFFFFFF;
	p2 =	slt.u32 s8, $0xFFFFF086  }
0x1c: {  	p1 =	slt.u32 s9, $0xF7A;
	s5 =	simm.s32 @!p2 $0x0  }
0x1d: {  	s5 =	simm.s32 @p1 $0x1;
	p0 =	seq.s32 s7, s2  }
0x1e: {  	s7 =	smul.u32 @!p0 $0xF7A, s2;
	p2 =	seq.s32 @!p0 s5, $0x0  }
0x1f: {  	s9 =	smul.u32 $0xF7A, s1;
	s8 =	simm.s32 @!p0 $0x1BF5;
	p2 =	por !p2, p0  }
0x20: {  	[sflag:s8] =	ssyncset.s32 @!p0 $0xFFFFF086;
	s6 =	sadd.s32 @!p0 s3, s7;
	s7 =	simm.s32 @!p0 $0x108  }
0x21: {  	s3 =	sadd.s32 s3, s9;
	s6 =	sadd.s32 @!p0 $0x88, s6;
	s7 =	simm.s32 @p2 $0x1082  }
0x22: {  	[simem:s7], [sflag:s8] =	dma.local @!p0 [hbm:s6], $0xF7A  }
0x23: {  	s9 =	sor.u32 $0xD0000000, s2;
	s6 =	simm.s32 $0x108;
	_ =	swait.ge @!p0 [sflag:s8], $0x0  }
0x24: {  	s3 =	sadd.s32 $0x88, s3;
	s6 =	simm.s32 @!p1 $0x1082;
	[sflag:s4] =	ssyncset.s32 $0xFFFFF086  }
0x25: {  	[simem:s6], [sflag:s4] =	dma.local [hbm:s3], $0xF7A  }
0x26: {  	[smem:$0x3F90] =	sst s1;
	(tag) =	ssettag s2;
	_ =	strace s9  }
0x27: {  	s1 =	sld [smem:$0x3FA0]  }
0x28: {  	s2 =	sld [smem:$0x3FA1]  }
0x29: {  	s4 =	sld [smem:$0x3FA3]  }
0x2a: {  	p0 =	seq.s32 s5, $0x0;
	s5 =	sld [smem:$0x3FA4]  }
0x2b: {  	s6 =	sld [smem:$0x3FA5]  }
0x2c: {  	s7 =	sld [smem:$0x3FA6]  }
0x2d: {  	s3 =	simm.s32 $0x108;
	s8 =	sld [smem:$0x3FA7]  }
0x2e: {  	s3 =	simm.s32 @!p0 $0x1082;
	s9 =	sld [smem:$0x3FA8]  }
0x2f: {  	lr =	sadd.s32 s0, s3;
	s0 =	sld [smem:$0x3F9F]  }
0x30: {  	s3 =	sld [smem:$0x3FA2]  }
0x31: {  	[smem:$0x3FAB] =	sst s10  }
0x32: {  	s10 =	sld [smem:$0x3FA9];
	_ =	sdelay $0x3  }
0x33: {  	p0 =	seq.s32 s10, $0x1;
	s10 =	sld [smem:$0x3FAB];
	_ =	sdelay $0x3  }
0x34: {  	[smem:$0x3FAB] =	sst s10  }
0x35: {  	s10 =	sld [smem:$0x3FAA];
	_ =	sdelay $0x3  }
0x36: {  	p1 =	seq.s32 s10, $0x1;
	s10 =	sld [smem:$0x3FAB];
	_ =	sdelay $0x3  }
0x37: {  	[smem:$0x3FAB] =	sst s10  }
0x38: {  	s10 =	sld [smem:$0x3FAC]  }
0x39: {  	_ = 	snop;
	(pc) =	sbr.ind lr, $3  }
0x3a: {  	_ = 	snop  }
0x3b: {  	_ = 	snop  }
0x3c: {  	p2 =	seq.s32 s10, $0x1;
	s10 =	sld [smem:$0x3FAB]  }
0x3d: {  	_ =	shalt  }
0x3e: {  	_ =	shalt  }
0x3f: {  	_ =	shalt  }
0x40: {  	_ =	shalt  }
0x41: {  	_ =	shalt  }
0x42: {  	_ =	shalt  }
0x43: {  	_ =	shalt  }
0x44: {  	_ =	shalt  }
0x45: {  	_ =	shalt  }
0x46: {  	_ =	shalt  }
0x47: {  	_ =	shalt  }
0x48: {  	_ =	shalt  }
0x49: {  	_ =	shalt  }
0x4a: {  	_ =	shalt  }
0x4b: {  	_ =	shalt  }
0x4c: {  	_ =	shalt  }
0x4d: {  	_ =	shalt  }
0x4e: {  	_ =	shalt  }
0x4f: {  	_ =	shalt  }
0x50: {  	_ =	shalt  }
0x51: {  	_ =	shalt  }
0x52: {  	_ =	shalt  }
0x53: {  	_ =	shalt  }
0x54: {  	_ =	shalt  }
0x55: {  	_ =	shalt  }
0x56: {  	_ =	shalt  }
0x57: {  	_ =	shalt  }
0x58: {  	_ =	shalt  }
0x59: {  	_ =	shalt  }
0x5a: {  	_ =	shalt  }
0x5b: {  	_ =	shalt  }
0x5c: {  	_ =	shalt  }
0x5d: {  	_ =	shalt  }
0x5e: {  	_ =	shalt  }
0x5f: {  	_ =	shalt  }
0x60: {  	_ =	shalt  }
0x61: {  	_ =	shalt  }
0x62: {  	_ =	shalt  }
0x63: {  	_ =	shalt  }
0x64: {  	_ =	shalt  }
0x65: {  	_ =	shalt  }
0x66: {  	_ =	shalt  }
0x67: {  	_ =	shalt  }
0x68: {  	_ =	shalt  }
0x69: {  	_ =	shalt  }
0x6a: {  	_ =	shalt  }
0x6b: {  	_ =	shalt  }
0x6c: {  	_ =	shalt  }
0x6d: {  	_ =	shalt  }
0x6e: {  	_ =	shalt  }
0x6f: {  	_ =	shalt  }
0x70: {  	_ =	shalt  }
0x71: {  	_ =	shalt  }
0x72: {  	_ =	shalt  }
0x73: {  	_ =	shalt  }
0x74: {  	_ =	shalt  }
0x75: {  	_ =	shalt  }
0x76: {  	_ =	shalt  }
0x77: {  	_ =	shalt  }
0x78: {  	_ =	shalt  }
0x79: {  	_ =	shalt  }
0x7a: {  	_ =	shalt  }
0x7b: {  	_ =	shalt  }
0x7c: {  	_ =	shalt  }
0x7d: {  	_ =	shalt  }
0x7e: {  	_ =	shalt  }
0x7f: {  	_ =	shalt  }
0x80: {  	_ =	shalt  }
0x81: {  	_ =	shalt  }
0x82: {  	_ =	shalt  }
0x83: {  	_ =	shalt  }
0x84: {  	_ =	shalt  }
0x85: {  	_ =	shalt  }
0x86: {  	_ =	shalt  }
0x87: {  	_ =	shalt  }
.Lfunc_end0:
.L_simem_size_0:
called_computation.1_lowered:
.L_overlay_start_0:
0x88: {  	s2 =	sld [smem:$0x3FD9]  }
0x89: {  	s3 =	sld [smem:$0x3FFE];
	_ =	sdelay $0x1  }
0x8a: {  	s1 =	srdreg.scid  }
0x8b: {  	s0 =	sand.u32 $0x1, s1  }
0x8c: {  	s17 =	sshll.u32 s0, $0xA;
	s2 =	sadd.s32 s3, s2  }
0x8d: {  	s2 =	sadd.s32 s2, s17  }
0x8e: {  	[smem:$0x3FB7] =	sst s2  }
0x8f: {  	_ = 	snop  }
0x90: {  	s18 =	sld [smem:$0x3FC9];
	(tm) =	ssettm $0x1  }
0x91: {  	s19 =	sld [smem:$0x3FFB];
	_ =	sdelay $0x3  }
0x92: {  	_ =	strace s19  }
0x93: {  	s2 =	sld [smem:$0x3FFC];
	_ =	sdelay $0x3  }
0x94: {  	_ =	strace s2  }
0x95: {  	s2 =	sld [smem:$0x3FFD];
	_ =	sdelay $0x3  }
0x96: {  	_ =	strace s2  }
0x97: {  	_ =	strace $0x8FFFFFFF  }
0x98: {  	s20 =	sld [smem:$0x3FDB];
	_ =	sdelay $0x1  }
0x99: {  	s4 =	simm.s32 $_scs_section_size  }
0x9a: {  	s5 =	simm.s32 $_size__tile_overlayer_lowered;
	s6 =	simm.s32 $_tile_overlayer_lowered  }
0x9b: {  	s7 =	simm.s32 $0x1BFF;
	s21 =	sshll.u32 s6, $0x1;
	s4 =	sadd.s32 s4, s20  }
0x9c: {  	s22 =	simm.s32 $0x0;
	s5 =	sshll.u32 s5, $0x1;
	s6 =	sadd.s32 s21, s4  }
0x9d: {  	[timem:s22], [sflag:s7] =	dma.local [hbm:s6], s5  }
0x9e: {  	_ =	swait.ge [sflag:s7], s5  }
0x9f: {  	s5 =	ssub.s32 $0x0, s5;
	[sflag:s7] =	ssyncset.done $0x0  }
0xa0: {  	[sflag:s7] =	ssyncadd.s32 s5;
	_ =	sdelay $0x1  }
0xa1: {  	s23 =	simm.s32 $0x1B8B  }
0xa2: {  	_ =	swait.ge [sflag:s23], $0x1  }
0xa3: {  	[sflag:s23] =	ssyncset.done $0x0  }
0xa4: {  	[sflag:s23] =	ssyncadd.s32 $0xFFFFFFFF  }
0xa5: {  	s5 =	sld [smem:$0x0]  }
0xa6: {  	s6 =	sand.u32 $0xFFFFFFFE, s1  }
0xa7: {  	p0 =	sne.s32 s1, s6  }
0xa8: {  	s6 =	sshll.u32 @p0 s6, $0xE  }
0xa9: {  	s6 =	sadd.s32 @p0 $0x11B8D, s6;
	s7 =	sshll.u32 @p0 s5, $0x11  }
0xaa: {  	s6 =	sor.u32 @p0 s7, s6  }
0xab: {  	[sflag:s6] =	ssyncadd.remote.s32 @p0 $0x1;
	_ =	sdelay $0x1  }
0xac: {  	s6 =	simm.s32 @p0 $0x1B8D  }
0xad: {  	_ =	swait.eq @p0 [sflag:s6], $0x1  }
0xae: {  	[sflag:s6] =	ssyncadd.s32 @p0 $0xFFFFFFFF  }
0xaf: {  	s7 =	sshll.u32 @!p0 s1, $0xE  }
0xb0: {  	s7 =	sor.u32 @!p0 $0x4000, s7;
	s6 =	simm.s32 @!p0 $0x1B8D  }
0xb1: {  	s5 =	sshll.u32 @!p0 s5, $0x11;
	s7 =	sadd.s32 @!p0 $0x11B8D, s7;
	_ =	swait.eq @!p0 [sflag:s6], $0x1  }
0xb2: {  	s5 =	sor.u32 @!p0 s5, s7;
	[sflag:s6] =	ssyncadd.s32 @!p0 $0xFFFFFFFF  }
0xb3: {  	s25 =	simm.s32 $0x1B8E;
	s24 =	sld [smem:$0x3FFE];
	[sflag:s5] =	ssyncadd.remote.s32 @!p0 $0x1  }
0xb4: {  	s26 =	simm.s32 $execute0_lowered;
	[smem:$0x3FD2] =	sst s25  }
0xb5: {  	s6 =	sshll.u32 s26, $0x1;
	_ =	strace $0x80000049;
	[dreg:$0x1] =	wrdreg $0xFFFFFFFF  }
0xb6: {  	s28 =	simm.s32 $_size_execute0_lowered;
	s4 =	sadd.s32 s4, s6;
	[dreg:$0x0] =	wrdreg $0x0  }
0xb7: {  	s6 =	sshll.u32 s28, $0x1;
	[dreg:$0x2] =	wrdreg s4  }
0xb8: {  	[dreg:$0x3] =	wrdreg s6  }
0xb9: {  	[dreg:$0x4] =	wrdreg $0xC0  }
0xba: {  	_ =	task [dreg:s22], $0x5FFFF  }
0xbb: {  	[dreg:$0x1] =	wrdreg $0xFFFFFFFF  }
0xbc: {  	[dreg:$0x0] =	wrdreg $0x60  }
0xbd: {  	[dreg:$0x2] =	wrdreg s18  }
0xbe: {  	[dreg:$0x3] =	wrdreg s24  }
0xbf: {  	[dreg:$0x4] =	wrdreg $0x88000  }
0xc0: {  	[dreg:$0x5] =	wrdreg $0xA  }
0xc1: {  	_ =	task.clear_ibuf [dreg:s22], $0x6FFFF;
	_ =	strace $0x90000049  }
0xc2: {  	s29 =	simm.s32 $0xA;
	_ =	strace $0x8000004B  }
0xc3: {  	_ =	swait.ge [sflag:s29], $0x1  }
0xc4: {  	[sflag:s29] =	ssyncadd.s32 $0xFFFFFFFF  }
0xc5: {  	_ =	strace $0x9000004B  }
0xc6: {  	_ =	sfence  }
0xc7: {  	s30 =	sld [smem:$0x0];
	_ =	sdelay $0x2  }
0xc8: {  	s31 =	sshll.u32 s1, $0xD;
	s1 =	sshrl.u32 s1, $0x2  }
0xc9: {  	s4 =	sand.u32 $0x4000, s31;
	s1 =	sadd.s32 s1, s30  }
0xca: {  	s0 =	sor.u32 s4, s0;
	s1 =	sshll.u32 s1, $0x11  }
0xcb: {  	s0 =	sor.u32 s1, s0  }
0xcc: {  	s0 =	sadd.s32 $0x8F2B, s0  }
0xcd: {  	[sflag:s0] =	ssyncadd.remote.s32 $0x1  }
0xce: {  	_ =	sfence.sel $0xFFFF  }
0xcf: {  	[dreg:$0x0] =	wrdreg $0xFFFFFFFF;
	(pc) =	sbr.abs _section_cstart, $3  }
0xd0: {  	[dreg:$0x1] =	wrdreg $0xFFFFFFFF  }
0xd1: {  	_ =	task.clear_ibuf [dreg:s22], $0x2FFFF;
	_ =	strace $0x9FFFFFFF  }
0xd2: {  	(tm) =	ssettm $0x7FFFFFFF  }
0xd3: {  	_ =	shalt  }
tec
execute0_lowered:
.L_overlay_start_1:
0x0: {  	(tag) =	ssettag $0x1  }
0x1: {  	s1 =	rddreg [dreg:$0x0]  }
0x2: {  	s0 =	rddreg [dreg:$0x1]  }
0x3: {  	s2 =	rddreg [dreg:$0x2];
	s4 =	simm.s32 $0x0;
	s3 =	srdreg.scid  }
0x4: {  	s11 =	stileid.u32;
	s13 =	simm.s32 $0x3;
	s14 =	simm.s32 $0x400  }
0x5: {  	s15 =	simm.s32 $0x80;
	s16 =	simm.s32 $0x800;
	s17 =	simm.s32 $0x1  }
0x6: {  	s18 =	simm.s32 $0x4800;
	s19 =	simm.s32 $0x2;
	s20 =	simm.s32 $0x100  }
0x7: {  	s28 =	simm.s32 $0x600;
	s29 =	simm.s32 $0x300;
	s30 =	simm.s32 $0x680  }
0x8: {  	s31 =	simm.s32 $0x380;
	[smem:$0x7FF] =	sst s4;
	s7 =	smul.u32 $0x14000, s11  }
0x9: {  	s3 =	sand.u32 $0x1, s3;
	s5 =	sadd.s32 $0x60E00, s0;
	s8 =	smul.u32 $0xA0, s11  }
0xa: {  	s9 =	sadd.s32 $0xE600, s0;
	s10 =	smul.u32 $0x50000, s11;
	s25 =	sshll.u32 s11, $0x6  }
0xb: {  	s6 =	smul.u32 $0x140000, s3;
	_ =	strace $0x8000004A;
	[dreg:$0x4] =	wrdreg s5  }
0xc: {  	s5 =	sadd.s32 $0x3E00, s0;
	s21 =	smul.u32 $0x78, s3;
	s22 =	ssub.s32 $0x2, s3  }
0xd: {  	[dreg:$0x5] =	wrdreg s9;
	s3 =	smul.u32 $0xFFFFFFB0, s3;
	s23 =	sshrl.u32 s22, $0x1  }
0xe: {  	s24 =	sshrl.u32 s10, $0x2;
	s6 =	sadd.s32 s7, s6;
	s7 =	sadd.s32 s21, s8  }
0xf: {  	s3 =	sadd.s32 $0x78, s3;
	s8 =	sor.u32 $0x1C03, s25;
	s21 =	simm.s32 $0x480  }
0x10: {  	s25 =	simm.s32 $0x580;
	s6 =	sshrl.u32 s6, $0x3;
	s3 =	sshrl.u32 s3, $0x3  }
0x11: {  	s9 =	sshll.u32 s7, $0x4;
	s0 =	sadd.s32 s6, s0;
	s6 =	ssub.s32 s22, s23  }
0x12: {  	[dreg:$0x6] =	wrdreg s3;
	s3 =	sadd.s32 s24, s2;
	s22 =	simm.s32 $0x180  }
0x13: {  	s23 =	simm.s32 $0x500;
	s24 =	simm.s32 $0x200;
	s0 =	sadd.s32 $0x6AE00, s0  }
0x14: {  	s26 =	smax.u32 s6, $0x1;
	s10 =	sshrl.u32 s3, $0x3;
	[dreg:$0x7] =	wrdreg s0  }
0x15: {  	s3 =	simm.s32 $0x780;
	s6 =	simm.s32 $0x0;
	[dreg:$0x8] =	wrdreg s26  }
0x16: {  	s26 =	simm.s32 $0x280;
	s0 =	simm.s32 $0x700;
	[dreg:$0x9] =	wrdreg s10  }
.LBB2_1:
0x17: {  	s7 =	rddreg [dreg:$0x5]  }
0x18: {  	[spmem:s10], [sflag:s8] =	dma.local [hbm:s7], $0x2800  }
0x19: {  	_ =	swait.ge [sflag:s13], $0x2800  }
0x1a: {  	[sflag:s13] =	ssyncset.done $0x0  }
0x1b: {  	[sflag:s13] =	ssyncadd.s32 $0xFFFFD800  }
0x1c: {  	[bflag:$0x0] =	sbarrier.arrive $0xFFFF  }
0x1d: {  	s11 =	rddreg [dreg:$0x6]  }
0x1e: {  	p1 =	sne.s32 s11, $0x1  }
.Ltmp0:
0x1f: {  	_ = 	snop;
	(pc) =	sbr.rel @!p1 .LBB2_2-.Ltmp0, $3  }
0x20: {  	_ =	sdelay $0x1  }
0x21: {  	s12 =	smov.u32 s8  }
0x22: {  	p0 =	por $0x0, $0x0;
	s7 =	rddreg [dreg:$0x4];
	s10 =	sadd.s32 $0xFFFFFFFF, s11  }
0x23: {  	s11 =	sand.u32 $0x1FFFFF80, s9  }
0x24: {  	s7 =	sadd.s32 s7, s11  }
0x25: {  	[tilespmem:s4], [sflag:$0x3] =	stream.linear.gather [hbm4b:s7+s4], $0x400, $0x38;
	[tilespmem:$0x1C800] =	vst v63  }
0x26: {  	_ =	swait.ge [sflag:s13], $0x400  }
0x27: {  	[sflag:s13] =	ssyncset.done $0x0  }
0x28: {  	s11 =	sadd.s32 s5, s11;
	[sflag:s13] =	ssyncadd.s32 $0xFFFFFC00  }
0x29: {  	[tilespmem:s14], [sflag:$0x3] =	stream.linear.gather [hbm4b:s11+s4], $0x400, $0x38;
	[tilespmem:$0x1C800] =	vst v63  }
0x2a: {  	_ =	swait.ge [sflag:s13], $0x400  }
0x2b: {  	[sflag:s13] =	ssyncset.done $0x0  }
0x2c: {  	[sflag:s13] =	ssyncadd.s32 $0xFFFFFC00  }
0x2d: {  	[tilespmem:s16], [sflag:$0x1] =	stream.indirect.gather [hbm4b:s1+s15], $0x80, s4, s15, $0xb8;
	[tilespmem:$0x1C800] =	vst v63  }
0x2e: {  	_ =	swait.ge [sflag:s17], $0x4000  }
0x2f: {  	[sflag:s17] =	ssyncset.done $0x0  }
0x30: {  	[sflag:s17] =	ssyncadd.s32 $0xFFFFC000  }
0x31: {  	[tilespmem:s18], [sflag:$0x2] =	stream.indirect.gather [hbm4b:s1+s15], $0x80, s15, s15, $0xb8;
	[tilespmem:$0x1C800] =	vst v63  }
0x32: {  	_ = 	snop  }
0x33: {  	[spmem:s2] =	stream.indirect.scatter.add.f32 [tilespmem:s16], [sflag:$0x3], $0x80, s14, s15, $0xb8;
	[tilespmem:$0x1C800] =	vst v63  }
0x34: {  	_ =	swait.ge [sflag:s13], $0x4000  }
0x35: {  	[sflag:s13] =	ssyncset.done $0x0  }
0x36: {  	[sflag:s13] =	ssyncadd.s32 $0xFFFFC000  }
0x37: {  	_ =	swait.ge [sflag:s19], $0x4000  }
0x38: {  	[sflag:s19] =	ssyncset.done $0x0  }
0x39: {  	[sflag:s19] =	ssyncadd.s32 $0xFFFFC000  }
0x3a: {  	[tilespmem:s16], [sflag:$0x1] =	stream.indirect.gather [hbm4b:s1+s15], $0x80, s20, s15, $0xb8;
	[tilespmem:$0x1C800] =	vst v63  }
0x3b: {  	_ = 	snop  }
0x3c: {  	[spmem:s2] =	stream.indirect.scatter.add.f32 [tilespmem:s18], [sflag:$0x3], $0x80, s21, s15, $0xb8;
	[tilespmem:$0x1C800] =	vst v63  }
0x3d: {  	_ =	swait.ge [sflag:s13], $0x4000  }
0x3e: {  	[sflag:s13] =	ssyncset.done $0x0  }
0x3f: {  	[sflag:s13] =	ssyncadd.s32 $0xFFFFC000  }
0x40: {  	_ =	swait.ge [sflag:s17], $0x4000  }
0x41: {  	[sflag:s17] =	ssyncset.done $0x0  }
0x42: {  	[sflag:s17] =	ssyncadd.s32 $0xFFFFC000  }
0x43: {  	[tilespmem:s18], [sflag:$0x2] =	stream.indirect.gather [hbm4b:s1+s15], $0x80, s22, s15, $0xb8;
	[tilespmem:$0x1C800] =	vst v63  }
0x44: {  	_ = 	snop  }
0x45: {  	[spmem:s2] =	stream.indirect.scatter.add.f32 [tilespmem:s16], [sflag:$0x3], $0x80, s23, s15, $0xb8;
	[tilespmem:$0x1C800] =	vst v63  }
0x46: {  	_ =	swait.ge [sflag:s13], $0x4000  }
0x47: {  	[sflag:s13] =	ssyncset.done $0x0  }
0x48: {  	[sflag:s13] =	ssyncadd.s32 $0xFFFFC000  }
0x49: {  	_ =	swait.ge [sflag:s19], $0x4000  }
0x4a: {  	[sflag:s19] =	ssyncset.done $0x0  }
0x4b: {  	[sflag:s19] =	ssyncadd.s32 $0xFFFFC000  }
0x4c: {  	[tilespmem:s16], [sflag:$0x1] =	stream.indirect.gather [hbm4b:s1+s15], $0x80, s24, s15, $0xb8;
	[tilespmem:$0x1C800] =	vst v63  }
0x4d: {  	_ = 	snop  }
0x4e: {  	[spmem:s2] =	stream.indirect.scatter.add.f32 [tilespmem:s18], [sflag:$0x3], $0x80, s25, s15, $0xb8;
	[tilespmem:$0x1C800] =	vst v63  }
0x4f: {  	_ =	swait.ge [sflag:s13], $0x4000  }
0x50: {  	[sflag:s13] =	ssyncset.done $0x0  }
0x51: {  	[sflag:s13] =	ssyncadd.s32 $0xFFFFC000  }
0x52: {  	_ =	swait.ge [sflag:s17], $0x4000  }
0x53: {  	[sflag:s17] =	ssyncset.done $0x0  }
0x54: {  	[sflag:s17] =	ssyncadd.s32 $0xFFFFC000  }
0x55: {  	[tilespmem:s18], [sflag:$0x2] =	stream.indirect.gather [hbm4b:s1+s15], $0x80, s26, s15, $0xb8;
	[tilespmem:$0x1C800] =	vst v63  }
0x56: {  	_ = 	snop  }
0x57: {  	[spmem:s2] =	stream.indirect.scatter.add.f32 [tilespmem:s16], [sflag:$0x3], $0x80, s28, s15, $0xb8;
	[tilespmem:$0x1C800] =	vst v63  }
0x58: {  	_ =	swait.ge [sflag:s13], $0x4000  }
0x59: {  	[sflag:s13] =	ssyncset.done $0x0  }
0x5a: {  	[sflag:s13] =	ssyncadd.s32 $0xFFFFC000  }
0x5b: {  	_ =	swait.ge [sflag:s19], $0x4000  }
0x5c: {  	[sflag:s19] =	ssyncset.done $0x0  }
0x5d: {  	[sflag:s19] =	ssyncadd.s32 $0xFFFFC000  }
0x5e: {  	[tilespmem:s16], [sflag:$0x1] =	stream.indirect.gather [hbm4b:s1+s15], $0x80, s29, s15, $0xb8;
	[tilespmem:$0x1C800] =	vst v63  }
0x5f: {  	_ = 	snop  }
0x60: {  	[spmem:s2] =	stream.indirect.scatter.add.f32 [tilespmem:s18], [sflag:$0x3], $0x80, s30, s15, $0xb8;
	[tilespmem:$0x1C800] =	vst v63  }
0x61: {  	_ =	swait.ge [sflag:s13], $0x4000  }
0x62: {  	[sflag:s13] =	ssyncset.done $0x0  }
0x63: {  	[sflag:s13] =	ssyncadd.s32 $0xFFFFC000  }
0x64: {  	_ =	swait.ge [sflag:s17], $0x4000  }
0x65: {  	[sflag:s17] =	ssyncset.done $0x0  }
0x66: {  	[sflag:s17] =	ssyncadd.s32 $0xFFFFC000  }
0x67: {  	[tilespmem:s18], [sflag:$0x2] =	stream.indirect.gather [hbm4b:s1+s15], $0x80, s31, s15, $0xb8;
	[tilespmem:$0x1C800] =	vst v63  }
0x68: {  	_ = 	snop  }
0x69: {  	[spmem:s2] =	stream.indirect.scatter.add.f32 [tilespmem:s16], [sflag:$0x3], $0x80, s0, s15, $0xb8;
	[tilespmem:$0x1C800] =	vst v63  }
0x6a: {  	_ =	swait.ge [sflag:s13], $0x4000  }
0x6b: {  	[sflag:s13] =	ssyncset.done $0x0  }
0x6c: {  	[sflag:s13] =	ssyncadd.s32 $0xFFFFC000  }
0x6d: {  	_ =	swait.ge [sflag:s19], $0x4000  }
0x6e: {  	[sflag:s19] =	ssyncset.done $0x0  }
0x6f: {  	[sflag:s19] =	ssyncadd.s32 $0xFFFFC000  }
0x70: {  	[tilespmem:s16], [sflag:$0x1] =	stream.indirect.gather [hbm4b:s1+s15], $0x80, s31, s15, $0xb8;
	[tilespmem:$0x1C800] =	vst v63  }
0x71: {  	p1 =	sne.s32 s10, $0x1  }
0x72: {  	[spmem:s2] =	stream.indirect.scatter.add.f32 [tilespmem:s18], [sflag:$0x3], $0x80, s3, s15, $0xb8;
	[tilespmem:$0x1C800] =	vst v63  }
.Ltmp1:
0x73: {  	_ =	swait.ge [sflag:s13], $0x4000;
	(pc) =	sbr.rel @!p1 .LBB2_4-.Ltmp1, $4  }
0x74: {  	[sflag:s13] =	ssyncset.done $0x0  }
0x75: {  	[sflag:s13] =	ssyncadd.s32 $0xFFFFC000  }
0x76: {  	s10 =	sadd.s32 $0xFFFFFFFF, s10;
	p0 =	por $0x1, $0x1;
	_ =	swait.ge [sflag:s17], $0x4000  }
0x77: {  	s11 =	smov.u32 s9;
	s7 =	rddreg [dreg:$0x4];
	[sflag:s17] =	ssyncset.done $0x0  }
.LBB2_5:
0x78: {  	s11 =	sadd.s32 $0x80, s11  }
0x79: {  	s8 =	sand.u32 $0x1FFFFF80, s11  }
0x7a: {  	[sflag:s17] =	ssyncadd.s32 $0xFFFFC000;
	s7 =	sadd.s32 s7, s8  }
0x7b: {  	[tilespmem:s4], [sflag:$0x3] =	stream.linear.gather [hbm4b:s7+s4], $0x400, $0x38;
	[tilespmem:$0x1C800] =	vst v63  }
0x7c: {  	_ =	swait.ge [sflag:s13], $0x400  }
0x7d: {  	[sflag:s13] =	ssyncset.done $0x0  }
0x7e: {  	s8 =	sadd.s32 s5, s8;
	[sflag:s13] =	ssyncadd.s32 $0xFFFFFC00  }
0x7f: {  	[tilespmem:s14], [sflag:$0x3] =	stream.linear.gather [hbm4b:s8+s4], $0x400, $0x38;
	[tilespmem:$0x1C800] =	vst v63  }
0x80: {  	_ =	swait.ge [sflag:s13], $0x400  }
0x81: {  	[sflag:s13] =	ssyncset.done $0x0  }
0x82: {  	[sflag:s13] =	ssyncadd.s32 $0xFFFFFC00  }
0x83: {  	[tilespmem:s16], [sflag:$0x1] =	stream.indirect.gather [hbm4b:s1+s15], $0x80, s4, s15, $0xb8;
	[tilespmem:$0x1C800] =	vst v63  }
0x84: {  	_ =	swait.ge [sflag:s17], $0x4000  }
0x85: {  	[sflag:s17] =	ssyncset.done $0x0  }
0x86: {  	[sflag:s17] =	ssyncadd.s32 $0xFFFFC000  }
0x87: {  	[tilespmem:s18], [sflag:$0x2] =	stream.indirect.gather [hbm4b:s1+s15], $0x80, s15, s15, $0xb8;
	[tilespmem:$0x1C800] =	vst v63  }
0x88: {  	_ = 	snop  }
0x89: {  	[spmem:s2] =	stream.indirect.scatter.add.f32 [tilespmem:s16], [sflag:$0x3], $0x80, s14, s15, $0xb8;
	[tilespmem:$0x1C800] =	vst v63  }
0x8a: {  	_ =	swait.ge [sflag:s13], $0x4000  }
0x8b: {  	[sflag:s13] =	ssyncset.done $0x0  }
0x8c: {  	[sflag:s13] =	ssyncadd.s32 $0xFFFFC000  }
0x8d: {  	_ =	swait.ge [sflag:s19], $0x4000  }
0x8e: {  	[sflag:s19] =	ssyncset.done $0x0  }
0x8f: {  	[sflag:s19] =	ssyncadd.s32 $0xFFFFC000  }
0x90: {  	[tilespmem:s16], [sflag:$0x1] =	stream.indirect.gather [hbm4b:s1+s15], $0x80, s20, s15, $0xb8;
	[tilespmem:$0x1C800] =	vst v63  }
0x91: {  	_ = 	snop  }
0x92: {  	[spmem:s2] =	stream.indirect.scatter.add.f32 [tilespmem:s18], [sflag:$0x3], $0x80, s21, s15, $0xb8;
	[tilespmem:$0x1C800] =	vst v63  }
0x93: {  	_ =	swait.ge [sflag:s13], $0x4000  }
0x94: {  	[sflag:s13] =	ssyncset.done $0x0  }
0x95: {  	[sflag:s13] =	ssyncadd.s32 $0xFFFFC000  }
0x96: {  	_ =	swait.ge [sflag:s17], $0x4000  }
0x97: {  	[sflag:s17] =	ssyncset.done $0x0  }
0x98: {  	[sflag:s17] =	ssyncadd.s32 $0xFFFFC000  }
0x99: {  	[tilespmem:s18], [sflag:$0x2] =	stream.indirect.gather [hbm4b:s1+s15], $0x80, s22, s15, $0xb8;
	[tilespmem:$0x1C800] =	vst v63  }
0x9a: {  	_ = 	snop  }
0x9b: {  	[spmem:s2] =	stream.indirect.scatter.add.f32 [tilespmem:s16], [sflag:$0x3], $0x80, s23, s15, $0xb8;
	[tilespmem:$0x1C800] =	vst v63  }
0x9c: {  	_ =	swait.ge [sflag:s13], $0x4000  }
0x9d: {  	[sflag:s13] =	ssyncset.done $0x0  }
0x9e: {  	[sflag:s13] =	ssyncadd.s32 $0xFFFFC000  }
0x9f: {  	_ =	swait.ge [sflag:s19], $0x4000  }
0xa0: {  	[sflag:s19] =	ssyncset.done $0x0  }
0xa1: {  	[sflag:s19] =	ssyncadd.s32 $0xFFFFC000  }
0xa2: {  	[tilespmem:s16], [sflag:$0x1] =	stream.indirect.gather [hbm4b:s1+s15], $0x80, s24, s15, $0xb8;
	[tilespmem:$0x1C800] =	vst v63  }
0xa3: {  	_ = 	snop  }
0xa4: {  	[spmem:s2] =	stream.indirect.scatter.add.f32 [tilespmem:s18], [sflag:$0x3], $0x80, s25, s15, $0xb8;
	[tilespmem:$0x1C800] =	vst v63  }
0xa5: {  	_ =	swait.ge [sflag:s13], $0x4000  }
0xa6: {  	[sflag:s13] =	ssyncset.done $0x0  }
0xa7: {  	[sflag:s13] =	ssyncadd.s32 $0xFFFFC000  }
0xa8: {  	_ =	swait.ge [sflag:s17], $0x4000  }
0xa9: {  	[sflag:s17] =	ssyncset.done $0x0  }
0xaa: {  	[sflag:s17] =	ssyncadd.s32 $0xFFFFC000  }
0xab: {  	[tilespmem:s18], [sflag:$0x2] =	stream.indirect.gather [hbm4b:s1+s15], $0x80, s26, s15, $0xb8;
	[tilespmem:$0x1C800] =	vst v63  }
0xac: {  	_ = 	snop  }
0xad: {  	[spmem:s2] =	stream.indirect.scatter.add.f32 [tilespmem:s16], [sflag:$0x3], $0x80, s28, s15, $0xb8;
	[tilespmem:$0x1C800] =	vst v63  }
0xae: {  	_ =	swait.ge [sflag:s13], $0x4000  }
0xaf: {  	[sflag:s13] =	ssyncset.done $0x0  }
0xb0: {  	[sflag:s13] =	ssyncadd.s32 $0xFFFFC000  }
0xb1: {  	_ =	swait.ge [sflag:s19], $0x4000  }
0xb2: {  	[sflag:s19] =	ssyncset.done $0x0  }
0xb3: {  	[sflag:s19] =	ssyncadd.s32 $0xFFFFC000  }
0xb4: {  	[tilespmem:s16], [sflag:$0x1] =	stream.indirect.gather [hbm4b:s1+s15], $0x80, s29, s15, $0xb8;
	[tilespmem:$0x1C800] =	vst v63  }
0xb5: {  	_ = 	snop  }
0xb6: {  	[spmem:s2] =	stream.indirect.scatter.add.f32 [tilespmem:s18], [sflag:$0x3], $0x80, s30, s15, $0xb8;
	[tilespmem:$0x1C800] =	vst v63  }
0xb7: {  	_ =	swait.ge [sflag:s13], $0x4000  }
0xb8: {  	[sflag:s13] =	ssyncset.done $0x0  }
0xb9: {  	[sflag:s13] =	ssyncadd.s32 $0xFFFFC000  }
0xba: {  	_ =	swait.ge [sflag:s17], $0x4000  }
0xbb: {  	[sflag:s17] =	ssyncset.done $0x0  }
0xbc: {  	[sflag:s17] =	ssyncadd.s32 $0xFFFFC000  }
0xbd: {  	[tilespmem:s18], [sflag:$0x2] =	stream.indirect.gather [hbm4b:s1+s15], $0x80, s31, s15, $0xb8;
	[tilespmem:$0x1C800] =	vst v63  }
0xbe: {  	_ = 	snop  }
0xbf: {  	[spmem:s2] =	stream.indirect.scatter.add.f32 [tilespmem:s16], [sflag:$0x3], $0x80, s0, s15, $0xb8;
	[tilespmem:$0x1C800] =	vst v63  }
0xc0: {  	_ =	swait.ge [sflag:s13], $0x4000  }
0xc1: {  	[sflag:s13] =	ssyncset.done $0x0  }
0xc2: {  	[sflag:s13] =	ssyncadd.s32 $0xFFFFC000  }
0xc3: {  	_ =	swait.ge [sflag:s19], $0x4000  }
0xc4: {  	[sflag:s19] =	ssyncset.done $0x0  }
0xc5: {  	[sflag:s19] =	ssyncadd.s32 $0xFFFFC000  }
0xc6: {  	[tilespmem:s16], [sflag:$0x1] =	stream.indirect.gather [hbm4b:s1+s15], $0x80, s31, s15, $0xb8;
	[tilespmem:$0x1C800] =	vst v63  }
0xc7: {  	p1 =	sne.s32 s10, $0x1  }
0xc8: {  	[spmem:s2] =	stream.indirect.scatter.add.f32 [tilespmem:s18], [sflag:$0x3], $0x80, s3, s15, $0xb8;
	[tilespmem:$0x1C800] =	vst v63  }
.Ltmp2:
0xc9: {  	_ =	swait.ge [sflag:s13], $0x4000;
	(pc) =	sbr.rel @p1 .LBB2_5-.Ltmp2, $4  }
0xca: {  	[sflag:s13] =	ssyncset.done $0x0  }
0xcb: {  	[sflag:s13] =	ssyncadd.s32 $0xFFFFC000  }
0xcc: {  	_ =	swait.ge [sflag:s17], $0x4000  }
0xcd: {  	s10 =	sadd.s32 $0xFFFFFFFF, s10;
	s7 =	rddreg [dreg:$0x4];
	[sflag:s17] =	ssyncset.done $0x0  }
.LBB2_6:
0xce: {  	s8 =	sadd.s32 @p0 $0x80, s11;
	s10 =	smov.u32 s9  }
0xcf: {  	s10 =	smov.u32 @p0 s8  }
0xd0: {  	s8 =	sand.u32 $0x1FFFFF80, s10  }
0xd1: {  	[sflag:s17] =	ssyncadd.s32 @p0 $0xFFFFC000;
	s7 =	sadd.s32 s7, s8  }
0xd2: {  	[tilespmem:s4], [sflag:$0x3] =	stream.linear.gather [hbm4b:s7+s4], $0x400, $0x38;
	[tilespmem:$0x1C800] =	vst v63  }
0xd3: {  	_ =	swait.ge [sflag:s13], $0x400  }
0xd4: {  	[sflag:s13] =	ssyncset.done $0x0  }
0xd5: {  	s10 =	sadd.s32 s5, s8;
	[sflag:s13] =	ssyncadd.s32 $0xFFFFFC00  }
0xd6: {  	[tilespmem:s14], [sflag:$0x3] =	stream.linear.gather [hbm4b:s10+s4], $0x400, $0x38;
	[tilespmem:$0x1C800] =	vst v63  }
0xd7: {  	_ =	swait.ge [sflag:s13], $0x400  }
0xd8: {  	[sflag:s13] =	ssyncset.done $0x0  }
0xd9: {  	[sflag:s13] =	ssyncadd.s32 $0xFFFFFC00  }
0xda: {  	[tilespmem:s16], [sflag:$0x1] =	stream.indirect.gather [hbm4b:s1+s15], $0x80, s4, s15, $0xb8;
	[tilespmem:$0x1C800] =	vst v63  }
0xdb: {  	_ =	swait.ge [sflag:s17], $0x4000  }
0xdc: {  	[sflag:s17] =	ssyncset.done $0x0  }
0xdd: {  	[sflag:s17] =	ssyncadd.s32 $0xFFFFC000  }
0xde: {  	[tilespmem:s18], [sflag:$0x2] =	stream.indirect.gather [hbm4b:s1+s15], $0x80, s15, s15, $0xb8;
	[tilespmem:$0x1C800] =	vst v63  }
0xdf: {  	_ = 	snop  }
0xe0: {  	[spmem:s2] =	stream.indirect.scatter.add.f32 [tilespmem:s16], [sflag:$0x3], $0x80, s14, s15, $0xb8;
	[tilespmem:$0x1C800] =	vst v63  }
0xe1: {  	_ =	swait.ge [sflag:s13], $0x4000  }
0xe2: {  	[sflag:s13] =	ssyncset.done $0x0  }
0xe3: {  	[sflag:s13] =	ssyncadd.s32 $0xFFFFC000  }
0xe4: {  	_ =	swait.ge [sflag:s19], $0x4000  }
0xe5: {  	[sflag:s19] =	ssyncset.done $0x0  }
0xe6: {  	[sflag:s19] =	ssyncadd.s32 $0xFFFFC000  }
0xe7: {  	[tilespmem:s16], [sflag:$0x1] =	stream.indirect.gather [hbm4b:s1+s15], $0x80, s20, s15, $0xb8;
	[tilespmem:$0x1C800] =	vst v63  }
0xe8: {  	_ = 	snop  }
0xe9: {  	[spmem:s2] =	stream.indirect.scatter.add.f32 [tilespmem:s18], [sflag:$0x3], $0x80, s21, s15, $0xb8;
	[tilespmem:$0x1C800] =	vst v63  }
0xea: {  	_ =	swait.ge [sflag:s13], $0x4000  }
0xeb: {  	[sflag:s13] =	ssyncset.done $0x0  }
0xec: {  	[sflag:s13] =	ssyncadd.s32 $0xFFFFC000  }
0xed: {  	_ =	swait.ge [sflag:s17], $0x4000  }
0xee: {  	[sflag:s17] =	ssyncset.done $0x0  }
0xef: {  	[sflag:s17] =	ssyncadd.s32 $0xFFFFC000  }
0xf0: {  	[tilespmem:s18], [sflag:$0x2] =	stream.indirect.gather [hbm4b:s1+s15], $0x80, s22, s15, $0xb8;
	[tilespmem:$0x1C800] =	vst v63  }
0xf1: {  	_ = 	snop  }
0xf2: {  	[spmem:s2] =	stream.indirect.scatter.add.f32 [tilespmem:s16], [sflag:$0x3], $0x80, s23, s15, $0xb8;
	[tilespmem:$0x1C800] =	vst v63  }
0xf3: {  	_ =	swait.ge [sflag:s13], $0x4000  }
0xf4: {  	[sflag:s13] =	ssyncset.done $0x0  }
0xf5: {  	[sflag:s13] =	ssyncadd.s32 $0xFFFFC000  }
0xf6: {  	_ =	swait.ge [sflag:s19], $0x4000  }
0xf7: {  	[sflag:s19] =	ssyncset.done $0x0  }
0xf8: {  	[sflag:s19] =	ssyncadd.s32 $0xFFFFC000  }
0xf9: {  	[tilespmem:s16], [sflag:$0x1] =	stream.indirect.gather [hbm4b:s1+s15], $0x80, s24, s15, $0xb8;
	[tilespmem:$0x1C800] =	vst v63  }
0xfa: {  	_ = 	snop  }
0xfb: {  	[spmem:s2] =	stream.indirect.scatter.add.f32 [tilespmem:s18], [sflag:$0x3], $0x80, s25, s15, $0xb8;
	[tilespmem:$0x1C800] =	vst v63  }
0xfc: {  	_ =	swait.ge [sflag:s13], $0x4000  }
0xfd: {  	[sflag:s13] =	ssyncset.done $0x0  }
0xfe: {  	[sflag:s13] =	ssyncadd.s32 $0xFFFFC000  }
0xff: {  	_ =	swait.ge [sflag:s17], $0x4000  }
0x100: {  	[sflag:s17] =	ssyncset.done $0x0  }
0x101: {  	[sflag:s17] =	ssyncadd.s32 $0xFFFFC000  }
0x102: {  	[tilespmem:s18], [sflag:$0x2] =	stream.indirect.gather [hbm4b:s1+s15], $0x80, s26, s15, $0xb8;
	[tilespmem:$0x1C800] =	vst v63  }
0x103: {  	_ = 	snop  }
0x104: {  	[spmem:s2] =	stream.indirect.scatter.add.f32 [tilespmem:s16], [sflag:$0x3], $0x80, s28, s15, $0xb8;
	[tilespmem:$0x1C800] =	vst v63  }
0x105: {  	_ =	swait.ge [sflag:s13], $0x4000  }
0x106: {  	[sflag:s13] =	ssyncset.done $0x0  }
0x107: {  	[sflag:s13] =	ssyncadd.s32 $0xFFFFC000  }
0x108: {  	_ =	swait.ge [sflag:s19], $0x4000  }
0x109: {  	[sflag:s19] =	ssyncset.done $0x0  }
0x10a: {  	[sflag:s19] =	ssyncadd.s32 $0xFFFFC000  }
0x10b: {  	[tilespmem:s16], [sflag:$0x1] =	stream.indirect.gather [hbm4b:s1+s15], $0x80, s29, s15, $0xb8;
	[tilespmem:$0x1C800] =	vst v63  }
0x10c: {  	_ = 	snop  }
0x10d: {  	[spmem:s2] =	stream.indirect.scatter.add.f32 [tilespmem:s18], [sflag:$0x3], $0x80, s30, s15, $0xb8;
	[tilespmem:$0x1C800] =	vst v63  }
0x10e: {  	_ =	swait.ge [sflag:s13], $0x4000  }
0x10f: {  	[sflag:s13] =	ssyncset.done $0x0  }
0x110: {  	[sflag:s13] =	ssyncadd.s32 $0xFFFFC000  }
0x111: {  	_ =	swait.ge [sflag:s17], $0x4000  }
0x112: {  	[sflag:s17] =	ssyncset.done $0x0  }
0x113: {  	[sflag:s17] =	ssyncadd.s32 $0xFFFFC000  }
0x114: {  	[tilespmem:s18], [sflag:$0x2] =	stream.indirect.gather [hbm4b:s1+s15], $0x80, s31, s15, $0xb8;
	[tilespmem:$0x1C800] =	vst v63  }
0x115: {  	_ = 	snop  }
0x116: {  	[spmem:s2] =	stream.indirect.scatter.add.f32 [tilespmem:s16], [sflag:$0x3], $0x80, s0, s15, $0xb8;
	[tilespmem:$0x1C800] =	vst v63  }
0x117: {  	_ =	swait.ge [sflag:s13], $0x4000  }
0x118: {  	[sflag:s13] =	ssyncset.done $0x0  }
0x119: {  	[sflag:s13] =	ssyncadd.s32 $0xFFFFC000  }
0x11a: {  	_ =	swait.ge [sflag:s19], $0x4000  }
0x11b: {  	[sflag:s19] =	ssyncset.done $0x0  }
0x11c: {  	[sflag:s19] =	ssyncadd.s32 $0xFFFFC000  }
0x11d: {  	[tilespmem:s16], [sflag:$0x1] =	stream.indirect.gather [hbm4b:s1+s15], $0x80, s31, s15, $0xb8;
	[tilespmem:$0x1C800] =	vst v63  }
0x11e: {  	_ = 	snop  }
0x11f: {  	[spmem:s2] =	stream.indirect.scatter.add.f32 [tilespmem:s18], [sflag:$0x3], $0x80, s3, s15, $0xb8;
	[tilespmem:$0x1C800] =	vst v63  }
0x120: {  	_ =	swait.ge [sflag:s13], $0x4000  }
0x121: {  	[sflag:s13] =	ssyncset.done $0x0  }
0x122: {  	[sflag:s13] =	ssyncadd.s32 $0xFFFFC000  }
0x123: {  	_ =	swait.ge [sflag:s17], $0x4000  }
0x124: {  	[sflag:s17] =	ssyncset.done $0x0  }
0x125: {  	[sflag:s17] =	ssyncadd.s32 $0xFFFFC000  }
0x126: {  	[bflag:$0x0] =	sbarrier.arrive $0xFFFF  }
0x127: {  	s11 =	rddreg [dreg:$0x7]  }
0x128: {  	s10 =	rddreg [dreg:$0x9]  }
0x129: {  	[hbm:s11], [sflag:s12] =	dma.local [spmem:s10], $0x2800  }
0x12a: {  	_ =	swait.ge [sflag:s13], $0x2800  }
0x12b: {  	s6 =	sadd.s32 $0x1, s6;
	s8 =	smov.u32 s12;
	s12 =	rddreg [dreg:$0x8]  }
0x12c: {  	p0 =	sne.s32 s6, s12  }
.Ltmp3:
0x12d: {  	_ = 	snop;
	(pc) =	sbr.rel @p0 .LBB2_1-.Ltmp3, $4  }
.Ltmp4:
0x12e: {  	_ = 	snop;
	(pc) =	sbr.rel @!p0 .LBB2_7-.Ltmp4, $4  }
0x12f: {  	_ = 	snop  }
0x130: {  	[sflag:s13] =	ssyncset.done $0x0  }
0x131: {  	[sflag:s13] =	ssyncadd.s32 $0xFFFFD800  }
0x132: {  	_ = 	snop  }
.LBB2_2:
.Ltmp5:
0x133: {  	(pc) =	sbr.rel .LBB2_6-.Ltmp5, $2  }
0x134: {  	_ =	sdelay $0x2  }
0x135: {  	s11 =	smov.u32 s9  }
.LBB2_4:
.Ltmp6:
0x136: {  	(pc) =	sbr.rel .LBB2_6-.Ltmp6, $2  }
0x137: {  	_ =	sdelay $0x2  }
0x138: {  	s11 =	smov.u32 s9  }
.LBB2_7:
0x139: {  	_ =	sfence.sel $0x180000  }
0x13a: {  	[bflag:$0x0] =	sbarrier.arrive $0xFFFF  }
0x13b: {  	_ =	strace $0x9000004A  }
0x13c: {  	s0 =	stileid.u32;
	[bflag:$0x2] =	sbarrier.arrive $0xFFFF  }
0x13d: {  	p0 =	sne.s32 s0, $0x0;
	s0 =	rddreg [dreg:$0x3]  }
0x13e: {  	s0 =	sadd.s32 @!p0 $0x100000, s0  }
0x13f: {  	[sflag:s0] =	ssyncadd.tile.s32 @!p0 $0x1;
	_ =	shalt  }
.Lfunc_end2:
_tile_overlayer_lowered:
.L_overlay_start_2:
0x140: {  	(tag) =	ssettag $0x2  }
0x141: {  	s0 =	rddreg [dreg:$0x0];
	s2 =	stileid.u32  }
0x142: {  	s1 =	rddreg [dreg:$0x1];
	p0 =	sne.s32 s2, $0x0  }
0x143: {  	s3 =	rddreg [dreg:$0x2];
	[bflag:$0x3] =	sbarrier.arrive $0xFFFF;
	s2 =	simm.s32 @!p0 $0x1C03  }
0x144: {  	[timem:s3], [sflag:s2] =	dma.local @!p0 [hbm:s0], s1  }
0x145: {  	s0 =	simm.s32 @!p0 $0x3  }
0x146: {  	_ =	swait.ge @!p0 [sflag:s0], s1  }
0x147: {  	s1 =	ssub.s32 @!p0 $0x0, s1;
	[sflag:s0] =	ssyncset.done @!p0 $0x0  }
0x148: {  	[sflag:s0] =	ssyncadd.s32 @!p0 s1  }
0x149: {  	[bflag:$0x3] =	sbarrier.arrive $0xFFFF  }
0x14a: {  	_ =	shalt  }

// kernel: kernel.15.cloned.1.call-start
scs
__scs_entry_jumppad:
0x0: {  	(pc) =	sbr.rel $0x88, $3  }
0x1: {  	(tag) =	ssettag $0x0;
	lr =	simm.s32 $0x1  }
0x2: {  	[smem:$0x3F90] =	sst lr;
	_ =	strace $0xD0000000  }
0x3: {  	_ = 	snop  }
0x4: {  	_ = 	snop  }
0x5: {  	_ = 	snop  }
0x6: {  	_ = 	snop  }
0x7: {  	_ = 	snop  }
__scs_overlays_trampoline_lowered:
0x8: {  	[smem:$0x3F9F] =	sst s0  }
0x9: {  	[smem:$0x3FA0] =	sst s1  }
0xa: {  	[smem:$0x3FA1] =	sst s2  }
0xb: {  	[smem:$0x3FA2] =	sst s3  }
0xc: {  	[smem:$0x3FA3] =	sst s4  }
0xd: {  	[smem:$0x3FA4] =	sst s5  }
0xe: {  	[smem:$0x3FA5] =	sst s6  }
0xf: {  	[smem:$0x3FA6] =	sst s7  }
0x10: {  	[smem:$0x3FA7] =	sst s8  }
0x11: {  	[smem:$0x3FA8] =	sst s9;
	s0 =	simm.s32 @!p0 $0x0  }
0x12: {  	s1 =	sld [smem:$0x3F8E];
	s0 =	simm.s32 @p0 $0x1  }
0x13: {  	[smem:$0x3FA9] =	sst s0;
	s0 =	simm.s32 @!p1 $0x0  }
0x14: {  	s2 =	sld [smem:$0x3F8D];
	s0 =	simm.s32 @p1 $0x1  }
0x15: {  	[smem:$0x3FAA] =	sst s0;
	s0 =	simm.s32 @!p2 $0x0  }
0x16: {  	s3 =	sld [smem:$0x3FDB];
	s0 =	simm.s32 @p2 $0x1  }
0x17: {  	s4 =	simm.s32 $0x1BF5;
	[smem:$0x3FAC] =	sst s0  }
0x18: {  	s0 =	sld [smem:$0x3F8F];
	_ =	swait.ge [sflag:s4], $0x0  }
0x19: {  	s7 =	sld [smem:$0x3F90]  }
0x1a: {  	s8 =	sadd.s32 $0xFFFFE003, lr  }
0x1b: {  	s9 =	sadd.s32 $0xFFFFFEF7, lr;
	s5 =	simm.s32 $0xFFFFFFFF;
	p2 =	slt.u32 s8, $0xFFFFF086  }
0x1c: {  	p1 =	slt.u32 s9, $0xF7A;
	s5 =	simm.s32 @!p2 $0x0  }
0x1d: {  	s5 =	simm.s32 @p1 $0x1;
	p0 =	seq.s32 s7, s2  }
0x1e: {  	s7 =	smul.u32 @!p0 $0xF7A, s2;
	p2 =	seq.s32 @!p0 s5, $0x0  }
0x1f: {  	s9 =	smul.u32 $0xF7A, s1;
	s8 =	simm.s32 @!p0 $0x1BF5;
	p2 =	por !p2, p0  }
0x20: {  	[sflag:s8] =	ssyncset.s32 @!p0 $0xFFFFF086;
	s6 =	sadd.s32 @!p0 s3, s7;
	s7 =	simm.s32 @!p0 $0x108  }
0x21: {  	s3 =	sadd.s32 s3, s9;
	s6 =	sadd.s32 @!p0 $0x88, s6;
	s7 =	simm.s32 @p2 $0x1082  }
0x22: {  	[simem:s7], [sflag:s8] =	dma.local @!p0 [hbm:s6], $0xF7A  }
0x23: {  	s9 =	sor.u32 $0xD0000000, s2;
	s6 =	simm.s32 $0x108;
	_ =	swait.ge @!p0 [sflag:s8], $0x0  }
0x24: {  	s3 =	sadd.s32 $0x88, s3;
	s6 =	simm.s32 @!p1 $0x1082;
	[sflag:s4] =	ssyncset.s32 $0xFFFFF086  }
0x25: {  	[simem:s6], [sflag:s4] =	dma.local [hbm:s3], $0xF7A  }
0x26: {  	[smem:$0x3F90] =	sst s1;
	(tag) =	ssettag s2;
	_ =	strace s9  }
0x27: {  	s1 =	sld [smem:$0x3FA0]  }
0x28: {  	s2 =	sld [smem:$0x3FA1]  }
0x29: {  	s4 =	sld [smem:$0x3FA3]  }
0x2a: {  	p0 =	seq.s32 s5, $0x0;
	s5 =	sld [smem:$0x3FA4]  }
0x2b: {  	s6 =	sld [smem:$0x3FA5]  }
0x2c: {  	s7 =	sld [smem:$0x3FA6]  }
0x2d: {  	s3 =	simm.s32 $0x108;
	s8 =	sld [smem:$0x3FA7]  }
0x2e: {  	s3 =	simm.s32 @!p0 $0x1082;
	s9 =	sld [smem:$0x3FA8]  }
0x2f: {  	lr =	sadd.s32 s0, s3;
	s0 =	sld [smem:$0x3F9F]  }
0x30: {  	s3 =	sld [smem:$0x3FA2]  }
0x31: {  	[smem:$0x3FAB] =	sst s10  }
0x32: {  	s10 =	sld [smem:$0x3FA9];
	_ =	sdelay $0x3  }
0x33: {  	p0 =	seq.s32 s10, $0x1;
	s10 =	sld [smem:$0x3FAB];
	_ =	sdelay $0x3  }
0x34: {  	[smem:$0x3FAB] =	sst s10  }
0x35: {  	s10 =	sld [smem:$0x3FAA];
	_ =	sdelay $0x3  }
0x36: {  	p1 =	seq.s32 s10, $0x1;
	s10 =	sld [smem:$0x3FAB];
	_ =	sdelay $0x3  }
0x37: {  	[smem:$0x3FAB] =	sst s10  }
0x38: {  	s10 =	sld [smem:$0x3FAC]  }
0x39: {  	_ = 	snop;
	(pc) =	sbr.ind lr, $3  }
0x3a: {  	_ = 	snop  }
0x3b: {  	_ = 	snop  }
0x3c: {  	p2 =	seq.s32 s10, $0x1;
	s10 =	sld [smem:$0x3FAB]  }
0x3d: {  	_ =	shalt  }
0x3e: {  	_ =	shalt  }
0x3f: {  	_ =	shalt  }
0x40: {  	_ =	shalt  }
0x41: {  	_ =	shalt  }
0x42: {  	_ =	shalt  }
0x43: {  	_ =	shalt  }
0x44: {  	_ =	shalt  }
0x45: {  	_ =	shalt  }
0x46: {  	_ =	shalt  }
0x47: {  	_ =	shalt  }
0x48: {  	_ =	shalt  }
0x49: {  	_ =	shalt  }
0x4a: {  	_ =	shalt  }
0x4b: {  	_ =	shalt  }
0x4c: {  	_ =	shalt  }
0x4d: {  	_ =	shalt  }
0x4e: {  	_ =	shalt  }
0x4f: {  	_ =	shalt  }
0x50: {  	_ =	shalt  }
0x51: {  	_ =	shalt  }
0x52: {  	_ =	shalt  }
0x53: {  	_ =	shalt  }
0x54: {  	_ =	shalt  }
0x55: {  	_ =	shalt  }
0x56: {  	_ =	shalt  }
0x57: {  	_ =	shalt  }
0x58: {  	_ =	shalt  }
0x59: {  	_ =	shalt  }
0x5a: {  	_ =	shalt  }
0x5b: {  	_ =	shalt  }
0x5c: {  	_ =	shalt  }
0x5d: {  	_ =	shalt  }
0x5e: {  	_ =	shalt  }
0x5f: {  	_ =	shalt  }
0x60: {  	_ =	shalt  }
0x61: {  	_ =	shalt  }
0x62: {  	_ =	shalt  }
0x63: {  	_ =	shalt  }
0x64: {  	_ =	shalt  }
0x65: {  	_ =	shalt  }
0x66: {  	_ =	shalt  }
0x67: {  	_ =	shalt  }
0x68: {  	_ =	shalt  }
0x69: {  	_ =	shalt  }
0x6a: {  	_ =	shalt  }
0x6b: {  	_ =	shalt  }
0x6c: {  	_ =	shalt  }
0x6d: {  	_ =	shalt  }
0x6e: {  	_ =	shalt  }
0x6f: {  	_ =	shalt  }
0x70: {  	_ =	shalt  }
0x71: {  	_ =	shalt  }
0x72: {  	_ =	shalt  }
0x73: {  	_ =	shalt  }
0x74: {  	_ =	shalt  }
0x75: {  	_ =	shalt  }
0x76: {  	_ =	shalt  }
0x77: {  	_ =	shalt  }
0x78: {  	_ =	shalt  }
0x79: {  	_ =	shalt  }
0x7a: {  	_ =	shalt  }
0x7b: {  	_ =	shalt  }
0x7c: {  	_ =	shalt  }
0x7d: {  	_ =	shalt  }
0x7e: {  	_ =	shalt  }
0x7f: {  	_ =	shalt  }
0x80: {  	_ =	shalt  }
0x81: {  	_ =	shalt  }
0x82: {  	_ =	shalt  }
0x83: {  	_ =	shalt  }
0x84: {  	_ =	shalt  }
0x85: {  	_ =	shalt  }
0x86: {  	_ =	shalt  }
0x87: {  	_ =	shalt  }
.Lfunc_end0:
.L_simem_size_0:
called_computation.2_lowered:
.L_overlay_start_0:
0x88: {  	s2 =	sld [smem:$0x3FD9]  }
0x89: {  	s3 =	sld [smem:$0x3FFE];
	_ =	sdelay $0x1  }
0x8a: {  	s1 =	srdreg.scid  }
0x8b: {  	s0 =	sand.u32 $0x1, s1  }
0x8c: {  	s17 =	sshll.u32 s0, $0xA;
	s2 =	sadd.s32 s3, s2  }
0x8d: {  	s2 =	sadd.s32 s2, s17  }
0x8e: {  	[smem:$0x3FB7] =	sst s2  }
0x8f: {  	_ = 	snop  }
0x90: {  	s2 =	sld [smem:$0x3FD0];
	(tm) =	ssettm $0x1  }
0x91: {  	s18 =	sld [smem:$0x3FFB];
	_ =	sdelay $0x3  }
0x92: {  	_ =	strace s18  }
0x93: {  	s3 =	sld [smem:$0x3FFC];
	_ =	sdelay $0x3  }
0x94: {  	_ =	strace s3  }
0x95: {  	s3 =	sld [smem:$0x3FFD];
	_ =	sdelay $0x3  }
0x96: {  	_ =	strace s3  }
0x97: {  	_ =	strace $0x8FFFFFFF  }
0x98: {  	s19 =	sld [smem:$0x3FDB];
	_ =	sdelay $0x1  }
0x99: {  	s4 =	simm.s32 $_scs_section_size  }
0x9a: {  	s5 =	simm.s32 $_size__tile_overlayer_lowered;
	s6 =	simm.s32 $_tile_overlayer_lowered  }
0x9b: {  	s22 =	simm.s32 $0x1BFF;
	s21 =	sshll.u32 s6, $0x1;
	s3 =	sadd.s32 s4, s19  }
0x9c: {  	s7 =	simm.s32 $0x0;
	s20 =	sshll.u32 s5, $0x1;
	s5 =	sadd.s32 s21, s3  }
0x9d: {  	[timem:s7], [sflag:s22] =	dma.local [hbm:s5], s20  }
0x9e: {  	_ =	swait.ge [sflag:s22], s20  }
0x9f: {  	s4 =	ssub.s32 $0x0, s20;
	[sflag:s22] =	ssyncset.done $0x0  }
0xa0: {  	[sflag:s22] =	ssyncadd.s32 s4;
	_ =	sdelay $0x1  }
0xa1: {  	s23 =	simm.s32 $0x1B8B  }
0xa2: {  	_ =	swait.ge [sflag:s23], $0x1  }
0xa3: {  	[sflag:s23] =	ssyncset.done $0x0  }
0xa4: {  	s25 =	simm.s32 $0x1B8E;
	s24 =	sld [smem:$0x3FFE];
	[sflag:s23] =	ssyncadd.s32 $0xFFFFFFFF  }
0xa5: {  	s26 =	simm.s32 $execute0_lowered;
	[smem:$0x3FD2] =	sst s25  }
0xa6: {  	s5 =	sshll.u32 s26, $0x1;
	_ =	strace $0x8000004C;
	[dreg:$0x1] =	wrdreg $0xFFFFFFFF  }
0xa7: {  	s28 =	simm.s32 $_size_execute0_lowered;
	s3 =	sadd.s32 s3, s5;
	[dreg:$0x0] =	wrdreg $0x0  }
0xa8: {  	s5 =	sshll.u32 s28, $0x1;
	[dreg:$0x2] =	wrdreg s3  }
0xa9: {  	[dreg:$0x3] =	wrdreg s5  }
0xaa: {  	[dreg:$0x4] =	wrdreg $0xC0  }
0xab: {  	_ =	task [dreg:s7], $0x5FFFF  }
0xac: {  	[dreg:$0x1] =	wrdreg $0xFFFFFFFF  }
0xad: {  	[dreg:$0x0] =	wrdreg $0x60  }
0xae: {  	[dreg:$0x2] =	wrdreg s2  }
0xaf: {  	[dreg:$0x3] =	wrdreg s24  }
0xb0: {  	[dreg:$0x4] =	wrdreg $0x88000  }
0xb1: {  	[dreg:$0x5] =	wrdreg $0x9  }
0xb2: {  	_ =	task.clear_ibuf [dreg:s7], $0x6FFFF;
	_ =	strace $0x9000004C  }
0xb3: {  	s29 =	simm.s32 $0x9;
	_ =	strace $0x8000004E  }
0xb4: {  	_ =	swait.ge [sflag:s29], $0x1  }
0xb5: {  	[sflag:s29] =	ssyncadd.s32 $0xFFFFFFFF  }
0xb6: {  	_ =	strace $0x9000004E  }
0xb7: {  	_ =	sfence  }
0xb8: {  	s30 =	sld [smem:$0x0];
	_ =	sdelay $0x2  }
0xb9: {  	s31 =	sshll.u32 s1, $0xD;
	s1 =	sshrl.u32 s1, $0x2  }
0xba: {  	s3 =	sand.u32 $0x4000, s31;
	s1 =	sadd.s32 s1, s30  }
0xbb: {  	s0 =	sor.u32 s3, s0;
	s1 =	sshll.u32 s1, $0x11  }
0xbc: {  	s0 =	sor.u32 s1, s0  }
0xbd: {  	s0 =	sadd.s32 $0x8F2B, s0  }
0xbe: {  	[sflag:s0] =	ssyncadd.remote.s32 $0x1  }
0xbf: {  	_ =	sfence.sel $0xFFFF  }
0xc0: {  	[dreg:$0x0] =	wrdreg $0xFFFFFFFF;
	(pc) =	sbr.abs _section_cstart, $3  }
0xc1: {  	[dreg:$0x1] =	wrdreg $0xFFFFFFFF  }
0xc2: {  	_ =	task.clear_ibuf [dreg:s7], $0x2FFFF;
	_ =	strace $0x9FFFFFFF  }
0xc3: {  	(tm) =	ssettm $0x7FFFFFFF  }
tec
execute0_lowered:
.L_overlay_start_1:
0x0: {  	(tag) =	ssettag $0x1  }
0x1: {  	s1 =	rddreg [dreg:$0x0]  }
0x2: {  	s0 =	rddreg [dreg:$0x1]  }
0x3: {  	s2 =	rddreg [dreg:$0x2];
	s4 =	simm.s32 $0x0;
	s3 =	srdreg.scid  }
0x4: {  	s11 =	stileid.u32;
	s13 =	simm.s32 $0x3;
	s14 =	simm.s32 $0x400  }
0x5: {  	s15 =	simm.s32 $0x80;
	s16 =	simm.s32 $0x800;
	s17 =	simm.s32 $0x1  }
0x6: {  	s18 =	simm.s32 $0x4800;
	s19 =	simm.s32 $0x2;
	s20 =	simm.s32 $0x100  }
0x7: {  	s28 =	simm.s32 $0x600;
	s29 =	simm.s32 $0x300;
	s30 =	simm.s32 $0x680  }
0x8: {  	s31 =	simm.s32 $0x380;
	[smem:$0x7FF] =	sst s4;
	s7 =	smul.u32 $0x14000, s11  }
0x9: {  	s3 =	sand.u32 $0x1, s3;
	s5 =	sadd.s32 $0x60E00, s0;
	s8 =	smul.u32 $0xA0, s11  }
0xa: {  	s9 =	sadd.s32 $0xE600, s0;
	s10 =	smul.u32 $0x50000, s11;
	s25 =	sshll.u32 s11, $0x6  }
0xb: {  	s6 =	smul.u32 $0x140000, s3;
	_ =	strace $0x8000004D;
	[dreg:$0x4] =	wrdreg s5  }
0xc: {  	s5 =	sadd.s32 $0x3E00, s0;
	s21 =	smul.u32 $0x78, s3;
	s22 =	ssub.s32 $0x2, s3  }
0xd: {  	[dreg:$0x5] =	wrdreg s9;
	s3 =	smul.u32 $0xFFFFFFB0, s3;
	s23 =	sshrl.u32 s22, $0x1  }
0xe: {  	s24 =	sshrl.u32 s10, $0x2;
	s6 =	sadd.s32 s7, s6;
	s7 =	sadd.s32 s21, s8  }
0xf: {  	s3 =	sadd.s32 $0x78, s3;
	s8 =	sor.u32 $0x1C03, s25;
	s21 =	simm.s32 $0x480  }
0x10: {  	s25 =	simm.s32 $0x580;
	s6 =	sshrl.u32 s6, $0x3;
	s3 =	sshrl.u32 s3, $0x3  }
0x11: {  	s9 =	sshll.u32 s7, $0x4;
	s0 =	sadd.s32 s6, s0;
	s6 =	ssub.s32 s22, s23  }
0x12: {  	[dreg:$0x6] =	wrdreg s3;
	s3 =	sadd.s32 s24, s2;
	s22 =	simm.s32 $0x180  }
0x13: {  	s23 =	simm.s32 $0x500;
	s24 =	simm.s32 $0x200;
	s0 =	sadd.s32 $0x6AE00, s0  }
0x14: {  	s26 =	smax.u32 s6, $0x1;
	s10 =	sshrl.u32 s3, $0x3;
	[dreg:$0x7] =	wrdreg s0  }
0x15: {  	s3 =	simm.s32 $0x780;
	s6 =	simm.s32 $0x0;
	[dreg:$0x8] =	wrdreg s26  }
0x16: {  	s26 =	simm.s32 $0x280;
	s0 =	simm.s32 $0x700;
	[dreg:$0x9] =	wrdreg s10  }
.LBB2_1:
0x17: {  	s7 =	rddreg [dreg:$0x5]  }
0x18: {  	[spmem:s10], [sflag:s8] =	dma.local [hbm:s7], $0x2800  }
0x19: {  	_ =	swait.ge [sflag:s13], $0x2800  }
0x1a: {  	[sflag:s13] =	ssyncset.done $0x0  }
0x1b: {  	[sflag:s13] =	ssyncadd.s32 $0xFFFFD800  }
0x1c: {  	[bflag:$0x0] =	sbarrier.arrive $0xFFFF  }
0x1d: {  	s11 =	rddreg [dreg:$0x6]  }
0x1e: {  	p1 =	sne.s32 s11, $0x1  }
.Ltmp0:
0x1f: {  	_ = 	snop;
	(pc) =	sbr.rel @!p1 .LBB2_2-.Ltmp0, $3  }
0x20: {  	_ =	sdelay $0x1  }
0x21: {  	s12 =	smov.u32 s8  }
0x22: {  	p0 =	por $0x0, $0x0;
	s7 =	rddreg [dreg:$0x4];
	s10 =	sadd.s32 $0xFFFFFFFF, s11  }
0x23: {  	s11 =	sand.u32 $0x1FFFFF80, s9  }
0x24: {  	s7 =	sadd.s32 s7, s11  }
0x25: {  	[tilespmem:s4], [sflag:$0x3] =	stream.linear.gather [hbm4b:s7+s4], $0x400, $0x38;
	[tilespmem:$0x1C800] =	vst v63  }
0x26: {  	_ =	swait.ge [sflag:s13], $0x400  }
0x27: {  	[sflag:s13] =	ssyncset.done $0x0  }
0x28: {  	s11 =	sadd.s32 s5, s11;
	[sflag:s13] =	ssyncadd.s32 $0xFFFFFC00  }
0x29: {  	[tilespmem:s14], [sflag:$0x3] =	stream.linear.gather [hbm4b:s11+s4], $0x400, $0x38;
	[tilespmem:$0x1C800] =	vst v63  }
0x2a: {  	_ =	swait.ge [sflag:s13], $0x400  }
0x2b: {  	[sflag:s13] =	ssyncset.done $0x0  }
0x2c: {  	[sflag:s13] =	ssyncadd.s32 $0xFFFFFC00  }
0x2d: {  	[tilespmem:s16], [sflag:$0x1] =	stream.indirect.gather [hbm4b:s1+s15], $0x80, s4, s15, $0xb8;
	[tilespmem:$0x1C800] =	vst v63  }
0x2e: {  	_ =	swait.ge [sflag:s17], $0x4000  }
0x2f: {  	[sflag:s17] =	ssyncset.done $0x0  }
0x30: {  	[sflag:s17] =	ssyncadd.s32 $0xFFFFC000  }
0x31: {  	[tilespmem:s18], [sflag:$0x2] =	stream.indirect.gather [hbm4b:s1+s15], $0x80, s15, s15, $0xb8;
	[tilespmem:$0x1C800] =	vst v63  }
0x32: {  	_ = 	snop  }
0x33: {  	[spmem:s2] =	stream.indirect.scatter.add.f32 [tilespmem:s16], [sflag:$0x3], $0x80, s14, s15, $0xb8;
	[tilespmem:$0x1C800] =	vst v63  }
0x34: {  	_ =	swait.ge [sflag:s13], $0x4000  }
0x35: {  	[sflag:s13] =	ssyncset.done $0x0  }
0x36: {  	[sflag:s13] =	ssyncadd.s32 $0xFFFFC000  }
0x37: {  	_ =	swait.ge [sflag:s19], $0x4000  }
0x38: {  	[sflag:s19] =	ssyncset.done $0x0  }
0x39: {  	[sflag:s19] =	ssyncadd.s32 $0xFFFFC000  }
0x3a: {  	[tilespmem:s16], [sflag:$0x1] =	stream.indirect.gather [hbm4b:s1+s15], $0x80, s20, s15, $0xb8;
	[tilespmem:$0x1C800] =	vst v63  }
0x3b: {  	_ = 	snop  }
0x3c: {  	[spmem:s2] =	stream.indirect.scatter.add.f32 [tilespmem:s18], [sflag:$0x3], $0x80, s21, s15, $0xb8;
	[tilespmem:$0x1C800] =	vst v63  }
0x3d: {  	_ =	swait.ge [sflag:s13], $0x4000  }
0x3e: {  	[sflag:s13] =	ssyncset.done $0x0  }
0x3f: {  	[sflag:s13] =	ssyncadd.s32 $0xFFFFC000  }
0x40: {  	_ =	swait.ge [sflag:s17], $0x4000  }
0x41: {  	[sflag:s17] =	ssyncset.done $0x0  }
0x42: {  	[sflag:s17] =	ssyncadd.s32 $0xFFFFC000  }
0x43: {  	[tilespmem:s18], [sflag:$0x2] =	stream.indirect.gather [hbm4b:s1+s15], $0x80, s22, s15, $0xb8;
	[tilespmem:$0x1C800] =	vst v63  }
0x44: {  	_ = 	snop  }
0x45: {  	[spmem:s2] =	stream.indirect.scatter.add.f32 [tilespmem:s16], [sflag:$0x3], $0x80, s23, s15, $0xb8;
	[tilespmem:$0x1C800] =	vst v63  }
0x46: {  	_ =	swait.ge [sflag:s13], $0x4000  }
0x47: {  	[sflag:s13] =	ssyncset.done $0x0  }
0x48: {  	[sflag:s13] =	ssyncadd.s32 $0xFFFFC000  }
0x49: {  	_ =	swait.ge [sflag:s19], $0x4000  }
0x4a: {  	[sflag:s19] =	ssyncset.done $0x0  }
0x4b: {  	[sflag:s19] =	ssyncadd.s32 $0xFFFFC000  }
0x4c: {  	[tilespmem:s16], [sflag:$0x1] =	stream.indirect.gather [hbm4b:s1+s15], $0x80, s24, s15, $0xb8;
	[tilespmem:$0x1C800] =	vst v63  }
0x4d: {  	_ = 	snop  }
0x4e: {  	[spmem:s2] =	stream.indirect.scatter.add.f32 [tilespmem:s18], [sflag:$0x3], $0x80, s25, s15, $0xb8;
	[tilespmem:$0x1C800] =	vst v63  }
0x4f: {  	_ =	swait.ge [sflag:s13], $0x4000  }
0x50: {  	[sflag:s13] =	ssyncset.done $0x0  }
0x51: {  	[sflag:s13] =	ssyncadd.s32 $0xFFFFC000  }
0x52: {  	_ =	swait.ge [sflag:s17], $0x4000  }
0x53: {  	[sflag:s17] =	ssyncset.done $0x0  }
0x54: {  	[sflag:s17] =	ssyncadd.s32 $0xFFFFC000  }
0x55: {  	[tilespmem:s18], [sflag:$0x2] =	stream.indirect.gather [hbm4b:s1+s15], $0x80, s26, s15, $0xb8;
	[tilespmem:$0x1C800] =	vst v63  }
0x56: {  	_ = 	snop  }
0x57: {  	[spmem:s2] =	stream.indirect.scatter.add.f32 [tilespmem:s16], [sflag:$0x3], $0x80, s28, s15, $0xb8;
	[tilespmem:$0x1C800] =	vst v63  }
0x58: {  	_ =	swait.ge [sflag:s13], $0x4000  }
0x59: {  	[sflag:s13] =	ssyncset.done $0x0  }
0x5a: {  	[sflag:s13] =	ssyncadd.s32 $0xFFFFC000  }
0x5b: {  	_ =	swait.ge [sflag:s19], $0x4000  }
0x5c: {  	[sflag:s19] =	ssyncset.done $0x0  }
0x5d: {  	[sflag:s19] =	ssyncadd.s32 $0xFFFFC000  }
0x5e: {  	[tilespmem:s16], [sflag:$0x1] =	stream.indirect.gather [hbm4b:s1+s15], $0x80, s29, s15, $0xb8;
	[tilespmem:$0x1C800] =	vst v63  }
0x5f: {  	_ = 	snop  }
0x60: {  	[spmem:s2] =	stream.indirect.scatter.add.f32 [tilespmem:s18], [sflag:$0x3], $0x80, s30, s15, $0xb8;
	[tilespmem:$0x1C800] =	vst v63  }
0x61: {  	_ =	swait.ge [sflag:s13], $0x4000  }
0x62: {  	[sflag:s13] =	ssyncset.done $0x0  }
0x63: {  	[sflag:s13] =	ssyncadd.s32 $0xFFFFC000  }
0x64: {  	_ =	swait.ge [sflag:s17], $0x4000  }
0x65: {  	[sflag:s17] =	ssyncset.done $0x0  }
0x66: {  	[sflag:s17] =	ssyncadd.s32 $0xFFFFC000  }
0x67: {  	[tilespmem:s18], [sflag:$0x2] =	stream.indirect.gather [hbm4b:s1+s15], $0x80, s31, s15, $0xb8;
	[tilespmem:$0x1C800] =	vst v63  }
0x68: {  	_ = 	snop  }
0x69: {  	[spmem:s2] =	stream.indirect.scatter.add.f32 [tilespmem:s16], [sflag:$0x3], $0x80, s0, s15, $0xb8;
	[tilespmem:$0x1C800] =	vst v63  }
0x6a: {  	_ =	swait.ge [sflag:s13], $0x4000  }
0x6b: {  	[sflag:s13] =	ssyncset.done $0x0  }
0x6c: {  	[sflag:s13] =	ssyncadd.s32 $0xFFFFC000  }
0x6d: {  	_ =	swait.ge [sflag:s19], $0x4000  }
0x6e: {  	[sflag:s19] =	ssyncset.done $0x0  }
0x6f: {  	[sflag:s19] =	ssyncadd.s32 $0xFFFFC000  }
0x70: {  	[tilespmem:s16], [sflag:$0x1] =	stream.indirect.gather [hbm4b:s1+s15], $0x80, s31, s15, $0xb8;
	[tilespmem:$0x1C800] =	vst v63  }
0x71: {  	p1 =	sne.s32 s10, $0x1  }
0x72: {  	[spmem:s2] =	stream.indirect.scatter.add.f32 [tilespmem:s18], [sflag:$0x3], $0x80, s3, s15, $0xb8;
	[tilespmem:$0x1C800] =	vst v63  }
.Ltmp1:
0x73: {  	_ =	swait.ge [sflag:s13], $0x4000;
	(pc) =	sbr.rel @!p1 .LBB2_4-.Ltmp1, $4  }
0x74: {  	[sflag:s13] =	ssyncset.done $0x0  }
0x75: {  	[sflag:s13] =	ssyncadd.s32 $0xFFFFC000  }
0x76: {  	s10 =	sadd.s32 $0xFFFFFFFF, s10;
	p0 =	por $0x1, $0x1;
	_ =	swait.ge [sflag:s17], $0x4000  }
0x77: {  	s11 =	smov.u32 s9;
	s7 =	rddreg [dreg:$0x4];
	[sflag:s17] =	ssyncset.done $0x0  }
.LBB2_5:
0x78: {  	s11 =	sadd.s32 $0x80, s11  }
0x79: {  	s8 =	sand.u32 $0x1FFFFF80, s11  }
0x7a: {  	[sflag:s17] =	ssyncadd.s32 $0xFFFFC000;
	s7 =	sadd.s32 s7, s8  }
0x7b: {  	[tilespmem:s4], [sflag:$0x3] =	stream.linear.gather [hbm4b:s7+s4], $0x400, $0x38;
	[tilespmem:$0x1C800] =	vst v63  }
0x7c: {  	_ =	swait.ge [sflag:s13], $0x400  }
0x7d: {  	[sflag:s13] =	ssyncset.done $0x0  }
0x7e: {  	s8 =	sadd.s32 s5, s8;
	[sflag:s13] =	ssyncadd.s32 $0xFFFFFC00  }
0x7f: {  	[tilespmem:s14], [sflag:$0x3] =	stream.linear.gather [hbm4b:s8+s4], $0x400, $0x38;
	[tilespmem:$0x1C800] =	vst v63  }
0x80: {  	_ =	swait.ge [sflag:s13], $0x400  }
0x81: {  	[sflag:s13] =	ssyncset.done $0x0  }
0x82: {  	[sflag:s13] =	ssyncadd.s32 $0xFFFFFC00  }
0x83: {  	[tilespmem:s16], [sflag:$0x1] =	stream.indirect.gather [hbm4b:s1+s15], $0x80, s4, s15, $0xb8;
	[tilespmem:$0x1C800] =	vst v63  }
0x84: {  	_ =	swait.ge [sflag:s17], $0x4000  }
0x85: {  	[sflag:s17] =	ssyncset.done $0x0  }
0x86: {  	[sflag:s17] =	ssyncadd.s32 $0xFFFFC000  }
0x87: {  	[tilespmem:s18], [sflag:$0x2] =	stream.indirect.gather [hbm4b:s1+s15], $0x80, s15, s15, $0xb8;
	[tilespmem:$0x1C800] =	vst v63  }
0x88: {  	_ = 	snop  }
0x89: {  	[spmem:s2] =	stream.indirect.scatter.add.f32 [tilespmem:s16], [sflag:$0x3], $0x80, s14, s15, $0xb8;
	[tilespmem:$0x1C800] =	vst v63  }
0x8a: {  	_ =	swait.ge [sflag:s13], $0x4000  }
0x8b: {  	[sflag:s13] =	ssyncset.done $0x0  }
0x8c: {  	[sflag:s13] =	ssyncadd.s32 $0xFFFFC000  }
0x8d: {  	_ =	swait.ge [sflag:s19], $0x4000  }
0x8e: {  	[sflag:s19] =	ssyncset.done $0x0  }
0x8f: {  	[sflag:s19] =	ssyncadd.s32 $0xFFFFC000  }
0x90: {  	[tilespmem:s16], [sflag:$0x1] =	stream.indirect.gather [hbm4b:s1+s15], $0x80, s20, s15, $0xb8;
	[tilespmem:$0x1C800] =	vst v63  }
0x91: {  	_ = 	snop  }
0x92: {  	[spmem:s2] =	stream.indirect.scatter.add.f32 [tilespmem:s18], [sflag:$0x3], $0x80, s21, s15, $0xb8;
	[tilespmem:$0x1C800] =	vst v63  }
0x93: {  	_ =	swait.ge [sflag:s13], $0x4000  }
0x94: {  	[sflag:s13] =	ssyncset.done $0x0  }
0x95: {  	[sflag:s13] =	ssyncadd.s32 $0xFFFFC000  }
0x96: {  	_ =	swait.ge [sflag:s17], $0x4000  }
0x97: {  	[sflag:s17] =	ssyncset.done $0x0  }
0x98: {  	[sflag:s17] =	ssyncadd.s32 $0xFFFFC000  }
0x99: {  	[tilespmem:s18], [sflag:$0x2] =	stream.indirect.gather [hbm4b:s1+s15], $0x80, s22, s15, $0xb8;
	[tilespmem:$0x1C800] =	vst v63  }
0x9a: {  	_ = 	snop  }
0x9b: {  	[spmem:s2] =	stream.indirect.scatter.add.f32 [tilespmem:s16], [sflag:$0x3], $0x80, s23, s15, $0xb8;
	[tilespmem:$0x1C800] =	vst v63  }
0x9c: {  	_ =	swait.ge [sflag:s13], $0x4000  }
0x9d: {  	[sflag:s13] =	ssyncset.done $0x0  }
0x9e: {  	[sflag:s13] =	ssyncadd.s32 $0xFFFFC000  }
0x9f: {  	_ =	swait.ge [sflag:s19], $0x4000  }
0xa0: {  	[sflag:s19] =	ssyncset.done $0x0  }
0xa1: {  	[sflag:s19] =	ssyncadd.s32 $0xFFFFC000  }
0xa2: {  	[tilespmem:s16], [sflag:$0x1] =	stream.indirect.gather [hbm4b:s1+s15], $0x80, s24, s15, $0xb8;
	[tilespmem:$0x1C800] =	vst v63  }
0xa3: {  	_ = 	snop  }
0xa4: {  	[spmem:s2] =	stream.indirect.scatter.add.f32 [tilespmem:s18], [sflag:$0x3], $0x80, s25, s15, $0xb8;
	[tilespmem:$0x1C800] =	vst v63  }
0xa5: {  	_ =	swait.ge [sflag:s13], $0x4000  }
0xa6: {  	[sflag:s13] =	ssyncset.done $0x0  }
0xa7: {  	[sflag:s13] =	ssyncadd.s32 $0xFFFFC000  }
0xa8: {  	_ =	swait.ge [sflag:s17], $0x4000  }
0xa9: {  	[sflag:s17] =	ssyncset.done $0x0  }
0xaa: {  	[sflag:s17] =	ssyncadd.s32 $0xFFFFC000  }
0xab: {  	[tilespmem:s18], [sflag:$0x2] =	stream.indirect.gather [hbm4b:s1+s15], $0x80, s26, s15, $0xb8;
	[tilespmem:$0x1C800] =	vst v63  }
0xac: {  	_ = 	snop  }
0xad: {  	[spmem:s2] =	stream.indirect.scatter.add.f32 [tilespmem:s16], [sflag:$0x3], $0x80, s28, s15, $0xb8;
	[tilespmem:$0x1C800] =	vst v63  }
0xae: {  	_ =	swait.ge [sflag:s13], $0x4000  }
0xaf: {  	[sflag:s13] =	ssyncset.done $0x0  }
0xb0: {  	[sflag:s13] =	ssyncadd.s32 $0xFFFFC000  }
0xb1: {  	_ =	swait.ge [sflag:s19], $0x4000  }
0xb2: {  	[sflag:s19] =	ssyncset.done $0x0  }
0xb3: {  	[sflag:s19] =	ssyncadd.s32 $0xFFFFC000  }
0xb4: {  	[tilespmem:s16], [sflag:$0x1] =	stream.indirect.gather [hbm4b:s1+s15], $0x80, s29, s15, $0xb8;
	[tilespmem:$0x1C800] =	vst v63  }
0xb5: {  	_ = 	snop  }
0xb6: {  	[spmem:s2] =	stream.indirect.scatter.add.f32 [tilespmem:s18], [sflag:$0x3], $0x80, s30, s15, $0xb8;
	[tilespmem:$0x1C800] =	vst v63  }
0xb7: {  	_ =	swait.ge [sflag:s13], $0x4000  }
0xb8: {  	[sflag:s13] =	ssyncset.done $0x0  }
0xb9: {  	[sflag:s13] =	ssyncadd.s32 $0xFFFFC000  }
0xba: {  	_ =	swait.ge [sflag:s17], $0x4000  }
0xbb: {  	[sflag:s17] =	ssyncset.done $0x0  }
0xbc: {  	[sflag:s17] =	ssyncadd.s32 $0xFFFFC000  }
0xbd: {  	[tilespmem:s18], [sflag:$0x2] =	stream.indirect.gather [hbm4b:s1+s15], $0x80, s31, s15, $0xb8;
	[tilespmem:$0x1C800] =	vst v63  }
0xbe: {  	_ = 	snop  }
0xbf: {  	[spmem:s2] =	stream.indirect.scatter.add.f32 [tilespmem:s16], [sflag:$0x3], $0x80, s0, s15, $0xb8;
	[tilespmem:$0x1C800] =	vst v63  }
0xc0: {  	_ =	swait.ge [sflag:s13], $0x4000  }
0xc1: {  	[sflag:s13] =	ssyncset.done $0x0  }
0xc2: {  	[sflag:s13] =	ssyncadd.s32 $0xFFFFC000  }
0xc3: {  	_ =	swait.ge [sflag:s19], $0x4000  }
0xc4: {  	[sflag:s19] =	ssyncset.done $0x0  }
0xc5: {  	[sflag:s19] =	ssyncadd.s32 $0xFFFFC000  }
0xc6: {  	[tilespmem:s16], [sflag:$0x1] =	stream.indirect.gather [hbm4b:s1+s15], $0x80, s31, s15, $0xb8;
	[tilespmem:$0x1C800] =	vst v63  }
0xc7: {  	p1 =	sne.s32 s10, $0x1  }
0xc8: {  	[spmem:s2] =	stream.indirect.scatter.add.f32 [tilespmem:s18], [sflag:$0x3], $0x80, s3, s15, $0xb8;
	[tilespmem:$0x1C800] =	vst v63  }
.Ltmp2:
0xc9: {  	_ =	swait.ge [sflag:s13], $0x4000;
	(pc) =	sbr.rel @p1 .LBB2_5-.Ltmp2, $4  }
0xca: {  	[sflag:s13] =	ssyncset.done $0x0  }
0xcb: {  	[sflag:s13] =	ssyncadd.s32 $0xFFFFC000  }
0xcc: {  	_ =	swait.ge [sflag:s17], $0x4000  }
0xcd: {  	s10 =	sadd.s32 $0xFFFFFFFF, s10;
	s7 =	rddreg [dreg:$0x4];
	[sflag:s17] =	ssyncset.done $0x0  }
.LBB2_6:
0xce: {  	s8 =	sadd.s32 @p0 $0x80, s11;
	s10 =	smov.u32 s9  }
0xcf: {  	s10 =	smov.u32 @p0 s8  }
0xd0: {  	s8 =	sand.u32 $0x1FFFFF80, s10  }
0xd1: {  	[sflag:s17] =	ssyncadd.s32 @p0 $0xFFFFC000;
	s7 =	sadd.s32 s7, s8  }
0xd2: {  	[tilespmem:s4], [sflag:$0x3] =	stream.linear.gather [hbm4b:s7+s4], $0x400, $0x38;
	[tilespmem:$0x1C800] =	vst v63  }
0xd3: {  	_ =	swait.ge [sflag:s13], $0x400  }
0xd4: {  	[sflag:s13] =	ssyncset.done $0x0  }
0xd5: {  	s10 =	sadd.s32 s5, s8;
	[sflag:s13] =	ssyncadd.s32 $0xFFFFFC00  }
0xd6: {  	[tilespmem:s14], [sflag:$0x3] =	stream.linear.gather [hbm4b:s10+s4], $0x400, $0x38;
	[tilespmem:$0x1C800] =	vst v63  }
0xd7: {  	_ =	swait.ge [sflag:s13], $0x400  }
0xd8: {  	[sflag:s13] =	ssyncset.done $0x0  }
0xd9: {  	[sflag:s13] =	ssyncadd.s32 $0xFFFFFC00  }
0xda: {  	[tilespmem:s16], [sflag:$0x1] =	stream.indirect.gather [hbm4b:s1+s15], $0x80, s4, s15, $0xb8;
	[tilespmem:$0x1C800] =	vst v63  }
0xdb: {  	_ =	swait.ge [sflag:s17], $0x4000  }
0xdc: {  	[sflag:s17] =	ssyncset.done $0x0  }
0xdd: {  	[sflag:s17] =	ssyncadd.s32 $0xFFFFC000  }
0xde: {  	[tilespmem:s18], [sflag:$0x2] =	stream.indirect.gather [hbm4b:s1+s15], $0x80, s15, s15, $0xb8;
	[tilespmem:$0x1C800] =	vst v63  }
0xdf: {  	_ = 	snop  }
0xe0: {  	[spmem:s2] =	stream.indirect.scatter.add.f32 [tilespmem:s16], [sflag:$0x3], $0x80, s14, s15, $0xb8;
	[tilespmem:$0x1C800] =	vst v63  }
0xe1: {  	_ =	swait.ge [sflag:s13], $0x4000  }
0xe2: {  	[sflag:s13] =	ssyncset.done $0x0  }
0xe3: {  	[sflag:s13] =	ssyncadd.s32 $0xFFFFC000  }
0xe4: {  	_ =	swait.ge [sflag:s19], $0x4000  }
0xe5: {  	[sflag:s19] =	ssyncset.done $0x0  }
0xe6: {  	[sflag:s19] =	ssyncadd.s32 $0xFFFFC000  }
0xe7: {  	[tilespmem:s16], [sflag:$0x1] =	stream.indirect.gather [hbm4b:s1+s15], $0x80, s20, s15, $0xb8;
	[tilespmem:$0x1C800] =	vst v63  }
0xe8: {  	_ = 	snop  }
0xe9: {  	[spmem:s2] =	stream.indirect.scatter.add.f32 [tilespmem:s18], [sflag:$0x3], $0x80, s21, s15, $0xb8;
	[tilespmem:$0x1C800] =	vst v63  }
0xea: {  	_ =	swait.ge [sflag:s13], $0x4000  }
0xeb: {  	[sflag:s13] =	ssyncset.done $0x0  }
0xec: {  	[sflag:s13] =	ssyncadd.s32 $0xFFFFC000  }
0xed: {  	_ =	swait.ge [sflag:s17], $0x4000  }
0xee: {  	[sflag:s17] =	ssyncset.done $0x0  }
0xef: {  	[sflag:s17] =	ssyncadd.s32 $0xFFFFC000  }
0xf0: {  	[tilespmem:s18], [sflag:$0x2] =	stream.indirect.gather [hbm4b:s1+s15], $0x80, s22, s15, $0xb8;
	[tilespmem:$0x1C800] =	vst v63  }
0xf1: {  	_ = 	snop  }
0xf2: {  	[spmem:s2] =	stream.indirect.scatter.add.f32 [tilespmem:s16], [sflag:$0x3], $0x80, s23, s15, $0xb8;
	[tilespmem:$0x1C800] =	vst v63  }
0xf3: {  	_ =	swait.ge [sflag:s13], $0x4000  }
0xf4: {  	[sflag:s13] =	ssyncset.done $0x0  }
0xf5: {  	[sflag:s13] =	ssyncadd.s32 $0xFFFFC000  }
0xf6: {  	_ =	swait.ge [sflag:s19], $0x4000  }
0xf7: {  	[sflag:s19] =	ssyncset.done $0x0  }
0xf8: {  	[sflag:s19] =	ssyncadd.s32 $0xFFFFC000  }
0xf9: {  	[tilespmem:s16], [sflag:$0x1] =	stream.indirect.gather [hbm4b:s1+s15], $0x80, s24, s15, $0xb8;
	[tilespmem:$0x1C800] =	vst v63  }
0xfa: {  	_ = 	snop  }
0xfb: {  	[spmem:s2] =	stream.indirect.scatter.add.f32 [tilespmem:s18], [sflag:$0x3], $0x80, s25, s15, $0xb8;
	[tilespmem:$0x1C800] =	vst v63  }
0xfc: {  	_ =	swait.ge [sflag:s13], $0x4000  }
0xfd: {  	[sflag:s13] =	ssyncset.done $0x0  }
0xfe: {  	[sflag:s13] =	ssyncadd.s32 $0xFFFFC000  }
0xff: {  	_ =	swait.ge [sflag:s17], $0x4000  }
0x100: {  	[sflag:s17] =	ssyncset.done $0x0  }
0x101: {  	[sflag:s17] =	ssyncadd.s32 $0xFFFFC000  }
0x102: {  	[tilespmem:s18], [sflag:$0x2] =	stream.indirect.gather [hbm4b:s1+s15], $0x80, s26, s15, $0xb8;
	[tilespmem:$0x1C800] =	vst v63  }
0x103: {  	_ = 	snop  }
0x104: {  	[spmem:s2] =	stream.indirect.scatter.add.f32 [tilespmem:s16], [sflag:$0x3], $0x80, s28, s15, $0xb8;
	[tilespmem:$0x1C800] =	vst v63  }
0x105: {  	_ =	swait.ge [sflag:s13], $0x4000  }
0x106: {  	[sflag:s13] =	ssyncset.done $0x0  }
0x107: {  	[sflag:s13] =	ssyncadd.s32 $0xFFFFC000  }
0x108: {  	_ =	swait.ge [sflag:s19], $0x4000  }
0x109: {  	[sflag:s19] =	ssyncset.done $0x0  }
0x10a: {  	[sflag:s19] =	ssyncadd.s32 $0xFFFFC000  }
0x10b: {  	[tilespmem:s16], [sflag:$0x1] =	stream.indirect.gather [hbm4b:s1+s15], $0x80, s29, s15, $0xb8;
	[tilespmem:$0x1C800] =	vst v63  }
0x10c: {  	_ = 	snop  }
0x10d: {  	[spmem:s2] =	stream.indirect.scatter.add.f32 [tilespmem:s18], [sflag:$0x3], $0x80, s30, s15, $0xb8;
	[tilespmem:$0x1C800] =	vst v63  }
0x10e: {  	_ =	swait.ge [sflag:s13], $0x4000  }
0x10f: {  	[sflag:s13] =	ssyncset.done $0x0  }
0x110: {  	[sflag:s13] =	ssyncadd.s32 $0xFFFFC000  }
0x111: {  	_ =	swait.ge [sflag:s17], $0x4000  }
0x112: {  	[sflag:s17] =	ssyncset.done $0x0  }
0x113: {  	[sflag:s17] =	ssyncadd.s32 $0xFFFFC000  }
0x114: {  	[tilespmem:s18], [sflag:$0x2] =	stream.indirect.gather [hbm4b:s1+s15], $0x80, s31, s15, $0xb8;
	[tilespmem:$0x1C800] =	vst v63  }
0x115: {  	_ = 	snop  }
0x116: {  	[spmem:s2] =	stream.indirect.scatter.add.f32 [tilespmem:s16], [sflag:$0x3], $0x80, s0, s15, $0xb8;
	[tilespmem:$0x1C800] =	vst v63  }
0x117: {  	_ =	swait.ge [sflag:s13], $0x4000  }
0x118: {  	[sflag:s13] =	ssyncset.done $0x0  }
0x119: {  	[sflag:s13] =	ssyncadd.s32 $0xFFFFC000  }
0x11a: {  	_ =	swait.ge [sflag:s19], $0x4000  }
0x11b: {  	[sflag:s19] =	ssyncset.done $0x0  }
0x11c: {  	[sflag:s19] =	ssyncadd.s32 $0xFFFFC000  }
0x11d: {  	[tilespmem:s16], [sflag:$0x1] =	stream.indirect.gather [hbm4b:s1+s15], $0x80, s31, s15, $0xb8;
	[tilespmem:$0x1C800] =	vst v63  }
0x11e: {  	_ = 	snop  }
0x11f: {  	[spmem:s2] =	stream.indirect.scatter.add.f32 [tilespmem:s18], [sflag:$0x3], $0x80, s3, s15, $0xb8;
	[tilespmem:$0x1C800] =	vst v63  }
0x120: {  	_ =	swait.ge [sflag:s13], $0x4000  }
0x121: {  	[sflag:s13] =	ssyncset.done $0x0  }
0x122: {  	[sflag:s13] =	ssyncadd.s32 $0xFFFFC000  }
0x123: {  	_ =	swait.ge [sflag:s17], $0x4000  }
0x124: {  	[sflag:s17] =	ssyncset.done $0x0  }
0x125: {  	[sflag:s17] =	ssyncadd.s32 $0xFFFFC000  }
0x126: {  	[bflag:$0x0] =	sbarrier.arrive $0xFFFF  }
0x127: {  	s11 =	rddreg [dreg:$0x7]  }
0x128: {  	s10 =	rddreg [dreg:$0x9]  }
0x129: {  	[hbm:s11], [sflag:s12] =	dma.local [spmem:s10], $0x2800  }
0x12a: {  	_ =	swait.ge [sflag:s13], $0x2800  }
0x12b: {  	s6 =	sadd.s32 $0x1, s6;
	s8 =	smov.u32 s12;
	s12 =	rddreg [dreg:$0x8]  }
0x12c: {  	p0 =	sne.s32 s6, s12  }
.Ltmp3:
0x12d: {  	_ = 	snop;
	(pc) =	sbr.rel @p0 .LBB2_1-.Ltmp3, $4  }
.Ltmp4:
0x12e: {  	_ = 	snop;
	(pc) =	sbr.rel @!p0 .LBB2_7-.Ltmp4, $4  }
0x12f: {  	_ = 	snop  }
0x130: {  	[sflag:s13] =	ssyncset.done $0x0  }
0x131: {  	[sflag:s13] =	ssyncadd.s32 $0xFFFFD800  }
0x132: {  	_ = 	snop  }
.LBB2_2:
.Ltmp5:
0x133: {  	(pc) =	sbr.rel .LBB2_6-.Ltmp5, $2  }
0x134: {  	_ =	sdelay $0x2  }
0x135: {  	s11 =	smov.u32 s9  }
.LBB2_4:
.Ltmp6:
0x136: {  	(pc) =	sbr.rel .LBB2_6-.Ltmp6, $2  }
0x137: {  	_ =	sdelay $0x2  }
0x138: {  	s11 =	smov.u32 s9  }
.LBB2_7:
0x139: {  	_ =	sfence.sel $0x180000  }
0x13a: {  	[bflag:$0x0] =	sbarrier.arrive $0xFFFF  }
0x13b: {  	_ =	strace $0x9000004D  }
0x13c: {  	s0 =	stileid.u32;
	[bflag:$0x2] =	sbarrier.arrive $0xFFFF  }
0x13d: {  	p0 =	sne.s32 s0, $0x0;
	s0 =	rddreg [dreg:$0x3]  }
0x13e: {  	s0 =	sadd.s32 @!p0 $0x100000, s0  }
0x13f: {  	[sflag:s0] =	ssyncadd.tile.s32 @!p0 $0x1;
	_ =	shalt  }
.Lfunc_end2:
_tile_overlayer_lowered:
.L_overlay_start_2:
0x140: {  	(tag) =	ssettag $0x2  }
0x141: {  	s0 =	rddreg [dreg:$0x0];
	s2 =	stileid.u32  }
0x142: {  	s1 =	rddreg [dreg:$0x1];
	p0 =	sne.s32 s2, $0x0  }
0x143: {  	s3 =	rddreg [dreg:$0x2];
	[bflag:$0x3] =	sbarrier.arrive $0xFFFF;
	s2 =	simm.s32 @!p0 $0x1C03  }
0x144: {  	[timem:s3], [sflag:s2] =	dma.local @!p0 [hbm:s0], s1  }
0x145: {  	s0 =	simm.s32 @!p0 $0x3  }
0x146: {  	_ =	swait.ge @!p0 [sflag:s0], s1  }
0x147: {  	s1 =	ssub.s32 @!p0 $0x0, s1;
	[sflag:s0] =	ssyncset.done @!p0 $0x0  }
0x148: {  	[sflag:s0] =	ssyncadd.s32 @!p0 s1  }
0x149: {  	[bflag:$0x3] =	sbarrier.arrive $0xFFFF  }
0x14a: {  	_ =	shalt  }

// kernel: kernel.18.cloned.1.call-start
scs
__scs_entry_jumppad:
0x0: {  	(pc) =	sbr.rel $0x88, $3  }
0x1: {  	(tag) =	ssettag $0x0;
	lr =	simm.s32 $0x1  }
0x2: {  	[smem:$0x3F90] =	sst lr;
	_ =	strace $0xD0000000  }
0x3: {  	_ = 	snop  }
0x4: {  	_ = 	snop  }
0x5: {  	_ = 	snop  }
0x6: {  	_ = 	snop  }
0x7: {  	_ = 	snop  }
__scs_overlays_trampoline_lowered:
0x8: {  	[smem:$0x3F9F] =	sst s0  }
0x9: {  	[smem:$0x3FA0] =	sst s1  }
0xa: {  	[smem:$0x3FA1] =	sst s2  }
0xb: {  	[smem:$0x3FA2] =	sst s3  }
0xc: {  	[smem:$0x3FA3] =	sst s4  }
0xd: {  	[smem:$0x3FA4] =	sst s5  }
0xe: {  	[smem:$0x3FA5] =	sst s6  }
0xf: {  	[smem:$0x3FA6] =	sst s7  }
0x10: {  	[smem:$0x3FA7] =	sst s8  }
0x11: {  	[smem:$0x3FA8] =	sst s9;
	s0 =	simm.s32 @!p0 $0x0  }
0x12: {  	s1 =	sld [smem:$0x3F8E];
	s0 =	simm.s32 @p0 $0x1  }
0x13: {  	[smem:$0x3FA9] =	sst s0;
	s0 =	simm.s32 @!p1 $0x0  }
0x14: {  	s2 =	sld [smem:$0x3F8D];
	s0 =	simm.s32 @p1 $0x1  }
0x15: {  	[smem:$0x3FAA] =	sst s0;
	s0 =	simm.s32 @!p2 $0x0  }
0x16: {  	s3 =	sld [smem:$0x3FDB];
	s0 =	simm.s32 @p2 $0x1  }
0x17: {  	s4 =	simm.s32 $0x1BF5;
	[smem:$0x3FAC] =	sst s0  }
0x18: {  	s0 =	sld [smem:$0x3F8F];
	_ =	swait.ge [sflag:s4], $0x0  }
0x19: {  	s7 =	sld [smem:$0x3F90]  }
0x1a: {  	s8 =	sadd.s32 $0xFFFFE003, lr  }
0x1b: {  	s9 =	sadd.s32 $0xFFFFFEF7, lr;
	s5 =	simm.s32 $0xFFFFFFFF;
	p2 =	slt.u32 s8, $0xFFFFF086  }
0x1c: {  	p1 =	slt.u32 s9, $0xF7A;
	s5 =	simm.s32 @!p2 $0x0  }
0x1d: {  	s5 =	simm.s32 @p1 $0x1;
	p0 =	seq.s32 s7, s2  }
0x1e: {  	s7 =	smul.u32 @!p0 $0xF7A, s2;
	p2 =	seq.s32 @!p0 s5, $0x0  }
0x1f: {  	s9 =	smul.u32 $0xF7A, s1;
	s8 =	simm.s32 @!p0 $0x1BF5;
	p2 =	por !p2, p0  }
0x20: {  	[sflag:s8] =	ssyncset.s32 @!p0 $0xFFFFF086;
	s6 =	sadd.s32 @!p0 s3, s7;
	s7 =	simm.s32 @!p0 $0x108  }
0x21: {  	s3 =	sadd.s32 s3, s9;
	s6 =	sadd.s32 @!p0 $0x88, s6;
	s7 =	simm.s32 @p2 $0x1082  }
0x22: {  	[simem:s7], [sflag:s8] =	dma.local @!p0 [hbm:s6], $0xF7A  }
0x23: {  	s9 =	sor.u32 $0xD0000000, s2;
	s6 =	simm.s32 $0x108;
	_ =	swait.ge @!p0 [sflag:s8], $0x0  }
0x24: {  	s3 =	sadd.s32 $0x88, s3;
	s6 =	simm.s32 @!p1 $0x1082;
	[sflag:s4] =	ssyncset.s32 $0xFFFFF086  }
0x25: {  	[simem:s6], [sflag:s4] =	dma.local [hbm:s3], $0xF7A  }
0x26: {  	[smem:$0x3F90] =	sst s1;
	(tag) =	ssettag s2;
	_ =	strace s9  }
0x27: {  	s1 =	sld [smem:$0x3FA0]  }
0x28: {  	s2 =	sld [smem:$0x3FA1]  }
0x29: {  	s4 =	sld [smem:$0x3FA3]  }
0x2a: {  	p0 =	seq.s32 s5, $0x0;
	s5 =	sld [smem:$0x3FA4]  }
0x2b: {  	s6 =	sld [smem:$0x3FA5]  }
0x2c: {  	s7 =	sld [smem:$0x3FA6]  }
0x2d: {  	s3 =	simm.s32 $0x108;
	s8 =	sld [smem:$0x3FA7]  }
0x2e: {  	s3 =	simm.s32 @!p0 $0x1082;
	s9 =	sld [smem:$0x3FA8]  }
0x2f: {  	lr =	sadd.s32 s0, s3;
	s0 =	sld [smem:$0x3F9F]  }
0x30: {  	s3 =	sld [smem:$0x3FA2]  }
0x31: {  	[smem:$0x3FAB] =	sst s10  }
0x32: {  	s10 =	sld [smem:$0x3FA9];
	_ =	sdelay $0x3  }
0x33: {  	p0 =	seq.s32 s10, $0x1;
	s10 =	sld [smem:$0x3FAB];
	_ =	sdelay $0x3  }
0x34: {  	[smem:$0x3FAB] =	sst s10  }
0x35: {  	s10 =	sld [smem:$0x3FAA];
	_ =	sdelay $0x3  }
0x36: {  	p1 =	seq.s32 s10, $0x1;
	s10 =	sld [smem:$0x3FAB];
	_ =	sdelay $0x3  }
0x37: {  	[smem:$0x3FAB] =	sst s10  }
0x38: {  	s10 =	sld [smem:$0x3FAC]  }
0x39: {  	_ = 	snop;
	(pc) =	sbr.ind lr, $3  }
0x3a: {  	_ = 	snop  }
0x3b: {  	_ = 	snop  }
0x3c: {  	p2 =	seq.s32 s10, $0x1;
	s10 =	sld [smem:$0x3FAB]  }
0x3d: {  	_ =	shalt  }
0x3e: {  	_ =	shalt  }
0x3f: {  	_ =	shalt  }
0x40: {  	_ =	shalt  }
0x41: {  	_ =	shalt  }
0x42: {  	_ =	shalt  }
0x43: {  	_ =	shalt  }
0x44: {  	_ =	shalt  }
0x45: {  	_ =	shalt  }
0x46: {  	_ =	shalt  }
0x47: {  	_ =	shalt  }
0x48: {  	_ =	shalt  }
0x49: {  	_ =	shalt  }
0x4a: {  	_ =	shalt  }
0x4b: {  	_ =	shalt  }
0x4c: {  	_ =	shalt  }
0x4d: {  	_ =	shalt  }
0x4e: {  	_ =	shalt  }
0x4f: {  	_ =	shalt  }
0x50: {  	_ =	shalt  }
0x51: {  	_ =	shalt  }
0x52: {  	_ =	shalt  }
0x53: {  	_ =	shalt  }
0x54: {  	_ =	shalt  }
0x55: {  	_ =	shalt  }
0x56: {  	_ =	shalt  }
0x57: {  	_ =	shalt  }
0x58: {  	_ =	shalt  }
0x59: {  	_ =	shalt  }
0x5a: {  	_ =	shalt  }
0x5b: {  	_ =	shalt  }
0x5c: {  	_ =	shalt  }
0x5d: {  	_ =	shalt  }
0x5e: {  	_ =	shalt  }
0x5f: {  	_ =	shalt  }
0x60: {  	_ =	shalt  }
0x61: {  	_ =	shalt  }
0x62: {  	_ =	shalt  }
0x63: {  	_ =	shalt  }
0x64: {  	_ =	shalt  }
0x65: {  	_ =	shalt  }
0x66: {  	_ =	shalt  }
0x67: {  	_ =	shalt  }
0x68: {  	_ =	shalt  }
0x69: {  	_ =	shalt  }
0x6a: {  	_ =	shalt  }
0x6b: {  	_ =	shalt  }
0x6c: {  	_ =	shalt  }
0x6d: {  	_ =	shalt  }
0x6e: {  	_ =	shalt  }
0x6f: {  	_ =	shalt  }
0x70: {  	_ =	shalt  }
0x71: {  	_ =	shalt  }
0x72: {  	_ =	shalt  }
0x73: {  	_ =	shalt  }
0x74: {  	_ =	shalt  }
0x75: {  	_ =	shalt  }
0x76: {  	_ =	shalt  }
0x77: {  	_ =	shalt  }
0x78: {  	_ =	shalt  }
0x79: {  	_ =	shalt  }
0x7a: {  	_ =	shalt  }
0x7b: {  	_ =	shalt  }
0x7c: {  	_ =	shalt  }
0x7d: {  	_ =	shalt  }
0x7e: {  	_ =	shalt  }
0x7f: {  	_ =	shalt  }
0x80: {  	_ =	shalt  }
0x81: {  	_ =	shalt  }
0x82: {  	_ =	shalt  }
0x83: {  	_ =	shalt  }
0x84: {  	_ =	shalt  }
0x85: {  	_ =	shalt  }
0x86: {  	_ =	shalt  }
0x87: {  	_ =	shalt  }
.Lfunc_end0:
.L_simem_size_0:
called_computation.3_lowered:
.L_overlay_start_0:
0x88: {  	s2 =	sld [smem:$0x3FD9]  }
0x89: {  	s3 =	sld [smem:$0x3FFE];
	_ =	sdelay $0x1  }
0x8a: {  	s1 =	srdreg.scid  }
0x8b: {  	s0 =	sand.u32 $0x1, s1  }
0x8c: {  	s17 =	sshll.u32 s0, $0xA;
	s2 =	sadd.s32 s3, s2  }
0x8d: {  	s2 =	sadd.s32 s2, s17  }
0x8e: {  	[smem:$0x3FB7] =	sst s2  }
0x8f: {  	_ = 	snop  }
0x90: {  	s2 =	sld [smem:$0x3FD0];
	(tm) =	ssettm $0x1  }
0x91: {  	s18 =	sld [smem:$0x3FFB];
	_ =	sdelay $0x3  }
0x92: {  	_ =	strace s18  }
0x93: {  	s3 =	sld [smem:$0x3FFC];
	_ =	sdelay $0x3  }
0x94: {  	_ =	strace s3  }
0x95: {  	s3 =	sld [smem:$0x3FFD];
	_ =	sdelay $0x3  }
0x96: {  	_ =	strace s3  }
0x97: {  	_ =	strace $0x8FFFFFFF  }
0x98: {  	s19 =	sld [smem:$0x3FDB];
	_ =	sdelay $0x1  }
0x99: {  	s4 =	simm.s32 $_scs_section_size  }
0x9a: {  	s5 =	simm.s32 $_size__tile_overlayer_lowered;
	s6 =	simm.s32 $_tile_overlayer_lowered  }
0x9b: {  	s22 =	simm.s32 $0x1BFF;
	s21 =	sshll.u32 s6, $0x1;
	s3 =	sadd.s32 s4, s19  }
0x9c: {  	s7 =	simm.s32 $0x0;
	s20 =	sshll.u32 s5, $0x1;
	s5 =	sadd.s32 s21, s3  }
0x9d: {  	[timem:s7], [sflag:s22] =	dma.local [hbm:s5], s20  }
0x9e: {  	_ =	swait.ge [sflag:s22], s20  }
0x9f: {  	s4 =	ssub.s32 $0x0, s20;
	[sflag:s22] =	ssyncset.done $0x0  }
0xa0: {  	[sflag:s22] =	ssyncadd.s32 s4;
	_ =	sdelay $0x1  }
0xa1: {  	s23 =	simm.s32 $0x1B8B  }
0xa2: {  	_ =	swait.ge [sflag:s23], $0x1  }
0xa3: {  	[sflag:s23] =	ssyncset.done $0x0  }
0xa4: {  	s25 =	simm.s32 $0x1B8E;
	s24 =	sld [smem:$0x3FFE];
	[sflag:s23] =	ssyncadd.s32 $0xFFFFFFFF  }
0xa5: {  	s26 =	simm.s32 $execute0_lowered;
	[smem:$0x3FD2] =	sst s25  }
0xa6: {  	s5 =	sshll.u32 s26, $0x1;
	_ =	strace $0x8000004F;
	[dreg:$0x1] =	wrdreg $0xFFFFFFFF  }
0xa7: {  	s28 =	simm.s32 $_size_execute0_lowered;
	s3 =	sadd.s32 s3, s5;
	[dreg:$0x0] =	wrdreg $0x0  }
0xa8: {  	s5 =	sshll.u32 s28, $0x1;
	[dreg:$0x2] =	wrdreg s3  }
0xa9: {  	[dreg:$0x3] =	wrdreg s5  }
0xaa: {  	[dreg:$0x4] =	wrdreg $0xC0  }
0xab: {  	_ =	task [dreg:s7], $0x5FFFF  }
0xac: {  	[dreg:$0x1] =	wrdreg $0xFFFFFFFF  }
0xad: {  	[dreg:$0x0] =	wrdreg $0x60  }
0xae: {  	[dreg:$0x2] =	wrdreg s2  }
0xaf: {  	[dreg:$0x3] =	wrdreg s24  }
0xb0: {  	[dreg:$0x4] =	wrdreg $0x88000  }
0xb1: {  	[dreg:$0x5] =	wrdreg $0x9  }
0xb2: {  	_ =	task.clear_ibuf [dreg:s7], $0x6FFFF;
	_ =	strace $0x9000004F  }
0xb3: {  	s29 =	simm.s32 $0x9;
	_ =	strace $0x80000051  }
0xb4: {  	_ =	swait.ge [sflag:s29], $0x1  }
0xb5: {  	[sflag:s29] =	ssyncadd.s32 $0xFFFFFFFF  }
0xb6: {  	_ =	strace $0x90000051  }
0xb7: {  	_ =	sfence  }
0xb8: {  	s30 =	sld [smem:$0x0];
	_ =	sdelay $0x2  }
0xb9: {  	s31 =	sshll.u32 s1, $0xD;
	s1 =	sshrl.u32 s1, $0x2  }
0xba: {  	s3 =	sand.u32 $0x4000, s31;
	s1 =	sadd.s32 s1, s30  }
0xbb: {  	s0 =	sor.u32 s3, s0;
	s1 =	sshll.u32 s1, $0x11  }
0xbc: {  	s0 =	sor.u32 s1, s0  }
0xbd: {  	s0 =	sadd.s32 $0x8F2B, s0  }
0xbe: {  	[sflag:s0] =	ssyncadd.remote.s32 $0x1  }
0xbf: {  	_ =	sfence.sel $0xFFFF  }
0xc0: {  	[dreg:$0x0] =	wrdreg $0xFFFFFFFF;
	(pc) =	sbr.abs _section_cstart, $3  }
0xc1: {  	[dreg:$0x1] =	wrdreg $0xFFFFFFFF  }
0xc2: {  	_ =	task.clear_ibuf [dreg:s7], $0x2FFFF;
	_ =	strace $0x9FFFFFFF  }
0xc3: {  	(tm) =	ssettm $0x7FFFFFFF  }
tec
execute0_lowered:
.L_overlay_start_1:
0x0: {  	(tag) =	ssettag $0x1  }
0x1: {  	s1 =	rddreg [dreg:$0x0]  }
0x2: {  	s0 =	rddreg [dreg:$0x1]  }
0x3: {  	s2 =	rddreg [dreg:$0x2];
	s4 =	simm.s32 $0x0;
	s3 =	srdreg.scid  }
0x4: {  	s11 =	stileid.u32;
	s13 =	simm.s32 $0x3;
	s14 =	simm.s32 $0x400  }
0x5: {  	s15 =	simm.s32 $0x80;
	s16 =	simm.s32 $0x800;
	s17 =	simm.s32 $0x1  }
0x6: {  	s18 =	simm.s32 $0x4800;
	s19 =	simm.s32 $0x2;
	s20 =	simm.s32 $0x100  }
0x7: {  	s28 =	simm.s32 $0x600;
	s29 =	simm.s32 $0x300;
	s30 =	simm.s32 $0x680  }
0x8: {  	s31 =	simm.s32 $0x380;
	[smem:$0x7FF] =	sst s4;
	s7 =	smul.u32 $0x14000, s11  }
0x9: {  	s3 =	sand.u32 $0x1, s3;
	s5 =	sadd.s32 $0x60E00, s0;
	s8 =	smul.u32 $0xA0, s11  }
0xa: {  	s9 =	sadd.s32 $0xE600, s0;
	s10 =	smul.u32 $0x50000, s11;
	s25 =	sshll.u32 s11, $0x6  }
0xb: {  	s6 =	smul.u32 $0x140000, s3;
	_ =	strace $0x80000050;
	[dreg:$0x4] =	wrdreg s5  }
0xc: {  	s5 =	sadd.s32 $0x3E00, s0;
	s21 =	smul.u32 $0x78, s3;
	s22 =	ssub.s32 $0x2, s3  }
0xd: {  	[dreg:$0x5] =	wrdreg s9;
	s3 =	smul.u32 $0xFFFFFFB0, s3;
	s23 =	sshrl.u32 s22, $0x1  }
0xe: {  	s24 =	sshrl.u32 s10, $0x2;
	s6 =	sadd.s32 s7, s6;
	s7 =	sadd.s32 s21, s8  }
0xf: {  	s3 =	sadd.s32 $0x78, s3;
	s8 =	sor.u32 $0x1C03, s25;
	s21 =	simm.s32 $0x480  }
0x10: {  	s25 =	simm.s32 $0x580;
	s6 =	sshrl.u32 s6, $0x3;
	s3 =	sshrl.u32 s3, $0x3  }
0x11: {  	s9 =	sshll.u32 s7, $0x4;
	s0 =	sadd.s32 s6, s0;
	s6 =	ssub.s32 s22, s23  }
0x12: {  	[dreg:$0x6] =	wrdreg s3;
	s3 =	sadd.s32 s24, s2;
	s22 =	simm.s32 $0x180  }
0x13: {  	s23 =	simm.s32 $0x500;
	s24 =	simm.s32 $0x200;
	s0 =	sadd.s32 $0x6AE00, s0  }
0x14: {  	s26 =	smax.u32 s6, $0x1;
	s10 =	sshrl.u32 s3, $0x3;
	[dreg:$0x7] =	wrdreg s0  }
0x15: {  	s3 =	simm.s32 $0x780;
	s6 =	simm.s32 $0x0;
	[dreg:$0x8] =	wrdreg s26  }
0x16: {  	s26 =	simm.s32 $0x280;
	s0 =	simm.s32 $0x700;
	[dreg:$0x9] =	wrdreg s10  }
.LBB2_1:
0x17: {  	s7 =	rddreg [dreg:$0x5]  }
0x18: {  	[spmem:s10], [sflag:s8] =	dma.local [hbm:s7], $0x2800  }
0x19: {  	_ =	swait.ge [sflag:s13], $0x2800  }
0x1a: {  	[sflag:s13] =	ssyncset.done $0x0  }
0x1b: {  	[sflag:s13] =	ssyncadd.s32 $0xFFFFD800  }
0x1c: {  	[bflag:$0x0] =	sbarrier.arrive $0xFFFF  }
0x1d: {  	s11 =	rddreg [dreg:$0x6]  }
0x1e: {  	p1 =	sne.s32 s11, $0x1  }
.Ltmp0:
0x1f: {  	_ = 	snop;
	(pc) =	sbr.rel @!p1 .LBB2_2-.Ltmp0, $3  }
0x20: {  	_ =	sdelay $0x1  }
0x21: {  	s12 =	smov.u32 s8  }
0x22: {  	p0 =	por $0x0, $0x0;
	s7 =	rddreg [dreg:$0x4];
	s10 =	sadd.s32 $0xFFFFFFFF, s11  }
0x23: {  	s11 =	sand.u32 $0x1FFFFF80, s9  }
0x24: {  	s7 =	sadd.s32 s7, s11  }
0x25: {  	[tilespmem:s4], [sflag:$0x3] =	stream.linear.gather [hbm4b:s7+s4], $0x400, $0x38;
	[tilespmem:$0x1C800] =	vst v63  }
0x26: {  	_ =	swait.ge [sflag:s13], $0x400  }
0x27: {  	[sflag:s13] =	ssyncset.done $0x0  }
0x28: {  	s11 =	sadd.s32 s5, s11;
	[sflag:s13] =	ssyncadd.s32 $0xFFFFFC00  }
0x29: {  	[tilespmem:s14], [sflag:$0x3] =	stream.linear.gather [hbm4b:s11+s4], $0x400, $0x38;
	[tilespmem:$0x1C800] =	vst v63  }
0x2a: {  	_ =	swait.ge [sflag:s13], $0x400  }
0x2b: {  	[sflag:s13] =	ssyncset.done $0x0  }
0x2c: {  	[sflag:s13] =	ssyncadd.s32 $0xFFFFFC00  }
0x2d: {  	[tilespmem:s16], [sflag:$0x1] =	stream.indirect.gather [hbm4b:s1+s15], $0x80, s4, s15, $0xb8;
	[tilespmem:$0x1C800] =	vst v63  }
0x2e: {  	_ =	swait.ge [sflag:s17], $0x4000  }
0x2f: {  	[sflag:s17] =	ssyncset.done $0x0  }
0x30: {  	[sflag:s17] =	ssyncadd.s32 $0xFFFFC000  }
0x31: {  	[tilespmem:s18], [sflag:$0x2] =	stream.indirect.gather [hbm4b:s1+s15], $0x80, s15, s15, $0xb8;
	[tilespmem:$0x1C800] =	vst v63  }
0x32: {  	_ = 	snop  }
0x33: {  	[spmem:s2] =	stream.indirect.scatter.add.f32 [tilespmem:s16], [sflag:$0x3], $0x80, s14, s15, $0xb8;
	[tilespmem:$0x1C800] =	vst v63  }
0x34: {  	_ =	swait.ge [sflag:s13], $0x4000  }
0x35: {  	[sflag:s13] =	ssyncset.done $0x0  }
0x36: {  	[sflag:s13] =	ssyncadd.s32 $0xFFFFC000  }
0x37: {  	_ =	swait.ge [sflag:s19], $0x4000  }
0x38: {  	[sflag:s19] =	ssyncset.done $0x0  }
0x39: {  	[sflag:s19] =	ssyncadd.s32 $0xFFFFC000  }
0x3a: {  	[tilespmem:s16], [sflag:$0x1] =	stream.indirect.gather [hbm4b:s1+s15], $0x80, s20, s15, $0xb8;
	[tilespmem:$0x1C800] =	vst v63  }
0x3b: {  	_ = 	snop  }
0x3c: {  	[spmem:s2] =	stream.indirect.scatter.add.f32 [tilespmem:s18], [sflag:$0x3], $0x80, s21, s15, $0xb8;
	[tilespmem:$0x1C800] =	vst v63  }
0x3d: {  	_ =	swait.ge [sflag:s13], $0x4000  }
0x3e: {  	[sflag:s13] =	ssyncset.done $0x0  }
0x3f: {  	[sflag:s13] =	ssyncadd.s32 $0xFFFFC000  }
0x40: {  	_ =	swait.ge [sflag:s17], $0x4000  }
0x41: {  	[sflag:s17] =	ssyncset.done $0x0  }
0x42: {  	[sflag:s17] =	ssyncadd.s32 $0xFFFFC000  }
0x43: {  	[tilespmem:s18], [sflag:$0x2] =	stream.indirect.gather [hbm4b:s1+s15], $0x80, s22, s15, $0xb8;
	[tilespmem:$0x1C800] =	vst v63  }
0x44: {  	_ = 	snop  }
0x45: {  	[spmem:s2] =	stream.indirect.scatter.add.f32 [tilespmem:s16], [sflag:$0x3], $0x80, s23, s15, $0xb8;
	[tilespmem:$0x1C800] =	vst v63  }
0x46: {  	_ =	swait.ge [sflag:s13], $0x4000  }
0x47: {  	[sflag:s13] =	ssyncset.done $0x0  }
0x48: {  	[sflag:s13] =	ssyncadd.s32 $0xFFFFC000  }
0x49: {  	_ =	swait.ge [sflag:s19], $0x4000  }
0x4a: {  	[sflag:s19] =	ssyncset.done $0x0  }
0x4b: {  	[sflag:s19] =	ssyncadd.s32 $0xFFFFC000  }
0x4c: {  	[tilespmem:s16], [sflag:$0x1] =	stream.indirect.gather [hbm4b:s1+s15], $0x80, s24, s15, $0xb8;
	[tilespmem:$0x1C800] =	vst v63  }
0x4d: {  	_ = 	snop  }
0x4e: {  	[spmem:s2] =	stream.indirect.scatter.add.f32 [tilespmem:s18], [sflag:$0x3], $0x80, s25, s15, $0xb8;
	[tilespmem:$0x1C800] =	vst v63  }
0x4f: {  	_ =	swait.ge [sflag:s13], $0x4000  }
0x50: {  	[sflag:s13] =	ssyncset.done $0x0  }
0x51: {  	[sflag:s13] =	ssyncadd.s32 $0xFFFFC000  }
0x52: {  	_ =	swait.ge [sflag:s17], $0x4000  }
0x53: {  	[sflag:s17] =	ssyncset.done $0x0  }
0x54: {  	[sflag:s17] =	ssyncadd.s32 $0xFFFFC000  }
0x55: {  	[tilespmem:s18], [sflag:$0x2] =	stream.indirect.gather [hbm4b:s1+s15], $0x80, s26, s15, $0xb8;
	[tilespmem:$0x1C800] =	vst v63  }
0x56: {  	_ = 	snop  }
0x57: {  	[spmem:s2] =	stream.indirect.scatter.add.f32 [tilespmem:s16], [sflag:$0x3], $0x80, s28, s15, $0xb8;
	[tilespmem:$0x1C800] =	vst v63  }
0x58: {  	_ =	swait.ge [sflag:s13], $0x4000  }
0x59: {  	[sflag:s13] =	ssyncset.done $0x0  }
0x5a: {  	[sflag:s13] =	ssyncadd.s32 $0xFFFFC000  }
0x5b: {  	_ =	swait.ge [sflag:s19], $0x4000  }
0x5c: {  	[sflag:s19] =	ssyncset.done $0x0  }
0x5d: {  	[sflag:s19] =	ssyncadd.s32 $0xFFFFC000  }
0x5e: {  	[tilespmem:s16], [sflag:$0x1] =	stream.indirect.gather [hbm4b:s1+s15], $0x80, s29, s15, $0xb8;
	[tilespmem:$0x1C800] =	vst v63  }
0x5f: {  	_ = 	snop  }
0x60: {  	[spmem:s2] =	stream.indirect.scatter.add.f32 [tilespmem:s18], [sflag:$0x3], $0x80, s30, s15, $0xb8;
	[tilespmem:$0x1C800] =	vst v63  }
0x61: {  	_ =	swait.ge [sflag:s13], $0x4000  }
0x62: {  	[sflag:s13] =	ssyncset.done $0x0  }
0x63: {  	[sflag:s13] =	ssyncadd.s32 $0xFFFFC000  }
0x64: {  	_ =	swait.ge [sflag:s17], $0x4000  }
0x65: {  	[sflag:s17] =	ssyncset.done $0x0  }
0x66: {  	[sflag:s17] =	ssyncadd.s32 $0xFFFFC000  }
0x67: {  	[tilespmem:s18], [sflag:$0x2] =	stream.indirect.gather [hbm4b:s1+s15], $0x80, s31, s15, $0xb8;
	[tilespmem:$0x1C800] =	vst v63  }
0x68: {  	_ = 	snop  }
0x69: {  	[spmem:s2] =	stream.indirect.scatter.add.f32 [tilespmem:s16], [sflag:$0x3], $0x80, s0, s15, $0xb8;
	[tilespmem:$0x1C800] =	vst v63  }
0x6a: {  	_ =	swait.ge [sflag:s13], $0x4000  }
0x6b: {  	[sflag:s13] =	ssyncset.done $0x0  }
0x6c: {  	[sflag:s13] =	ssyncadd.s32 $0xFFFFC000  }
0x6d: {  	_ =	swait.ge [sflag:s19], $0x4000  }
0x6e: {  	[sflag:s19] =	ssyncset.done $0x0  }
0x6f: {  	[sflag:s19] =	ssyncadd.s32 $0xFFFFC000  }
0x70: {  	[tilespmem:s16], [sflag:$0x1] =	stream.indirect.gather [hbm4b:s1+s15], $0x80, s31, s15, $0xb8;
	[tilespmem:$0x1C800] =	vst v63  }
0x71: {  	p1 =	sne.s32 s10, $0x1  }
0x72: {  	[spmem:s2] =	stream.indirect.scatter.add.f32 [tilespmem:s18], [sflag:$0x3], $0x80, s3, s15, $0xb8;
	[tilespmem:$0x1C800] =	vst v63  }
.Ltmp1:
0x73: {  	_ =	swait.ge [sflag:s13], $0x4000;
	(pc) =	sbr.rel @!p1 .LBB2_4-.Ltmp1, $4  }
0x74: {  	[sflag:s13] =	ssyncset.done $0x0  }
0x75: {  	[sflag:s13] =	ssyncadd.s32 $0xFFFFC000  }
0x76: {  	s10 =	sadd.s32 $0xFFFFFFFF, s10;
	p0 =	por $0x1, $0x1;
	_ =	swait.ge [sflag:s17], $0x4000  }
0x77: {  	s11 =	smov.u32 s9;
	s7 =	rddreg [dreg:$0x4];
	[sflag:s17] =	ssyncset.done $0x0  }
.LBB2_5:
0x78: {  	s11 =	sadd.s32 $0x80, s11  }
0x79: {  	s8 =	sand.u32 $0x1FFFFF80, s11  }
0x7a: {  	[sflag:s17] =	ssyncadd.s32 $0xFFFFC000;
	s7 =	sadd.s32 s7, s8  }
0x7b: {  	[tilespmem:s4], [sflag:$0x3] =	stream.linear.gather [hbm4b:s7+s4], $0x400, $0x38;
	[tilespmem:$0x1C800] =	vst v63  }
0x7c: {  	_ =	swait.ge [sflag:s13], $0x400  }
0x7d: {  	[sflag:s13] =	ssyncset.done $0x0  }
0x7e: {  	s8 =	sadd.s32 s5, s8;
	[sflag:s13] =	ssyncadd.s32 $0xFFFFFC00  }
0x7f: {  	[tilespmem:s14], [sflag:$0x3] =	stream.linear.gather [hbm4b:s8+s4], $0x400, $0x38;
	[tilespmem:$0x1C800] =	vst v63  }
0x80: {  	_ =	swait.ge [sflag:s13], $0x400  }
0x81: {  	[sflag:s13] =	ssyncset.done $0x0  }
0x82: {  	[sflag:s13] =	ssyncadd.s32 $0xFFFFFC00  }
0x83: {  	[tilespmem:s16], [sflag:$0x1] =	stream.indirect.gather [hbm4b:s1+s15], $0x80, s4, s15, $0xb8;
	[tilespmem:$0x1C800] =	vst v63  }
0x84: {  	_ =	swait.ge [sflag:s17], $0x4000  }
0x85: {  	[sflag:s17] =	ssyncset.done $0x0  }
0x86: {  	[sflag:s17] =	ssyncadd.s32 $0xFFFFC000  }
0x87: {  	[tilespmem:s18], [sflag:$0x2] =	stream.indirect.gather [hbm4b:s1+s15], $0x80, s15, s15, $0xb8;
	[tilespmem:$0x1C800] =	vst v63  }
0x88: {  	_ = 	snop  }
0x89: {  	[spmem:s2] =	stream.indirect.scatter.add.f32 [tilespmem:s16], [sflag:$0x3], $0x80, s14, s15, $0xb8;
	[tilespmem:$0x1C800] =	vst v63  }
0x8a: {  	_ =	swait.ge [sflag:s13], $0x4000  }
0x8b: {  	[sflag:s13] =	ssyncset.done $0x0  }
0x8c: {  	[sflag:s13] =	ssyncadd.s32 $0xFFFFC000  }
0x8d: {  	_ =	swait.ge [sflag:s19], $0x4000  }
0x8e: {  	[sflag:s19] =	ssyncset.done $0x0  }
0x8f: {  	[sflag:s19] =	ssyncadd.s32 $0xFFFFC000  }
0x90: {  	[tilespmem:s16], [sflag:$0x1] =	stream.indirect.gather [hbm4b:s1+s15], $0x80, s20, s15, $0xb8;
	[tilespmem:$0x1C800] =	vst v63  }
0x91: {  	_ = 	snop  }
0x92: {  	[spmem:s2] =	stream.indirect.scatter.add.f32 [tilespmem:s18], [sflag:$0x3], $0x80, s21, s15, $0xb8;
	[tilespmem:$0x1C800] =	vst v63  }
0x93: {  	_ =	swait.ge [sflag:s13], $0x4000  }
0x94: {  	[sflag:s13] =	ssyncset.done $0x0  }
0x95: {  	[sflag:s13] =	ssyncadd.s32 $0xFFFFC000  }
0x96: {  	_ =	swait.ge [sflag:s17], $0x4000  }
0x97: {  	[sflag:s17] =	ssyncset.done $0x0  }
0x98: {  	[sflag:s17] =	ssyncadd.s32 $0xFFFFC000  }
0x99: {  	[tilespmem:s18], [sflag:$0x2] =	stream.indirect.gather [hbm4b:s1+s15], $0x80, s22, s15, $0xb8;
	[tilespmem:$0x1C800] =	vst v63  }
0x9a: {  	_ = 	snop  }
0x9b: {  	[spmem:s2] =	stream.indirect.scatter.add.f32 [tilespmem:s16], [sflag:$0x3], $0x80, s23, s15, $0xb8;
	[tilespmem:$0x1C800] =	vst v63  }
0x9c: {  	_ =	swait.ge [sflag:s13], $0x4000  }
0x9d: {  	[sflag:s13] =	ssyncset.done $0x0  }
0x9e: {  	[sflag:s13] =	ssyncadd.s32 $0xFFFFC000  }
0x9f: {  	_ =	swait.ge [sflag:s19], $0x4000  }
0xa0: {  	[sflag:s19] =	ssyncset.done $0x0  }
0xa1: {  	[sflag:s19] =	ssyncadd.s32 $0xFFFFC000  }
0xa2: {  	[tilespmem:s16], [sflag:$0x1] =	stream.indirect.gather [hbm4b:s1+s15], $0x80, s24, s15, $0xb8;
	[tilespmem:$0x1C800] =	vst v63  }
0xa3: {  	_ = 	snop  }
0xa4: {  	[spmem:s2] =	stream.indirect.scatter.add.f32 [tilespmem:s18], [sflag:$0x3], $0x80, s25, s15, $0xb8;
	[tilespmem:$0x1C800] =	vst v63  }
0xa5: {  	_ =	swait.ge [sflag:s13], $0x4000  }
0xa6: {  	[sflag:s13] =	ssyncset.done $0x0  }
0xa7: {  	[sflag:s13] =	ssyncadd.s32 $0xFFFFC000  }
0xa8: {  	_ =	swait.ge [sflag:s17], $0x4000  }
0xa9: {  	[sflag:s17] =	ssyncset.done $0x0  }
0xaa: {  	[sflag:s17] =	ssyncadd.s32 $0xFFFFC000  }
0xab: {  	[tilespmem:s18], [sflag:$0x2] =	stream.indirect.gather [hbm4b:s1+s15], $0x80, s26, s15, $0xb8;
	[tilespmem:$0x1C800] =	vst v63  }
0xac: {  	_ = 	snop  }
0xad: {  	[spmem:s2] =	stream.indirect.scatter.add.f32 [tilespmem:s16], [sflag:$0x3], $0x80, s28, s15, $0xb8;
	[tilespmem:$0x1C800] =	vst v63  }
0xae: {  	_ =	swait.ge [sflag:s13], $0x4000  }
0xaf: {  	[sflag:s13] =	ssyncset.done $0x0  }
0xb0: {  	[sflag:s13] =	ssyncadd.s32 $0xFFFFC000  }
0xb1: {  	_ =	swait.ge [sflag:s19], $0x4000  }
0xb2: {  	[sflag:s19] =	ssyncset.done $0x0  }
0xb3: {  	[sflag:s19] =	ssyncadd.s32 $0xFFFFC000  }
0xb4: {  	[tilespmem:s16], [sflag:$0x1] =	stream.indirect.gather [hbm4b:s1+s15], $0x80, s29, s15, $0xb8;
	[tilespmem:$0x1C800] =	vst v63  }
0xb5: {  	_ = 	snop  }
0xb6: {  	[spmem:s2] =	stream.indirect.scatter.add.f32 [tilespmem:s18], [sflag:$0x3], $0x80, s30, s15, $0xb8;
	[tilespmem:$0x1C800] =	vst v63  }
0xb7: {  	_ =	swait.ge [sflag:s13], $0x4000  }
0xb8: {  	[sflag:s13] =	ssyncset.done $0x0  }
0xb9: {  	[sflag:s13] =	ssyncadd.s32 $0xFFFFC000  }
0xba: {  	_ =	swait.ge [sflag:s17], $0x4000  }
0xbb: {  	[sflag:s17] =	ssyncset.done $0x0  }
0xbc: {  	[sflag:s17] =	ssyncadd.s32 $0xFFFFC000  }
0xbd: {  	[tilespmem:s18], [sflag:$0x2] =	stream.indirect.gather [hbm4b:s1+s15], $0x80, s31, s15, $0xb8;
	[tilespmem:$0x1C800] =	vst v63  }
0xbe: {  	_ = 	snop  }
0xbf: {  	[spmem:s2] =	stream.indirect.scatter.add.f32 [tilespmem:s16], [sflag:$0x3], $0x80, s0, s15, $0xb8;
	[tilespmem:$0x1C800] =	vst v63  }
0xc0: {  	_ =	swait.ge [sflag:s13], $0x4000  }
0xc1: {  	[sflag:s13] =	ssyncset.done $0x0  }
0xc2: {  	[sflag:s13] =	ssyncadd.s32 $0xFFFFC000  }
0xc3: {  	_ =	swait.ge [sflag:s19], $0x4000  }
0xc4: {  	[sflag:s19] =	ssyncset.done $0x0  }
0xc5: {  	[sflag:s19] =	ssyncadd.s32 $0xFFFFC000  }
0xc6: {  	[tilespmem:s16], [sflag:$0x1] =	stream.indirect.gather [hbm4b:s1+s15], $0x80, s31, s15, $0xb8;
	[tilespmem:$0x1C800] =	vst v63  }
0xc7: {  	p1 =	sne.s32 s10, $0x1  }
0xc8: {  	[spmem:s2] =	stream.indirect.scatter.add.f32 [tilespmem:s18], [sflag:$0x3], $0x80, s3, s15, $0xb8;
	[tilespmem:$0x1C800] =	vst v63  }
.Ltmp2:
0xc9: {  	_ =	swait.ge [sflag:s13], $0x4000;
	(pc) =	sbr.rel @p1 .LBB2_5-.Ltmp2, $4  }
0xca: {  	[sflag:s13] =	ssyncset.done $0x0  }
0xcb: {  	[sflag:s13] =	ssyncadd.s32 $0xFFFFC000  }
0xcc: {  	_ =	swait.ge [sflag:s17], $0x4000  }
0xcd: {  	s10 =	sadd.s32 $0xFFFFFFFF, s10;
	s7 =	rddreg [dreg:$0x4];
	[sflag:s17] =	ssyncset.done $0x0  }
.LBB2_6:
0xce: {  	s8 =	sadd.s32 @p0 $0x80, s11;
	s10 =	smov.u32 s9  }
0xcf: {  	s10 =	smov.u32 @p0 s8  }
0xd0: {  	s8 =	sand.u32 $0x1FFFFF80, s10  }
0xd1: {  	[sflag:s17] =	ssyncadd.s32 @p0 $0xFFFFC000;
	s7 =	sadd.s32 s7, s8  }
0xd2: {  	[tilespmem:s4], [sflag:$0x3] =	stream.linear.gather [hbm4b:s7+s4], $0x400, $0x38;
	[tilespmem:$0x1C800] =	vst v63  }
0xd3: {  	_ =	swait.ge [sflag:s13], $0x400  }
0xd4: {  	[sflag:s13] =	ssyncset.done $0x0  }
0xd5: {  	s10 =	sadd.s32 s5, s8;
	[sflag:s13] =	ssyncadd.s32 $0xFFFFFC00  }
0xd6: {  	[tilespmem:s14], [sflag:$0x3] =	stream.linear.gather [hbm4b:s10+s4], $0x400, $0x38;
	[tilespmem:$0x1C800] =	vst v63  }
0xd7: {  	_ =	swait.ge [sflag:s13], $0x400  }
0xd8: {  	[sflag:s13] =	ssyncset.done $0x0  }
0xd9: {  	[sflag:s13] =	ssyncadd.s32 $0xFFFFFC00  }
0xda: {  	[tilespmem:s16], [sflag:$0x1] =	stream.indirect.gather [hbm4b:s1+s15], $0x80, s4, s15, $0xb8;
	[tilespmem:$0x1C800] =	vst v63  }
0xdb: {  	_ =	swait.ge [sflag:s17], $0x4000  }
0xdc: {  	[sflag:s17] =	ssyncset.done $0x0  }
0xdd: {  	[sflag:s17] =	ssyncadd.s32 $0xFFFFC000  }
0xde: {  	[tilespmem:s18], [sflag:$0x2] =	stream.indirect.gather [hbm4b:s1+s15], $0x80, s15, s15, $0xb8;
	[tilespmem:$0x1C800] =	vst v63  }
0xdf: {  	_ = 	snop  }
0xe0: {  	[spmem:s2] =	stream.indirect.scatter.add.f32 [tilespmem:s16], [sflag:$0x3], $0x80, s14, s15, $0xb8;
	[tilespmem:$0x1C800] =	vst v63  }
0xe1: {  	_ =	swait.ge [sflag:s13], $0x4000  }
0xe2: {  	[sflag:s13] =	ssyncset.done $0x0  }
0xe3: {  	[sflag:s13] =	ssyncadd.s32 $0xFFFFC000  }
0xe4: {  	_ =	swait.ge [sflag:s19], $0x4000  }
0xe5: {  	[sflag:s19] =	ssyncset.done $0x0  }
0xe6: {  	[sflag:s19] =	ssyncadd.s32 $0xFFFFC000  }
0xe7: {  	[tilespmem:s16], [sflag:$0x1] =	stream.indirect.gather [hbm4b:s1+s15], $0x80, s20, s15, $0xb8;
	[tilespmem:$0x1C800] =	vst v63  }
0xe8: {  	_ = 	snop  }
0xe9: {  	[spmem:s2] =	stream.indirect.scatter.add.f32 [tilespmem:s18], [sflag:$0x3], $0x80, s21, s15, $0xb8;
	[tilespmem:$0x1C800] =	vst v63  }
0xea: {  	_ =	swait.ge [sflag:s13], $0x4000  }
0xeb: {  	[sflag:s13] =	ssyncset.done $0x0  }
0xec: {  	[sflag:s13] =	ssyncadd.s32 $0xFFFFC000  }
0xed: {  	_ =	swait.ge [sflag:s17], $0x4000  }
0xee: {  	[sflag:s17] =	ssyncset.done $0x0  }
0xef: {  	[sflag:s17] =	ssyncadd.s32 $0xFFFFC000  }
0xf0: {  	[tilespmem:s18], [sflag:$0x2] =	stream.indirect.gather [hbm4b:s1+s15], $0x80, s22, s15, $0xb8;
	[tilespmem:$0x1C800] =	vst v63  }
0xf1: {  	_ = 	snop  }
0xf2: {  	[spmem:s2] =	stream.indirect.scatter.add.f32 [tilespmem:s16], [sflag:$0x3], $0x80, s23, s15, $0xb8;
	[tilespmem:$0x1C800] =	vst v63  }
0xf3: {  	_ =	swait.ge [sflag:s13], $0x4000  }
0xf4: {  	[sflag:s13] =	ssyncset.done $0x0  }
0xf5: {  	[sflag:s13] =	ssyncadd.s32 $0xFFFFC000  }
0xf6: {  	_ =	swait.ge [sflag:s19], $0x4000  }
0xf7: {  	[sflag:s19] =	ssyncset.done $0x0  }
0xf8: {  	[sflag:s19] =	ssyncadd.s32 $0xFFFFC000  }
0xf9: {  	[tilespmem:s16], [sflag:$0x1] =	stream.indirect.gather [hbm4b:s1+s15], $0x80, s24, s15, $0xb8;
	[tilespmem:$0x1C800] =	vst v63  }
0xfa: {  	_ = 	snop  }
0xfb: {  	[spmem:s2] =	stream.indirect.scatter.add.f32 [tilespmem:s18], [sflag:$0x3], $0x80, s25, s15, $0xb8;
	[tilespmem:$0x1C800] =	vst v63  }
0xfc: {  	_ =	swait.ge [sflag:s13], $0x4000  }
0xfd: {  	[sflag:s13] =	ssyncset.done $0x0  }
0xfe: {  	[sflag:s13] =	ssyncadd.s32 $0xFFFFC000  }
0xff: {  	_ =	swait.ge [sflag:s17], $0x4000  }
0x100: {  	[sflag:s17] =	ssyncset.done $0x0  }
0x101: {  	[sflag:s17] =	ssyncadd.s32 $0xFFFFC000  }
0x102: {  	[tilespmem:s18], [sflag:$0x2] =	stream.indirect.gather [hbm4b:s1+s15], $0x80, s26, s15, $0xb8;
	[tilespmem:$0x1C800] =	vst v63  }
0x103: {  	_ = 	snop  }
0x104: {  	[spmem:s2] =	stream.indirect.scatter.add.f32 [tilespmem:s16], [sflag:$0x3], $0x80, s28, s15, $0xb8;
	[tilespmem:$0x1C800] =	vst v63  }
0x105: {  	_ =	swait.ge [sflag:s13], $0x4000  }
0x106: {  	[sflag:s13] =	ssyncset.done $0x0  }
0x107: {  	[sflag:s13] =	ssyncadd.s32 $0xFFFFC000  }
0x108: {  	_ =	swait.ge [sflag:s19], $0x4000  }
0x109: {  	[sflag:s19] =	ssyncset.done $0x0  }
0x10a: {  	[sflag:s19] =	ssyncadd.s32 $0xFFFFC000  }
0x10b: {  	[tilespmem:s16], [sflag:$0x1] =	stream.indirect.gather [hbm4b:s1+s15], $0x80, s29, s15, $0xb8;
	[tilespmem:$0x1C800] =	vst v63  }
0x10c: {  	_ = 	snop  }
0x10d: {  	[spmem:s2] =	stream.indirect.scatter.add.f32 [tilespmem:s18], [sflag:$0x3], $0x80, s30, s15, $0xb8;
	[tilespmem:$0x1C800] =	vst v63  }
0x10e: {  	_ =	swait.ge [sflag:s13], $0x4000  }
0x10f: {  	[sflag:s13] =	ssyncset.done $0x0  }
0x110: {  	[sflag:s13] =	ssyncadd.s32 $0xFFFFC000  }
0x111: {  	_ =	swait.ge [sflag:s17], $0x4000  }
0x112: {  	[sflag:s17] =	ssyncset.done $0x0  }
0x113: {  	[sflag:s17] =	ssyncadd.s32 $0xFFFFC000  }
0x114: {  	[tilespmem:s18], [sflag:$0x2] =	stream.indirect.gather [hbm4b:s1+s15], $0x80, s31, s15, $0xb8;
	[tilespmem:$0x1C800] =	vst v63  }
0x115: {  	_ = 	snop  }
0x116: {  	[spmem:s2] =	stream.indirect.scatter.add.f32 [tilespmem:s16], [sflag:$0x3], $0x80, s0, s15, $0xb8;
	[tilespmem:$0x1C800] =	vst v63  }
0x117: {  	_ =	swait.ge [sflag:s13], $0x4000  }
0x118: {  	[sflag:s13] =	ssyncset.done $0x0  }
0x119: {  	[sflag:s13] =	ssyncadd.s32 $0xFFFFC000  }
0x11a: {  	_ =	swait.ge [sflag:s19], $0x4000  }
0x11b: {  	[sflag:s19] =	ssyncset.done $0x0  }
0x11c: {  	[sflag:s19] =	ssyncadd.s32 $0xFFFFC000  }
0x11d: {  	[tilespmem:s16], [sflag:$0x1] =	stream.indirect.gather [hbm4b:s1+s15], $0x80, s31, s15, $0xb8;
	[tilespmem:$0x1C800] =	vst v63  }
0x11e: {  	_ = 	snop  }
0x11f: {  	[spmem:s2] =	stream.indirect.scatter.add.f32 [tilespmem:s18], [sflag:$0x3], $0x80, s3, s15, $0xb8;
	[tilespmem:$0x1C800] =	vst v63  }
0x120: {  	_ =	swait.ge [sflag:s13], $0x4000  }
0x121: {  	[sflag:s13] =	ssyncset.done $0x0  }
0x122: {  	[sflag:s13] =	ssyncadd.s32 $0xFFFFC000  }
0x123: {  	_ =	swait.ge [sflag:s17], $0x4000  }
0x124: {  	[sflag:s17] =	ssyncset.done $0x0  }
0x125: {  	[sflag:s17] =	ssyncadd.s32 $0xFFFFC000  }
0x126: {  	[bflag:$0x0] =	sbarrier.arrive $0xFFFF  }
0x127: {  	s11 =	rddreg [dreg:$0x7]  }
0x128: {  	s10 =	rddreg [dreg:$0x9]  }
0x129: {  	[hbm:s11], [sflag:s12] =	dma.local [spmem:s10], $0x2800  }
0x12a: {  	_ =	swait.ge [sflag:s13], $0x2800  }
0x12b: {  	s6 =	sadd.s32 $0x1, s6;
	s8 =	smov.u32 s12;
	s12 =	rddreg [dreg:$0x8]  }
0x12c: {  	p0 =	sne.s32 s6, s12  }
.Ltmp3:
0x12d: {  	_ = 	snop;
	(pc) =	sbr.rel @p0 .LBB2_1-.Ltmp3, $4  }
.Ltmp4:
0x12e: {  	_ = 	snop;
	(pc) =	sbr.rel @!p0 .LBB2_7-.Ltmp4, $4  }
0x12f: {  	_ = 	snop  }
0x130: {  	[sflag:s13] =	ssyncset.done $0x0  }
0x131: {  	[sflag:s13] =	ssyncadd.s32 $0xFFFFD800  }
0x132: {  	_ = 	snop  }
.LBB2_2:
.Ltmp5:
0x133: {  	(pc) =	sbr.rel .LBB2_6-.Ltmp5, $2  }
0x134: {  	_ =	sdelay $0x2  }
0x135: {  	s11 =	smov.u32 s9  }
.LBB2_4:
.Ltmp6:
0x136: {  	(pc) =	sbr.rel .LBB2_6-.Ltmp6, $2  }
0x137: {  	_ =	sdelay $0x2  }
0x138: {  	s11 =	smov.u32 s9  }
.LBB2_7:
0x139: {  	_ =	sfence.sel $0x180000  }
0x13a: {  	[bflag:$0x0] =	sbarrier.arrive $0xFFFF  }
0x13b: {  	_ =	strace $0x90000050  }
0x13c: {  	s0 =	stileid.u32;
	[bflag:$0x2] =	sbarrier.arrive $0xFFFF  }
0x13d: {  	p0 =	sne.s32 s0, $0x0;
	s0 =	rddreg [dreg:$0x3]  }
0x13e: {  	s0 =	sadd.s32 @!p0 $0x100000, s0  }
0x13f: {  	[sflag:s0] =	ssyncadd.tile.s32 @!p0 $0x1;
	_ =	shalt  }
.Lfunc_end2:
_tile_overlayer_lowered:
.L_overlay_start_2:
0x140: {  	(tag) =	ssettag $0x2  }
0x141: {  	s0 =	rddreg [dreg:$0x0];
	s2 =	stileid.u32  }
0x142: {  	s1 =	rddreg [dreg:$0x1];
	p0 =	sne.s32 s2, $0x0  }
0x143: {  	s3 =	rddreg [dreg:$0x2];
	[bflag:$0x3] =	sbarrier.arrive $0xFFFF;
	s2 =	simm.s32 @!p0 $0x1C03  }
0x144: {  	[timem:s3], [sflag:s2] =	dma.local @!p0 [hbm:s0], s1  }
0x145: {  	s0 =	simm.s32 @!p0 $0x3  }
0x146: {  	_ =	swait.ge @!p0 [sflag:s0], s1  }
0x147: {  	s1 =	ssub.s32 @!p0 $0x0, s1;
	[sflag:s0] =	ssyncset.done @!p0 $0x0  }
0x148: {  	[sflag:s0] =	ssyncadd.s32 @!p0 s1  }
0x149: {  	[bflag:$0x3] =	sbarrier.arrive $0xFFFF  }
0x14a: {  	_ =	shalt  }

// kernel: kernel.9.cloned.1.call-start
scs
__scs_entry_jumppad:
0x0: {  	(pc) =	sbr.rel $0x88, $3  }
0x1: {  	(tag) =	ssettag $0x0;
	lr =	simm.s32 $0x1  }
0x2: {  	[smem:$0x3F90] =	sst lr;
	_ =	strace $0xD0000000  }
0x3: {  	_ = 	snop  }
0x4: {  	_ = 	snop  }
0x5: {  	_ = 	snop  }
0x6: {  	_ = 	snop  }
0x7: {  	_ = 	snop  }
__scs_overlays_trampoline_lowered:
0x8: {  	[smem:$0x3F9F] =	sst s0  }
0x9: {  	[smem:$0x3FA0] =	sst s1  }
0xa: {  	[smem:$0x3FA1] =	sst s2  }
0xb: {  	[smem:$0x3FA2] =	sst s3  }
0xc: {  	[smem:$0x3FA3] =	sst s4  }
0xd: {  	[smem:$0x3FA4] =	sst s5  }
0xe: {  	[smem:$0x3FA5] =	sst s6  }
0xf: {  	[smem:$0x3FA6] =	sst s7  }
0x10: {  	[smem:$0x3FA7] =	sst s8  }
0x11: {  	[smem:$0x3FA8] =	sst s9;
	s0 =	simm.s32 @!p0 $0x0  }
0x12: {  	s1 =	sld [smem:$0x3F8E];
	s0 =	simm.s32 @p0 $0x1  }
0x13: {  	[smem:$0x3FA9] =	sst s0;
	s0 =	simm.s32 @!p1 $0x0  }
0x14: {  	s2 =	sld [smem:$0x3F8D];
	s0 =	simm.s32 @p1 $0x1  }
0x15: {  	[smem:$0x3FAA] =	sst s0;
	s0 =	simm.s32 @!p2 $0x0  }
0x16: {  	s3 =	sld [smem:$0x3FDB];
	s0 =	simm.s32 @p2 $0x1  }
0x17: {  	s4 =	simm.s32 $0x1BF5;
	[smem:$0x3FAC] =	sst s0  }
0x18: {  	s0 =	sld [smem:$0x3F8F];
	_ =	swait.ge [sflag:s4], $0x0  }
0x19: {  	s7 =	sld [smem:$0x3F90]  }
0x1a: {  	s8 =	sadd.s32 $0xFFFFE003, lr  }
0x1b: {  	s9 =	sadd.s32 $0xFFFFFEF7, lr;
	s5 =	simm.s32 $0xFFFFFFFF;
	p2 =	slt.u32 s8, $0xFFFFF086  }
0x1c: {  	p1 =	slt.u32 s9, $0xF7A;
	s5 =	simm.s32 @!p2 $0x0  }
0x1d: {  	s5 =	simm.s32 @p1 $0x1;
	p0 =	seq.s32 s7, s2  }
0x1e: {  	s7 =	smul.u32 @!p0 $0xF7A, s2;
	p2 =	seq.s32 @!p0 s5, $0x0  }
0x1f: {  	s9 =	smul.u32 $0xF7A, s1;
	s8 =	simm.s32 @!p0 $0x1BF5;
	p2 =	por !p2, p0  }
0x20: {  	[sflag:s8] =	ssyncset.s32 @!p0 $0xFFFFF086;
	s6 =	sadd.s32 @!p0 s3, s7;
	s7 =	simm.s32 @!p0 $0x108  }
0x21: {  	s3 =	sadd.s32 s3, s9;
	s6 =	sadd.s32 @!p0 $0x88, s6;
	s7 =	simm.s32 @p2 $0x1082  }
0x22: {  	[simem:s7], [sflag:s8] =	dma.local @!p0 [hbm:s6], $0xF7A  }
0x23: {  	s9 =	sor.u32 $0xD0000000, s2;
	s6 =	simm.s32 $0x108;
	_ =	swait.ge @!p0 [sflag:s8], $0x0  }
0x24: {  	s3 =	sadd.s32 $0x88, s3;
	s6 =	simm.s32 @!p1 $0x1082;
	[sflag:s4] =	ssyncset.s32 $0xFFFFF086  }
0x25: {  	[simem:s6], [sflag:s4] =	dma.local [hbm:s3], $0xF7A  }
0x26: {  	[smem:$0x3F90] =	sst s1;
	(tag) =	ssettag s2;
	_ =	strace s9  }
0x27: {  	s1 =	sld [smem:$0x3FA0]  }
0x28: {  	s2 =	sld [smem:$0x3FA1]  }
0x29: {  	s4 =	sld [smem:$0x3FA3]  }
0x2a: {  	p0 =	seq.s32 s5, $0x0;
	s5 =	sld [smem:$0x3FA4]  }
0x2b: {  	s6 =	sld [smem:$0x3FA5]  }
0x2c: {  	s7 =	sld [smem:$0x3FA6]  }
0x2d: {  	s3 =	simm.s32 $0x108;
	s8 =	sld [smem:$0x3FA7]  }
0x2e: {  	s3 =	simm.s32 @!p0 $0x1082;
	s9 =	sld [smem:$0x3FA8]  }
0x2f: {  	lr =	sadd.s32 s0, s3;
	s0 =	sld [smem:$0x3F9F]  }
0x30: {  	s3 =	sld [smem:$0x3FA2]  }
0x31: {  	[smem:$0x3FAB] =	sst s10  }
0x32: {  	s10 =	sld [smem:$0x3FA9];
	_ =	sdelay $0x3  }
0x33: {  	p0 =	seq.s32 s10, $0x1;
	s10 =	sld [smem:$0x3FAB];
	_ =	sdelay $0x3  }
0x34: {  	[smem:$0x3FAB] =	sst s10  }
0x35: {  	s10 =	sld [smem:$0x3FAA];
	_ =	sdelay $0x3  }
0x36: {  	p1 =	seq.s32 s10, $0x1;
	s10 =	sld [smem:$0x3FAB];
	_ =	sdelay $0x3  }
0x37: {  	[smem:$0x3FAB] =	sst s10  }
0x38: {  	s10 =	sld [smem:$0x3FAC]  }
0x39: {  	_ = 	snop;
	(pc) =	sbr.ind lr, $3  }
0x3a: {  	_ = 	snop  }
0x3b: {  	_ = 	snop  }
0x3c: {  	p2 =	seq.s32 s10, $0x1;
	s10 =	sld [smem:$0x3FAB]  }
0x3d: {  	_ =	shalt  }
0x3e: {  	_ =	shalt  }
0x3f: {  	_ =	shalt  }
0x40: {  	_ =	shalt  }
0x41: {  	_ =	shalt  }
0x42: {  	_ =	shalt  }
0x43: {  	_ =	shalt  }
0x44: {  	_ =	shalt  }
0x45: {  	_ =	shalt  }
0x46: {  	_ =	shalt  }
0x47: {  	_ =	shalt  }
0x48: {  	_ =	shalt  }
0x49: {  	_ =	shalt  }
0x4a: {  	_ =	shalt  }
0x4b: {  	_ =	shalt  }
0x4c: {  	_ =	shalt  }
0x4d: {  	_ =	shalt  }
0x4e: {  	_ =	shalt  }
0x4f: {  	_ =	shalt  }
0x50: {  	_ =	shalt  }
0x51: {  	_ =	shalt  }
0x52: {  	_ =	shalt  }
0x53: {  	_ =	shalt  }
0x54: {  	_ =	shalt  }
0x55: {  	_ =	shalt  }
0x56: {  	_ =	shalt  }
0x57: {  	_ =	shalt  }
0x58: {  	_ =	shalt  }
0x59: {  	_ =	shalt  }
0x5a: {  	_ =	shalt  }
0x5b: {  	_ =	shalt  }
0x5c: {  	_ =	shalt  }
0x5d: {  	_ =	shalt  }
0x5e: {  	_ =	shalt  }
0x5f: {  	_ =	shalt  }
0x60: {  	_ =	shalt  }
0x61: {  	_ =	shalt  }
0x62: {  	_ =	shalt  }
0x63: {  	_ =	shalt  }
0x64: {  	_ =	shalt  }
0x65: {  	_ =	shalt  }
0x66: {  	_ =	shalt  }
0x67: {  	_ =	shalt  }
0x68: {  	_ =	shalt  }
0x69: {  	_ =	shalt  }
0x6a: {  	_ =	shalt  }
0x6b: {  	_ =	shalt  }
0x6c: {  	_ =	shalt  }
0x6d: {  	_ =	shalt  }
0x6e: {  	_ =	shalt  }
0x6f: {  	_ =	shalt  }
0x70: {  	_ =	shalt  }
0x71: {  	_ =	shalt  }
0x72: {  	_ =	shalt  }
0x73: {  	_ =	shalt  }
0x74: {  	_ =	shalt  }
0x75: {  	_ =	shalt  }
0x76: {  	_ =	shalt  }
0x77: {  	_ =	shalt  }
0x78: {  	_ =	shalt  }
0x79: {  	_ =	shalt  }
0x7a: {  	_ =	shalt  }
0x7b: {  	_ =	shalt  }
0x7c: {  	_ =	shalt  }
0x7d: {  	_ =	shalt  }
0x7e: {  	_ =	shalt  }
0x7f: {  	_ =	shalt  }
0x80: {  	_ =	shalt  }
0x81: {  	_ =	shalt  }
0x82: {  	_ =	shalt  }
0x83: {  	_ =	shalt  }
0x84: {  	_ =	shalt  }
0x85: {  	_ =	shalt  }
0x86: {  	_ =	shalt  }
0x87: {  	_ =	shalt  }
.Lfunc_end0:
.L_simem_size_0:
called_computation_lowered:
.L_overlay_start_0:
0x88: {  	s2 =	sld [smem:$0x3FD9]  }
0x89: {  	s3 =	sld [smem:$0x3FFE];
	_ =	sdelay $0x1  }
0x8a: {  	s1 =	srdreg.scid  }
0x8b: {  	s0 =	sand.u32 $0x1, s1  }
0x8c: {  	s17 =	sshll.u32 s0, $0xA;
	s2 =	sadd.s32 s3, s2  }
0x8d: {  	s2 =	sadd.s32 s2, s17  }
0x8e: {  	[smem:$0x3FB7] =	sst s2  }
0x8f: {  	_ = 	snop  }
0x90: {  	s2 =	sld [smem:$0x3FD0];
	(tm) =	ssettm $0x1  }
0x91: {  	s18 =	sld [smem:$0x3FFB];
	_ =	sdelay $0x3  }
0x92: {  	_ =	strace s18  }
0x93: {  	s3 =	sld [smem:$0x3FFC];
	_ =	sdelay $0x3  }
0x94: {  	_ =	strace s3  }
0x95: {  	s3 =	sld [smem:$0x3FFD];
	_ =	sdelay $0x3  }
0x96: {  	_ =	strace s3  }
0x97: {  	_ =	strace $0x8FFFFFFF  }
0x98: {  	s19 =	sld [smem:$0x3FDB];
	_ =	sdelay $0x1  }
0x99: {  	s4 =	simm.s32 $_scs_section_size  }
0x9a: {  	s5 =	simm.s32 $_size__tile_overlayer_lowered;
	s6 =	simm.s32 $_tile_overlayer_lowered  }
0x9b: {  	s22 =	simm.s32 $0x1BFF;
	s21 =	sshll.u32 s6, $0x1;
	s3 =	sadd.s32 s4, s19  }
0x9c: {  	s7 =	simm.s32 $0x0;
	s20 =	sshll.u32 s5, $0x1;
	s5 =	sadd.s32 s21, s3  }
0x9d: {  	[timem:s7], [sflag:s22] =	dma.local [hbm:s5], s20  }
0x9e: {  	_ =	swait.ge [sflag:s22], s20  }
0x9f: {  	s4 =	ssub.s32 $0x0, s20;
	[sflag:s22] =	ssyncset.done $0x0  }
0xa0: {  	[sflag:s22] =	ssyncadd.s32 s4;
	_ =	sdelay $0x1  }
0xa1: {  	s23 =	simm.s32 $0x1B8B  }
0xa2: {  	_ =	swait.ge [sflag:s23], $0x1  }
0xa3: {  	[sflag:s23] =	ssyncset.done $0x0  }
0xa4: {  	s25 =	simm.s32 $0x1B8E;
	s24 =	sld [smem:$0x3FFE];
	[sflag:s23] =	ssyncadd.s32 $0xFFFFFFFF  }
0xa5: {  	s26 =	simm.s32 $execute0_lowered;
	[smem:$0x3FD2] =	sst s25  }
0xa6: {  	s5 =	sshll.u32 s26, $0x1;
	_ =	strace $0x80000046;
	[dreg:$0x1] =	wrdreg $0xFFFFFFFF  }
0xa7: {  	s28 =	simm.s32 $_size_execute0_lowered;
	s3 =	sadd.s32 s3, s5;
	[dreg:$0x0] =	wrdreg $0x0  }
0xa8: {  	s5 =	sshll.u32 s28, $0x1;
	[dreg:$0x2] =	wrdreg s3  }
0xa9: {  	[dreg:$0x3] =	wrdreg s5  }
0xaa: {  	[dreg:$0x4] =	wrdreg $0xC0  }
0xab: {  	_ =	task [dreg:s7], $0x5FFFF  }
0xac: {  	[dreg:$0x1] =	wrdreg $0xFFFFFFFF  }
0xad: {  	[dreg:$0x0] =	wrdreg $0x60  }
0xae: {  	[dreg:$0x2] =	wrdreg s2  }
0xaf: {  	[dreg:$0x3] =	wrdreg s24  }
0xb0: {  	[dreg:$0x4] =	wrdreg $0x68000  }
0xb1: {  	[dreg:$0x5] =	wrdreg $0x9  }
0xb2: {  	_ =	task.clear_ibuf [dreg:s7], $0x6FFFF;
	_ =	strace $0x90000046  }
0xb3: {  	s29 =	simm.s32 $0x9;
	_ =	strace $0x80000048  }
0xb4: {  	_ =	swait.ge [sflag:s29], $0x1  }
0xb5: {  	[sflag:s29] =	ssyncadd.s32 $0xFFFFFFFF  }
0xb6: {  	_ =	strace $0x90000048  }
0xb7: {  	_ =	sfence  }
0xb8: {  	s30 =	sld [smem:$0x0];
	_ =	sdelay $0x2  }
0xb9: {  	s31 =	sshll.u32 s1, $0xD;
	s1 =	sshrl.u32 s1, $0x2  }
0xba: {  	s3 =	sand.u32 $0x4000, s31;
	s1 =	sadd.s32 s1, s30  }
0xbb: {  	s0 =	sor.u32 s3, s0;
	s1 =	sshll.u32 s1, $0x11  }
0xbc: {  	s0 =	sor.u32 s1, s0  }
0xbd: {  	s0 =	sadd.s32 $0x8F2B, s0  }
0xbe: {  	[sflag:s0] =	ssyncadd.remote.s32 $0x1  }
0xbf: {  	_ =	sfence.sel $0xFFFF  }
0xc0: {  	[dreg:$0x0] =	wrdreg $0xFFFFFFFF;
	(pc) =	sbr.abs _section_cstart, $3  }
0xc1: {  	[dreg:$0x1] =	wrdreg $0xFFFFFFFF  }
0xc2: {  	_ =	task.clear_ibuf [dreg:s7], $0x2FFFF;
	_ =	strace $0x9FFFFFFF  }
0xc3: {  	(tm) =	ssettm $0x7FFFFFFF  }
tec
execute0_lowered:
.L_overlay_start_1:
0x0: {  	(tag) =	ssettag $0x1  }
0x1: {  	s6 =	rddreg [dreg:$0x0]  }
0x2: {  	s7 =	rddreg [dreg:$0x1]  }
0x3: {  	s1 =	rddreg [dreg:$0x2]  }
0x4: {  	s0 =	rddreg [dreg:$0x3];
	s3 =	simm.s32 $0x0;
	s2 =	srdreg.scid  }
0x5: {  	s12 =	simm.s32 $0x2800;
	s13 =	simm.s32 $0x80;
	s14 =	simm.s32 $0x0  }
0x6: {  	[smem:$0x7FF] =	sst s3;
	s8 =	sand.u32 $0x1, s2;
	s2 =	stileid.u32  }
0x7: {  	s4 =	sadd.s32 $0xE600, s7;
	s5 =	sadd.s32 $0xDE00, s7;
	s9 =	smul.u32 $0x140000, s8  }
0x8: {  	_ =	strace $0x80000047;
	s10 =	smul.u32 $0x14000, s2;
	s11 =	sshll.u32 s2, $0x1  }
0x9: {  	s29 =	smul.u32 $0x50000, s2;
	s31 =	sshll.u32 s2, $0x6;
	s28 =	sor.u32 s8, s11  }
0xa: {  	s8 =	ssub.s32 $0x2, s8;
	s9 =	sadd.s32 s10, s9;
	s10 =	smul.u32 $0x500, s28  }
0xb: {  	s30 =	sshrl.u32 s8, $0x1;
	s11 =	sshrl.u32 s29, $0x2;
	s9 =	sshrl.u32 s9, $0x3  }
0xc: {  	s8 =	ssub.s32 s8, s30;
	s11 =	sadd.s32 s11, s1;
	s7 =	sadd.s32 s9, s7  }
0xd: {  	s6 =	sadd.s32 s6, s10;
	s8 =	smax.u32 s8, $0x1;
	s9 =	simm.s32 $0x1  }
0xe: {  	s10 =	sor.u32 $0x1C01, s31;
	s11 =	sshrl.u32 s11, $0x3;
	s7 =	sadd.s32 $0x10E00, s7  }
.LBB2_1:
0xf: {  	[tilespmem:s3], [sflag:$0x1] =	stream.linear.gather [hbm4b:s6+s3], $0x2800, $0x38;
	[tilespmem:$0x1A800] =	vst v63  }
0x10: {  	_ =	swait.ge [sflag:s9], $0x2800  }
0x11: {  	[sflag:s9] =	ssyncset.done $0x0  }
0x12: {  	[sflag:s9] =	ssyncadd.s32 $0xFFFFD800  }
0x13: {  	[spmem:s11], [sflag:s10] =	dma.local [hbm:s4], $0x2800  }
0x14: {  	_ =	swait.ge [sflag:s9], $0x2800  }
0x15: {  	[sflag:s9] =	ssyncset.done $0x0  }
0x16: {  	[sflag:s9] =	ssyncadd.s32 $0xFFFFD800  }
0x17: {  	[tilespmem:s12], [sflag:$0x1] =	stream.linear.gather [hbm4b:s5+s3], $0x4000, $0x38;
	[tilespmem:$0x1A800] =	vst v63  }
0x18: {  	_ =	swait.ge [sflag:s9], $0x4000  }
0x19: {  	[sflag:s9] =	ssyncset.done $0x0  }
0x1a: {  	[sflag:s9] =	ssyncadd.s32 $0xFFFFC000  }
0x1b: {  	s15 =	simm.s32 $0x0;
	[bflag:$0x0] =	sbarrier.arrive $0xFFFF  }
0x1c: {  	[spmem:s1] =	stream.indirect.scatter.add.f32 [tilespmem:s12], [sflag:$0x1], $0x80, s15, s13, $0xb8;
	[tilespmem:$0x1A800] =	vst v63  }
0x1d: {  	_ =	swait.ge [sflag:s9], $0x4000  }
0x1e: {  	s15 =	simm.s32 $0x200;
	[sflag:s9] =	ssyncset.done $0x0  }
.LBB2_2:
0x1f: {  	s16 =	sshra.s32 s15, $0x2;
	[sflag:s9] =	ssyncadd.s32 $0xFFFFC000;
	p0 =	sne.s32 s15, $0x9E00  }
0x20: {  	[spmem:s1] =	stream.indirect.scatter.add.f32 [tilespmem:s12], [sflag:$0x1], $0x80, s16, s13, $0xb8;
	[tilespmem:$0x1A800] =	vst v63  }
.Ltmp0:
0x21: {  	_ = 	snop;
	(pc) =	sbr.rel @p0 .LBB2_2-.Ltmp0, $4  }
0x22: {  	_ = 	snop  }
0x23: {  	s15 =	sadd.s32 $0x200, s15  }
0x24: {  	_ =	swait.ge [sflag:s9], $0x4000  }
0x25: {  	[sflag:s9] =	ssyncset.done $0x0  }
0x26: {  	s14 =	sadd.s32 $0x1, s14  }
0x27: {  	[sflag:s9] =	ssyncadd.s32 $0xFFFFC000;
	p0 =	sne.s32 s14, s8  }
.Ltmp1:
0x28: {  	[bflag:$0x0] =	sbarrier.arrive $0xFFFF;
	(pc) =	sbr.rel @p0 .LBB2_1-.Ltmp1, $4  }
0x29: {  	[hbm:s7], [sflag:s10] =	dma.local [spmem:s11], $0x2800  }
0x2a: {  	_ =	swait.ge [sflag:s9], $0x2800  }
0x2b: {  	[sflag:s9] =	ssyncset.done $0x0  }
0x2c: {  	[sflag:s9] =	ssyncadd.s32 $0xFFFFD800  }
0x2d: {  	_ =	sfence.sel $0x180000  }
0x2e: {  	[bflag:$0x0] =	sbarrier.arrive $0xFFFF  }
0x2f: {  	p0 =	sne.s32 s2, $0x0;
	_ =	strace $0x90000047  }
0x30: {  	s0 =	sadd.s32 @!p0 $0x100000, s0;
	[bflag:$0x2] =	sbarrier.arrive $0xFFFF  }
0x31: {  	[sflag:s0] =	ssyncadd.tile.s32 @!p0 $0x1;
	_ =	shalt  }
.Lfunc_end2:
_tile_overlayer_lowered:
.L_overlay_start_2:
0x32: {  	(tag) =	ssettag $0x2  }
0x33: {  	s0 =	rddreg [dreg:$0x0];
	s2 =	stileid.u32  }
0x34: {  	s1 =	rddreg [dreg:$0x1];
	p0 =	sne.s32 s2, $0x0  }
0x35: {  	s3 =	rddreg [dreg:$0x2];
	[bflag:$0x3] =	sbarrier.arrive $0xFFFF;
	s2 =	simm.s32 @!p0 $0x1C01  }
0x36: {  	[timem:s3], [sflag:s2] =	dma.local @!p0 [hbm:s0], s1  }
0x37: {  	s0 =	simm.s32 @!p0 $0x1  }
0x38: {  	_ =	swait.ge @!p0 [sflag:s0], s1  }
0x39: {  	s1 =	ssub.s32 @!p0 $0x0, s1;
	[sflag:s0] =	ssyncset.done @!p0 $0x0  }
0x3a: {  	[sflag:s0] =	ssyncadd.s32 @!p0 s1  }
0x3b: {  	[bflag:$0x3] =	sbarrier.arrive $0xFFFF  }
0x3c: {  	_ =	shalt  }

</sc_bundles>
